<compile_context>
chip_gen: v7x
topology: tpu7x:2x2x1
jax: 0.10.2.dev20260603
libtpu: 0.0.44.dev20260713+nightly
codegen_flags: <defaults>
</compile_context>

<pallas_src>
import jax
import jax.numpy as jnp
from jax import lax
from jax.experimental import pallas as pl
from jax.experimental.pallas import tpu as pltpu
from jax.experimental.pallas import tpu_sc as plsc

_NC = 2
_NS = 16
_NW = _NC * _NS
_LANES = 16

_E = 320000
_D = 128
_VPR = _D // _LANES
_PER_W = _E // _NW
_CHUNK = 48
_NFULL = _PER_W // _CHUNK
_TAIL = _PER_W - _NFULL * _CHUNK
_IVPC = _CHUNK // _LANES

_NROW = 10000
_ZSTAGE = 624

_SHUF_DNUMS = lax.GatherDimensionNumbers(
    offset_dims=(), collapsed_slice_dims=(0,), start_index_map=(0,))


def _shuffle(v, perm):
    return lax.gather(v, perm[:, None], _SHUF_DNUMS, slice_sizes=(1,),
                      mode=lax.GatherScatterMode.PROMISE_IN_BOUNDS)


def _softmax_rows(n, src_rows, dst_rows, out_rows):

    @plsc.parallel_loop(0, n, unroll=2)
    def edge_body(e):
        ex = [jnp.exp(jnp.minimum(
            src_rows[e, pl.ds(j * _LANES, _LANES)]
            * dst_rows[e, pl.ds(j * _LANES, _LANES)], 80.0))
            for j in range(_VPR)]
        s = ex[0]
        for j in range(1, _VPR):
            s = s + ex[j]
        for sh in (8, 4, 2, 1):
            perm = lax.iota(jnp.int32, 16) ^ sh
            s = s + _shuffle(s, perm)
        r = 1.0 / s
        for j in range(_VPR):
            out_rows[e, pl.ds(j * _LANES, _LANES)] = ex[j] * r


def _sc_body(z_hbm, pidx_hbm, out_hbm,
             z_sp, pidx_v, si0, si1, di0, di1,
             sr0, sr1, dr0, dr1, or0, or1,
             ss0, ss1, sd0, sd1, sw0, sw1):
    sid = lax.axis_index("s")
    wid = sid * _NC + lax.axis_index("c")
    w_base = wid * _PER_W

    pltpu.sync_copy(z_hbm.at[pl.ds(sid * _ZSTAGE, _ZSTAGE)],
                    z_sp.at[pl.ds(sid * _ZSTAGE, _ZSTAGE)])

    @pl.when(sid == 0)
    def _():
        pltpu.sync_copy(z_hbm.at[pl.ds(_NS * _ZSTAGE, _NROW - _NS * _ZSTAGE)],
                        z_sp.at[pl.ds(_NS * _ZSTAGE, _NROW - _NS * _ZSTAGE)])

    pltpu.sync_copy(pidx_hbm.at[pl.ds(w_base, _PER_W)], pidx_v)
    plsc.subcore_barrier()

    src_idx = (si0, si1)
    dst_idx = (di0, di1)
    src_rows = (sr0, sr1)
    dst_rows = (dr0, dr1)
    out_rows = (or0, or1)
    sem_s = (ss0, ss1)
    sem_d = (sd0, sd1)
    sem_w = (sw0, sw1)

    def unpack_idx(i, b, n_vregs):
        for k in range(n_vregs):
            w = pidx_v[pl.ds(i * _CHUNK + k * _LANES, _LANES)]
            src_idx[b][pl.ds(k * _LANES, _LANES)] = w & 0xFFFF
            dst_idx[b][pl.ds(k * _LANES, _LANES)] = (
                lax.shift_right_logical(w, 16))

    def gather(i, b):
        unpack_idx(i, b, _IVPC)
        pltpu.make_async_copy(
            z_sp.at[src_idx[b]], src_rows[b], sem_s[b]).start()
        pltpu.make_async_copy(
            z_sp.at[dst_idx[b]], dst_rows[b], sem_d[b]).start()

    def wait_gather(b):
        pltpu.make_async_copy(
            z_sp.at[src_idx[b]], src_rows[b], sem_s[b]).wait()
        pltpu.make_async_copy(
            z_sp.at[dst_idx[b]], dst_rows[b], sem_d[b]).wait()

    def writeback(i, b):
        pltpu.make_async_copy(
            out_rows[b], out_hbm.at[pl.ds(w_base + i * _CHUNK, _CHUNK)],
            sem_w[b]).start()

    def wait_writeback(i, b):
        pltpu.make_async_copy(
            out_rows[b], out_hbm.at[pl.ds(w_base + i * _CHUNK, _CHUNK)],
            sem_w[b]).wait()

    gather(0, 0)

    def pair_body(p, carry):
        for b in (0, 1):
            i = 2 * p + b

            @pl.when(i + 1 < _NFULL)
            def _():
                gather(i + 1, 1 - b)

            wait_gather(b)

            @pl.when(i >= 2)
            def _():
                wait_writeback(i - 2, b)

            _softmax_rows(_CHUNK, src_rows[b], dst_rows[b], out_rows[b])
            writeback(i, b)
        return carry

    lax.fori_loop(0, _NFULL // 2, pair_body, 0)

    t_base = w_base + _NFULL * _CHUNK
    unpack_idx(_NFULL, 0, _TAIL // _LANES)
    pltpu.async_copy(
        z_sp.at[si0.at[pl.ds(0, _TAIL)]], sr0.at[pl.ds(0, _TAIL)], ss0).wait()
    pltpu.async_copy(
        z_sp.at[di0.at[pl.ds(0, _TAIL)]], dr0.at[pl.ds(0, _TAIL)], sd0).wait()
    wait_writeback(_NFULL - 2, 0)
    _softmax_rows(_TAIL, sr0, dr0, or0)
    pltpu.sync_copy(or0.at[pl.ds(0, _TAIL)], out_hbm.at[pl.ds(t_base, _TAIL)])
    wait_writeback(_NFULL - 1, 1)


def _decode(z, packed_idx):
    mesh = plsc.VectorSubcoreMesh(core_axis_name="c", subcore_axis_name="s",
                                  num_cores=_NC, num_subcores=_NS)
    return pl.kernel(
        _sc_body,
        out_type=jax.ShapeDtypeStruct((_E, _D), jnp.float32),
        mesh=mesh,
        scratch_types=[
            pltpu.VMEM_SHARED((_NROW, _D), jnp.float32),
            pltpu.VMEM((_PER_W,), jnp.int32),
            pltpu.VMEM((_CHUNK,), jnp.int32),
            pltpu.VMEM((_CHUNK,), jnp.int32),
            pltpu.VMEM((_CHUNK,), jnp.int32),
            pltpu.VMEM((_CHUNK,), jnp.int32),
            pltpu.VMEM((_CHUNK, _D), jnp.float32),
            pltpu.VMEM((_CHUNK, _D), jnp.float32),
            pltpu.VMEM((_CHUNK, _D), jnp.float32),
            pltpu.VMEM((_CHUNK, _D), jnp.float32),
            pltpu.VMEM((_CHUNK, _D), jnp.float32),
            pltpu.VMEM((_CHUNK, _D), jnp.float32),
            pltpu.SemaphoreType.DMA,
            pltpu.SemaphoreType.DMA,
            pltpu.SemaphoreType.DMA,
            pltpu.SemaphoreType.DMA,
            pltpu.SemaphoreType.DMA,
            pltpu.SemaphoreType.DMA,
        ],
    )(z, packed_idx)


def kernel(z, edge_index):
    ei = edge_index.astype(jnp.int32)
    packed = ei[0] | (ei[1] << 16)
    return _decode(z, packed)

# --- scband reference (transcript-rebuilt; emitter-appended) ---
"""Pipeline reference for scband-multi-class-inner-product-decoder-72834055406402 (READ-ONLY COPY).

The authoritative reference and input builder live on the scoring server;
editing this copy changes nothing except your own understanding.
"""

import jax, jax.numpy as jnp
import numpy as np


def setup_inputs(seed: int = 0) -> dict:
    key = jax.random.key(seed)
    k1, k2 = jax.random.split(key)
    z = jax.random.normal(k1, (10000, 128), dtype=jnp.float32)
    edge_index = jax.random.randint(k2, (2, 320000), 0, 10000, dtype=jnp.int64)
    return {"z": z, "edge_index": edge_index}


def reference(z, edge_index):
    # value = z[edge_index[0]] * z[edge_index[1]]  (gather + elementwise mul)
    src = jnp.take(z, edge_index[0], axis=0)
    dst = jnp.take(z, edge_index[1], axis=0)
    value = src * dst
    # softmax over the relation dimension (dim=1)
    return jax.nn.softmax(value, axis=1)

if __name__ == "__main__":
    import jax
    _d = setup_inputs()
    print(jax.jit(kernel)(*tuple(_d.values())))

</pallas_src>

<mosaic_0001>
#map = affine_map<(d0, d1) -> (0, 0)>
#map1 = affine_map<(d0, d1) -> (0)>
module attributes {stable_mosaic.version = 14 : i64} {
  func.func @_sc_body(%arg0: i32, %arg1: i32, %arg2: memref<10000x128xf32, #tpu.memory_space<hbm>>, %arg3: memref<320000xi32, #tpu.memory_space<hbm>>, %arg4: memref<320000x128xf32, #tpu.memory_space<hbm>>, %arg5: memref<10000x128xf32, #tpu.memory_space<vmem_shared>>, %arg6: memref<10000xi32, #tpu.memory_space<vmem>>, %arg7: memref<48xi32, #tpu.memory_space<vmem>>, %arg8: memref<48xi32, #tpu.memory_space<vmem>>, %arg9: memref<48xi32, #tpu.memory_space<vmem>>, %arg10: memref<48xi32, #tpu.memory_space<vmem>>, %arg11: memref<48x128xf32, #tpu.memory_space<vmem>>, %arg12: memref<48x128xf32, #tpu.memory_space<vmem>>, %arg13: memref<48x128xf32, #tpu.memory_space<vmem>>, %arg14: memref<48x128xf32, #tpu.memory_space<vmem>>, %arg15: memref<48x128xf32, #tpu.memory_space<vmem>>, %arg16: memref<48x128xf32, #tpu.memory_space<vmem>>, %arg17: memref<!tpu.dma_semaphore, #tpu.memory_space<semaphore_mem>>, %arg18: memref<!tpu.dma_semaphore, #tpu.memory_space<semaphore_mem>>, %arg19: memref<!tpu.dma_semaphore, #tpu.memory_space<semaphore_mem>>, %arg20: memref<!tpu.dma_semaphore, #tpu.memory_space<semaphore_mem>>, %arg21: memref<!tpu.dma_semaphore, #tpu.memory_space<semaphore_mem>>, %arg22: memref<!tpu.dma_semaphore, #tpu.memory_space<semaphore_mem>>) attributes {dimension_semantics = [#tpu.dimension_semantics<core_parallel>, #tpu.dimension_semantics<subcore_parallel>], iteration_bounds = array<i64: 2, 16>, scalar_prefetch = 0 : i64, scratch_operands = 18 : i64, tpu.core_type = #tpu.core_type<sc_vector_subcore>, window_params = [{transform_indices = #map}, {transform_indices = #map1}, {transform_indices = #map}]} {
    %mul3A = arith.constant 2 : i32
    %mul3A_0 = arith.muli %arg1, %mul3A : i32
    %add3A = arith.addi %mul3A_0, %arg0 : i32
    %mul3A_1 = arith.constant 10000 : i32
    %mul3A_2 = arith.muli %add3A, %mul3A_1 : i32
    %mul3A_3 = arith.constant 624 : i32
    %mul3A_4 = arith.muli %arg1, %mul3A_3 : i32
    %mul3A_5 = arith.constant 624 : i32
    %mul3A_6 = arith.muli %arg1, %mul3A_5 : i32
    "tpu.region"() ({
      %run_scoped3A = tpu.sem_alloc : memref<!tpu.dma_semaphore, #tpu.memory_space<semaphore_mem>>
      %dma_start3A_130 = arith.constant 0 : i32
      %dma_start3A_131 = tpu.memref_slice %arg5[%mul3A_6, %dma_start3A_130] : memref<10000x128xf32, #tpu.memory_space<vmem_shared>> -> memref<624x128xf32, #tpu.memory_space<vmem_shared>>
      %dma_start3A_132 = arith.constant 0 : i32
      %dma_start3A_133 = tpu.memref_slice %arg2[%mul3A_4, %dma_start3A_132] : memref<10000x128xf32, #tpu.memory_space<hbm>> -> memref<624x128xf32, #tpu.memory_space<hbm>>
      tpu.enqueue_dma source(%dma_start3A_133 : memref<624x128xf32, #tpu.memory_space<hbm>>) target(%dma_start3A_131 : memref<624x128xf32, #tpu.memory_space<vmem_shared>>) target_semaphore(%run_scoped3A : memref<!tpu.dma_semaphore, #tpu.memory_space<semaphore_mem>>)
      %dma_wait3A_134 = arith.constant 0 : i32
      %dma_wait3A_135 = tpu.memref_slice %arg5[%mul3A_6, %dma_wait3A_134] : memref<10000x128xf32, #tpu.memory_space<vmem_shared>> -> memref<624x128xf32, #tpu.memory_space<vmem_shared>>
      %dma_wait3A_136 = arith.constant 0 : i32
      %dma_wait3A_137 = tpu.memref_slice %arg2[%mul3A_4, %dma_wait3A_136] : memref<10000x128xf32, #tpu.memory_space<hbm>> -> memref<624x128xf32, #tpu.memory_space<hbm>>
      tpu.wait_dma2 semaphore(%run_scoped3A : memref<!tpu.dma_semaphore, #tpu.memory_space<semaphore_mem>>) src(%dma_wait3A_137 : memref<624x128xf32, #tpu.memory_space<hbm>>) dst(%dma_wait3A_135 : memref<624x128xf32, #tpu.memory_space<vmem_shared>>)
      tpu.yield
    }) : () -> ()
    %eq3A = arith.constant 0 : i32
    %eq3A_7 = arith.cmpi eq, %arg1, %eq3A : i32
    %convert_element_type3A = arith.extui %eq3A_7 : i1 to i32
    %cond3A = arith.constant 0 : i32
    %cond3A_8 = arith.cmpi ne, %convert_element_type3A, %cond3A : i32
    scf.if %cond3A_8 {
      "tpu.region"() ({
        %run_scoped3A = tpu.sem_alloc : memref<!tpu.dma_semaphore, #tpu.memory_space<semaphore_mem>>
        %dma_start3A_130 = arith.constant 9984 : i32
        %dma_start3A_131 = arith.constant 0 : i32
        %dma_start3A_132 = tpu.memref_slice %arg5[%dma_start3A_130, %dma_start3A_131] : memref<10000x128xf32, #tpu.memory_space<vmem_shared>> -> memref<16x128xf32, #tpu.memory_space<vmem_shared>>
        %dma_start3A_133 = arith.constant 9984 : i32
        %dma_start3A_134 = arith.constant 0 : i32
        %dma_start3A_135 = tpu.memref_slice %arg2[%dma_start3A_133, %dma_start3A_134] : memref<10000x128xf32, #tpu.memory_space<hbm>> -> memref<16x128xf32, #tpu.memory_space<hbm>>
        tpu.enqueue_dma source(%dma_start3A_135 : memref<16x128xf32, #tpu.memory_space<hbm>>) target(%dma_start3A_132 : memref<16x128xf32, #tpu.memory_space<vmem_shared>>) target_semaphore(%run_scoped3A : memref<!tpu.dma_semaphore, #tpu.memory_space<semaphore_mem>>)
        %dma_wait3A_136 = arith.constant 9984 : i32
        %dma_wait3A_137 = arith.constant 0 : i32
        %dma_wait3A_138 = tpu.memref_slice %arg5[%dma_wait3A_136, %dma_wait3A_137] : memref<10000x128xf32, #tpu.memory_space<vmem_shared>> -> memref<16x128xf32, #tpu.memory_space<vmem_shared>>
        %dma_wait3A_139 = arith.constant 9984 : i32
        %dma_wait3A_140 = arith.constant 0 : i32
        %dma_wait3A_141 = tpu.memref_slice %arg2[%dma_wait3A_139, %dma_wait3A_140] : memref<10000x128xf32, #tpu.memory_space<hbm>> -> memref<16x128xf32, #tpu.memory_space<hbm>>
        tpu.wait_dma2 semaphore(%run_scoped3A : memref<!tpu.dma_semaphore, #tpu.memory_space<semaphore_mem>>) src(%dma_wait3A_141 : memref<16x128xf32, #tpu.memory_space<hbm>>) dst(%dma_wait3A_138 : memref<16x128xf32, #tpu.memory_space<vmem_shared>>)
        tpu.yield
      }) : () -> ()
    } else {
    }
    "tpu.region"() ({
      %run_scoped3A = tpu.sem_alloc : memref<!tpu.dma_semaphore, #tpu.memory_space<semaphore_mem>>
      %dma_start3A_130 = tpu.memref_slice %arg3[%mul3A_2] : memref<320000xi32, #tpu.memory_space<hbm>> -> memref<10000xi32, #tpu.memory_space<hbm>>
      %dma_start3A_131 = tpu.memref_slice %arg3[%mul3A_2] : memref<320000xi32, #tpu.memory_space<hbm>> -> memref<10000xi32, #tpu.memory_space<hbm>>
      tpu.enqueue_dma source(%dma_start3A_131 : memref<10000xi32, #tpu.memory_space<hbm>>) target(%arg6 : memref<10000xi32, #tpu.memory_space<vmem>>) target_semaphore(%run_scoped3A : memref<!tpu.dma_semaphore, #tpu.memory_space<semaphore_mem>>)
      %dma_wait3A_132 = tpu.memref_slice %arg3[%mul3A_2] : memref<320000xi32, #tpu.memory_space<hbm>> -> memref<10000xi32, #tpu.memory_space<hbm>>
      %dma_wait3A_133 = tpu.memref_slice %arg3[%mul3A_2] : memref<320000xi32, #tpu.memory_space<hbm>> -> memref<10000xi32, #tpu.memory_space<hbm>>
      tpu.wait_dma2 semaphore(%run_scoped3A : memref<!tpu.dma_semaphore, #tpu.memory_space<semaphore_mem>>) src(%dma_wait3A_133 : memref<10000xi32, #tpu.memory_space<hbm>>) dst(%arg6 : memref<10000xi32, #tpu.memory_space<vmem>>)
      tpu.yield
    }) : () -> ()
    %barrier3A = arith.constant 0 : index
    tpu.barrier barrier_id(%barrier3A)
    %get3A = arith.constant 0 : index
    %get3A_9 = tpu.vector_load %arg6[%get3A] {strides = array<i32>} : memref<10000xi32, #tpu.memory_space<vmem>>, vector<16xi32>,
    %get3A_10 = vector.shape_cast %get3A_9 : vector<16xi32> to vector<16xi32>
    %and3A = arith.constant 65535 : i32
    %and3A_11 = vector.broadcast %and3A : i32 to vector<16xi32>
    %and3A_12 = arith.andi %get3A_10, %and3A_11 : vector<16xi32>
    %swap3A = arith.constant 0 : index
    %swap3A_13 = tpu.vector_load %arg7[%swap3A] {strides = array<i32>} : memref<48xi32, #tpu.memory_space<vmem>>, vector<16xi32>,
    %swap3A_14 = vector.shape_cast %swap3A_13 : vector<16xi32> to vector<16xi32>
    %swap3A_15 = vector.shape_cast %and3A_12 : vector<16xi32> to vector<16xi32>
    tpu.vector_store %arg7[%swap3A], %swap3A_15 {strides = array<i32>} : memref<48xi32, #tpu.memory_space<vmem>>, vector<16xi32>,
    %shift_right_logical3A = arith.constant 16 : i32
    %shift_right_logical3A_16 = vector.broadcast %shift_right_logical3A : i32 to vector<16xi32>
    %shift_right_logical3A_17 = arith.shrui %get3A_10, %shift_right_logical3A_16 : vector<16xi32>
    %swap3A_18 = arith.constant 0 : index
    %swap3A_19 = tpu.vector_load %arg9[%swap3A_18] {strides = array<i32>} : memref<48xi32, #tpu.memory_space<vmem>>, vector<16xi32>,
    %swap3A_20 = vector.shape_cast %swap3A_19 : vector<16xi32> to vector<16xi32>
    %swap3A_21 = vector.shape_cast %shift_right_logical3A_17 : vector<16xi32> to vector<16xi32>
    tpu.vector_store %arg9[%swap3A_18], %swap3A_21 {strides = array<i32>} : memref<48xi32, #tpu.memory_space<vmem>>, vector<16xi32>,
    %get3A_22 = arith.constant 16 : index
    %get3A_23 = tpu.vector_load %arg6[%get3A_22] {strides = array<i32>} : memref<10000xi32, #tpu.memory_space<vmem>>, vector<16xi32>,
    %get3A_24 = vector.shape_cast %get3A_23 : vector<16xi32> to vector<16xi32>
    %and3A_25 = arith.constant 65535 : i32
    %and3A_26 = vector.broadcast %and3A_25 : i32 to vector<16xi32>
    %and3A_27 = arith.andi %get3A_24, %and3A_26 : vector<16xi32>
    %swap3A_28 = arith.constant 16 : index
    %swap3A_29 = tpu.vector_load %arg7[%swap3A_28] {strides = array<i32>} : memref<48xi32, #tpu.memory_space<vmem>>, vector<16xi32>,
    %swap3A_30 = vector.shape_cast %swap3A_29 : vector<16xi32> to vector<16xi32>
    %swap3A_31 = vector.shape_cast %and3A_27 : vector<16xi32> to vector<16xi32>
    tpu.vector_store %arg7[%swap3A_28], %swap3A_31 {strides = array<i32>} : memref<48xi32, #tpu.memory_space<vmem>>, vector<16xi32>,
    %shift_right_logical3A_32 = arith.constant 16 : i32
    %shift_right_logical3A_33 = vector.broadcast %shift_right_logical3A_32 : i32 to vector<16xi32>
    %shift_right_logical3A_34 = arith.shrui %get3A_24, %shift_right_logical3A_33 : vector<16xi32>
    %swap3A_35 = arith.constant 16 : index
    %swap3A_36 = tpu.vector_load %arg9[%swap3A_35] {strides = array<i32>} : memref<48xi32, #tpu.memory_space<vmem>>, vector<16xi32>,
    %swap3A_37 = vector.shape_cast %swap3A_36 : vector<16xi32> to vector<16xi32>
    %swap3A_38 = vector.shape_cast %shift_right_logical3A_34 : vector<16xi32> to vector<16xi32>
    tpu.vector_store %arg9[%swap3A_35], %swap3A_38 {strides = array<i32>} : memref<48xi32, #tpu.memory_space<vmem>>, vector<16xi32>,
    %get3A_39 = arith.constant 32 : index
    %get3A_40 = tpu.vector_load %arg6[%get3A_39] {strides = array<i32>} : memref<10000xi32, #tpu.memory_space<vmem>>, vector<16xi32>,
    %get3A_41 = vector.shape_cast %get3A_40 : vector<16xi32> to vector<16xi32>
    %and3A_42 = arith.constant 65535 : i32
    %and3A_43 = vector.broadcast %and3A_42 : i32 to vector<16xi32>
    %and3A_44 = arith.andi %get3A_41, %and3A_43 : vector<16xi32>
    %swap3A_45 = arith.constant 32 : index
    %swap3A_46 = tpu.vector_load %arg7[%swap3A_45] {strides = array<i32>} : memref<48xi32, #tpu.memory_space<vmem>>, vector<16xi32>,
    %swap3A_47 = vector.shape_cast %swap3A_46 : vector<16xi32> to vector<16xi32>
    %swap3A_48 = vector.shape_cast %and3A_44 : vector<16xi32> to vector<16xi32>
    tpu.vector_store %arg7[%swap3A_45], %swap3A_48 {strides = array<i32>} : memref<48xi32, #tpu.memory_space<vmem>>, vector<16xi32>,
    %shift_right_logical3A_49 = arith.constant 16 : i32
    %shift_right_logical3A_50 = vector.broadcast %shift_right_logical3A_49 : i32 to vector<16xi32>
    %shift_right_logical3A_51 = arith.shrui %get3A_41, %shift_right_logical3A_50 : vector<16xi32>
    %swap3A_52 = arith.constant 32 : index
    %swap3A_53 = tpu.vector_load %arg9[%swap3A_52] {strides = array<i32>} : memref<48xi32, #tpu.memory_space<vmem>>, vector<16xi32>,
    %swap3A_54 = vector.shape_cast %swap3A_53 : vector<16xi32> to vector<16xi32>
    %swap3A_55 = vector.shape_cast %shift_right_logical3A_51 : vector<16xi32> to vector<16xi32>
    tpu.vector_store %arg9[%swap3A_52], %swap3A_55 {strides = array<i32>} : memref<48xi32, #tpu.memory_space<vmem>>, vector<16xi32>,
    %dma_start3A = arith.constant 0 : i32
    %dma_start3A_56 = arith.constant 0 : i32
    %dma_start3A_57 = tpu.memref_slice %arg5[%dma_start3A, %dma_start3A_56] : memref<10000x128xf32, #tpu.memory_space<vmem_shared>> -> memref<10000x128xf32, #tpu.memory_space<vmem_shared>>
    tpu.enqueue_indirect_dma source(%dma_start3A_57 : memref<10000x128xf32, #tpu.memory_space<vmem_shared>>) target(%arg11 : memref<48x128xf32, #tpu.memory_space<vmem>>) offsets(%arg7 : memref<48xi32, #tpu.memory_space<vmem>>) semaphore(%arg17 : memref<!tpu.dma_semaphore, #tpu.memory_space<semaphore_mem>>)
    %dma_start3A_58 = arith.constant 0 : i32
    %dma_start3A_59 = arith.constant 0 : i32
    %dma_start3A_60 = tpu.memref_slice %arg5[%dma_start3A_58, %dma_start3A_59] : memref<10000x128xf32, #tpu.memory_space<vmem_shared>> -> memref<10000x128xf32, #tpu.memory_space<vmem_shared>>
    tpu.enqueue_indirect_dma source(%dma_start3A_60 : memref<10000x128xf32, #tpu.memory_space<vmem_shared>>) target(%arg13 : memref<48x128xf32, #tpu.memory_space<vmem>>) offsets(%arg9 : memref<48xi32, #tpu.memory_space<vmem>>) semaphore(%arg19 : memref<!tpu.dma_semaphore, #tpu.memory_space<semaphore_mem>>)
    %scan3A = arith.constant 0 : i32
    %scan3A_61 = arith.constant 0 : i32
    %scan3A_62 = arith.constant 104 : i32
    %scan3A_63 = arith.addi %scan3A_61, %scan3A_62 : i32
    %scan3A_64 = arith.constant 1 : i32
    scf.for %scan3A_130 = %scan3A_61 to %scan3A_63 step %scan3A_64  : i32 {
      %mul3A_131 = arith.constant 2 : i32
      %mul3A_132 = arith.muli %mul3A_131, %scan3A_130 : i32
      %add3A_133 = arith.constant 0 : i32
      %add3A_134 = arith.addi %mul3A_132, %add3A_133 : i32
      %add3A_135 = arith.constant 1 : i32
      %add3A_136 = arith.addi %add3A_134, %add3A_135 : i32
      %lt3A = arith.constant 208 : i32
      %lt3A_137 = arith.cmpi slt, %add3A_136, %lt3A : i32
      %convert_element_type3A_138 = arith.extui %lt3A_137 : i1 to i32
      %cond3A_139 = arith.constant 0 : i32
      %cond3A_140 = arith.cmpi ne, %convert_element_type3A_138, %cond3A_139 : i32
      scf.if %cond3A_140 {
        %add3A_193 = arith.constant 1 : i32
        %add3A_194 = arith.addi %add3A_134, %add3A_193 : i32
        %mul3A_195 = arith.constant 48 : i32
        %mul3A_196 = arith.muli %add3A_194, %mul3A_195 : i32
        %add3A_197 = arith.constant 0 : i32
        %add3A_198 = arith.addi %mul3A_196, %add3A_197 : i32
        %get3A_199 = arith.index_cast %add3A_198 : i32 to index
        %get3A_200 = tpu.vector_load %arg6[%get3A_199] {strides = array<i32>} : memref<10000xi32, #tpu.memory_space<vmem>>, vector<16xi32>,
        %get3A_201 = vector.shape_cast %get3A_200 : vector<16xi32> to vector<16xi32>
        %and3A_202 = arith.constant 65535 : i32
        %and3A_203 = vector.broadcast %and3A_202 : i32 to vector<16xi32>
        %and3A_204 = arith.andi %get3A_201, %and3A_203 : vector<16xi32>
        %swap3A_205 = arith.constant 0 : index
        %swap3A_206 = tpu.vector_load %arg8[%swap3A_205] {strides = array<i32>} : memref<48xi32, #tpu.memory_space<vmem>>, vector<16xi32>,
        %swap3A_207 = vector.shape_cast %swap3A_206 : vector<16xi32> to vector<16xi32>
        %swap3A_208 = vector.shape_cast %and3A_204 : vector<16xi32> to vector<16xi32>
        tpu.vector_store %arg8[%swap3A_205], %swap3A_208 {strides = array<i32>} : memref<48xi32, #tpu.memory_space<vmem>>, vector<16xi32>,
        %shift_right_logical3A_209 = arith.constant 16 : i32
        %shift_right_logical3A_210 = vector.broadcast %shift_right_logical3A_209 : i32 to vector<16xi32>
        %shift_right_logical3A_211 = arith.shrui %get3A_201, %shift_right_logical3A_210 : vector<16xi32>
        %swap3A_212 = arith.constant 0 : index
        %swap3A_213 = tpu.vector_load %arg10[%swap3A_212] {strides = array<i32>} : memref<48xi32, #tpu.memory_space<vmem>>, vector<16xi32>,
        %swap3A_214 = vector.shape_cast %swap3A_213 : vector<16xi32> to vector<16xi32>
        %swap3A_215 = vector.shape_cast %shift_right_logical3A_211 : vector<16xi32> to vector<16xi32>
        tpu.vector_store %arg10[%swap3A_212], %swap3A_215 {strides = array<i32>} : memref<48xi32, #tpu.memory_space<vmem>>, vector<16xi32>,
        %mul3A_216 = arith.constant 48 : i32
        %mul3A_217 = arith.muli %add3A_194, %mul3A_216 : i32
        %add3A_218 = arith.constant 16 : i32
        %add3A_219 = arith.addi %mul3A_217, %add3A_218 : i32
        %get3A_220 = arith.index_cast %add3A_219 : i32 to index
        %get3A_221 = tpu.vector_load %arg6[%get3A_220] {strides = array<i32>} : memref<10000xi32, #tpu.memory_space<vmem>>, vector<16xi32>,
        %get3A_222 = vector.shape_cast %get3A_221 : vector<16xi32> to vector<16xi32>
        %and3A_223 = arith.constant 65535 : i32
        %and3A_224 = vector.broadcast %and3A_223 : i32 to vector<16xi32>
        %and3A_225 = arith.andi %get3A_222, %and3A_224 : vector<16xi32>
        %swap3A_226 = arith.constant 16 : index
        %swap3A_227 = tpu.vector_load %arg8[%swap3A_226] {strides = array<i32>} : memref<48xi32, #tpu.memory_space<vmem>>, vector<16xi32>,
        %swap3A_228 = vector.shape_cast %swap3A_227 : vector<16xi32> to vector<16xi32>
        %swap3A_229 = vector.shape_cast %and3A_225 : vector<16xi32> to vector<16xi32>
        tpu.vector_store %arg8[%swap3A_226], %swap3A_229 {strides = array<i32>} : memref<48xi32, #tpu.memory_space<vmem>>, vector<16xi32>,
        %shift_right_logical3A_230 = arith.constant 16 : i32
        %shift_right_logical3A_231 = vector.broadcast %shift_right_logical3A_230 : i32 to vector<16xi32>
        %shift_right_logical3A_232 = arith.shrui %get3A_222, %shift_right_logical3A_231 : vector<16xi32>
        %swap3A_233 = arith.constant 16 : index
        %swap3A_234 = tpu.vector_load %arg10[%swap3A_233] {strides = array<i32>} : memref<48xi32, #tpu.memory_space<vmem>>, vector<16xi32>,
        %swap3A_235 = vector.shape_cast %swap3A_234 : vector<16xi32> to vector<16xi32>
        %swap3A_236 = vector.shape_cast %shift_right_logical3A_232 : vector<16xi32> to vector<16xi32>
        tpu.vector_store %arg10[%swap3A_233], %swap3A_236 {strides = array<i32>} : memref<48xi32, #tpu.memory_space<vmem>>, vector<16xi32>,
        %mul3A_237 = arith.constant 48 : i32
        %mul3A_238 = arith.muli %add3A_194, %mul3A_237 : i32
        %add3A_239 = arith.constant 32 : i32
        %add3A_240 = arith.addi %mul3A_238, %add3A_239 : i32
        %get3A_241 = arith.index_cast %add3A_240 : i32 to index
        %get3A_242 = tpu.vector_load %arg6[%get3A_241] {strides = array<i32>} : memref<10000xi32, #tpu.memory_space<vmem>>, vector<16xi32>,
        %get3A_243 = vector.shape_cast %get3A_242 : vector<16xi32> to vector<16xi32>
        %and3A_244 = arith.constant 65535 : i32
        %and3A_245 = vector.broadcast %and3A_244 : i32 to vector<16xi32>
        %and3A_246 = arith.andi %get3A_243, %and3A_245 : vector<16xi32>
        %swap3A_247 = arith.constant 32 : index
        %swap3A_248 = tpu.vector_load %arg8[%swap3A_247] {strides = array<i32>} : memref<48xi32, #tpu.memory_space<vmem>>, vector<16xi32>,
        %swap3A_249 = vector.shape_cast %swap3A_248 : vector<16xi32> to vector<16xi32>
        %swap3A_250 = vector.shape_cast %and3A_246 : vector<16xi32> to vector<16xi32>
        tpu.vector_store %arg8[%swap3A_247], %swap3A_250 {strides = array<i32>} : memref<48xi32, #tpu.memory_space<vmem>>, vector<16xi32>,
        %shift_right_logical3A_251 = arith.constant 16 : i32
        %shift_right_logical3A_252 = vector.broadcast %shift_right_logical3A_251 : i32 to vector<16xi32>
        %shift_right_logical3A_253 = arith.shrui %get3A_243, %shift_right_logical3A_252 : vector<16xi32>
        %swap3A_254 = arith.constant 32 : index
        %swap3A_255 = tpu.vector_load %arg10[%swap3A_254] {strides = array<i32>} : memref<48xi32, #tpu.memory_space<vmem>>, vector<16xi32>,
        %swap3A_256 = vector.shape_cast %swap3A_255 : vector<16xi32> to vector<16xi32>
        %swap3A_257 = vector.shape_cast %shift_right_logical3A_253 : vector<16xi32> to vector<16xi32>
        tpu.vector_store %arg10[%swap3A_254], %swap3A_257 {strides = array<i32>} : memref<48xi32, #tpu.memory_space<vmem>>, vector<16xi32>,
        %dma_start3A_258 = arith.constant 0 : i32
        %dma_start3A_259 = arith.constant 0 : i32
        %dma_start3A_260 = tpu.memref_slice %arg5[%dma_start3A_258, %dma_start3A_259] : memref<10000x128xf32, #tpu.memory_space<vmem_shared>> -> memref<10000x128xf32, #tpu.memory_space<vmem_shared>>
        tpu.enqueue_indirect_dma source(%dma_start3A_260 : memref<10000x128xf32, #tpu.memory_space<vmem_shared>>) target(%arg12 : memref<48x128xf32, #tpu.memory_space<vmem>>) offsets(%arg8 : memref<48xi32, #tpu.memory_space<vmem>>) semaphore(%arg18 : memref<!tpu.dma_semaphore, #tpu.memory_space<semaphore_mem>>)
        %dma_start3A_261 = arith.constant 0 : i32
        %dma_start3A_262 = arith.constant 0 : i32
        %dma_start3A_263 = tpu.memref_slice %arg5[%dma_start3A_261, %dma_start3A_262] : memref<10000x128xf32, #tpu.memory_space<vmem_shared>> -> memref<10000x128xf32, #tpu.memory_space<vmem_shared>>
        tpu.enqueue_indirect_dma source(%dma_start3A_263 : memref<10000x128xf32, #tpu.memory_space<vmem_shared>>) target(%arg14 : memref<48x128xf32, #tpu.memory_space<vmem>>) offsets(%arg10 : memref<48xi32, #tpu.memory_space<vmem>>) semaphore(%arg20 : memref<!tpu.dma_semaphore, #tpu.memory_space<semaphore_mem>>)
      } else {
      }
      %dma_wait3A_141 = arith.constant 0 : i32
      %dma_wait3A_142 = arith.constant 0 : i32
      %dma_wait3A_143 = tpu.memref_slice %arg5[%dma_wait3A_141, %dma_wait3A_142] : memref<10000x128xf32, #tpu.memory_space<vmem_shared>> -> memref<10000x128xf32, #tpu.memory_space<vmem_shared>>
      tpu.wait_indirect_dma semaphore(%arg17 : memref<!tpu.dma_semaphore, #tpu.memory_space<semaphore_mem>>) src(%dma_wait3A_143 : memref<10000x128xf32, #tpu.memory_space<vmem_shared>>) dst(%arg11 : memref<48x128xf32, #tpu.memory_space<vmem>>)
      %dma_wait3A_144 = arith.constant 0 : i32
      %dma_wait3A_145 = arith.constant 0 : i32
      %dma_wait3A_146 = tpu.memref_slice %arg5[%dma_wait3A_144, %dma_wait3A_145] : memref<10000x128xf32, #tpu.memory_space<vmem_shared>> -> memref<10000x128xf32, #tpu.memory_space<vmem_shared>>
      tpu.wait_indirect_dma semaphore(%arg19 : memref<!tpu.dma_semaphore, #tpu.memory_space<semaphore_mem>>) src(%dma_wait3A_146 : memref<10000x128xf32, #tpu.memory_space<vmem_shared>>) dst(%arg13 : memref<48x128xf32, #tpu.memory_space<vmem>>)
      %ge3A = arith.constant 2 : i32
      %ge3A_147 = arith.cmpi sge, %add3A_134, %ge3A : i32
      %convert_element_type3A_148 = arith.extui %ge3A_147 : i1 to i32
      %cond3A_149 = arith.constant 0 : i32
      %cond3A_150 = arith.cmpi ne, %convert_element_type3A_148, %cond3A_149 : i32
      scf.if %cond3A_150 {
        %sub3A = arith.constant 2 : i32
        %sub3A_193 = arith.subi %add3A_134, %sub3A : i32
        %mul3A_194 = arith.constant 48 : i32
        %mul3A_195 = arith.muli %sub3A_193, %mul3A_194 : i32
        %add3A_196 = arith.addi %mul3A_2, %mul3A_195 : i32
        %dma_wait3A_197 = arith.constant 0 : i32
        %dma_wait3A_198 = tpu.memref_slice %arg4[%add3A_196, %dma_wait3A_197] : memref<320000x128xf32, #tpu.memory_space<hbm>> -> memref<48x128xf32, #tpu.memory_space<hbm>>
        %dma_wait3A_199 = arith.constant 0 : i32
        %dma_wait3A_200 = tpu.memref_slice %arg4[%add3A_196, %dma_wait3A_199] : memref<320000x128xf32, #tpu.memory_space<hbm>> -> memref<48x128xf32, #tpu.memory_space<hbm>>
        tpu.wait_dma2 semaphore(%arg21 : memref<!tpu.dma_semaphore, #tpu.memory_space<semaphore_mem>>) src(%arg15 : memref<48x128xf32, #tpu.memory_space<vmem>>) dst(%dma_wait3A_200 : memref<48x128xf32, #tpu.memory_space<hbm>>)
      } else {
      }
      %parallel_loop3A_151 = arith.constant 0 : i32
      %parallel_loop3A_152 = arith.constant 48 : i32
      %parallel_loop3A_153 = arith.constant 1 : i32
      scf.for %parallel_loop3A_193 = %parallel_loop3A_151 to %parallel_loop3A_152 step %parallel_loop3A_153  : i32 {
        %parallel_loop3A_194 = arith.index_cast %parallel_loop3A_193 : i32 to index
        %parallel_loop3A_195 = arith.constant 0 : index
        %parallel_loop3A_196 = tpu.vector_load %arg11[%parallel_loop3A_194, %parallel_loop3A_195] {strides = array<i32>} : memref<48x128xf32, #tpu.memory_space<vmem>>, vector<1x16xf32>,
        %parallel_loop3A_197 = vector.shape_cast %parallel_loop3A_196 : vector<1x16xf32> to vector<16xf32>
        %parallel_loop3A_198 = arith.index_cast %parallel_loop3A_193 : i32 to index
        %parallel_loop3A_199 = arith.constant 0 : index
        %parallel_loop3A_200 = tpu.vector_load %arg13[%parallel_loop3A_198, %parallel_loop3A_199] {strides = array<i32>} : memref<48x128xf32, #tpu.memory_space<vmem>>, vector<1x16xf32>,
        %parallel_loop3A_201 = vector.shape_cast %parallel_loop3A_200 : vector<1x16xf32> to vector<16xf32>
        %parallel_loop3A_202 = arith.mulf %parallel_loop3A_197, %parallel_loop3A_201 : vector<16xf32>
        %parallel_loop3A_203 = arith.constant 8.000000e+01 : f32
        %parallel_loop3A_204 = vector.broadcast %parallel_loop3A_203 : f32 to vector<16xf32>
        %parallel_loop3A_205 = arith.minimumf %parallel_loop3A_202, %parallel_loop3A_204 : vector<16xf32>
        %parallel_loop3A_206 = math.exp %parallel_loop3A_205 : vector<16xf32>
        %parallel_loop3A_207 = arith.index_cast %parallel_loop3A_193 : i32 to index
        %parallel_loop3A_208 = arith.constant 16 : index
        %parallel_loop3A_209 = tpu.vector_load %arg11[%parallel_loop3A_207, %parallel_loop3A_208] {strides = array<i32>} : memref<48x128xf32, #tpu.memory_space<vmem>>, vector<1x16xf32>,
        %parallel_loop3A_210 = vector.shape_cast %parallel_loop3A_209 : vector<1x16xf32> to vector<16xf32>
        %parallel_loop3A_211 = arith.index_cast %parallel_loop3A_193 : i32 to index
        %parallel_loop3A_212 = arith.constant 16 : index
        %parallel_loop3A_213 = tpu.vector_load %arg13[%parallel_loop3A_211, %parallel_loop3A_212] {strides = array<i32>} : memref<48x128xf32, #tpu.memory_space<vmem>>, vector<1x16xf32>,
        %parallel_loop3A_214 = vector.shape_cast %parallel_loop3A_213 : vector<1x16xf32> to vector<16xf32>
        %parallel_loop3A_215 = arith.mulf %parallel_loop3A_210, %parallel_loop3A_214 : vector<16xf32>
        %parallel_loop3A_216 = arith.constant 8.000000e+01 : f32
        %parallel_loop3A_217 = vector.broadcast %parallel_loop3A_216 : f32 to vector<16xf32>
        %parallel_loop3A_218 = arith.minimumf %parallel_loop3A_215, %parallel_loop3A_217 : vector<16xf32>
        %parallel_loop3A_219 = math.exp %parallel_loop3A_218 : vector<16xf32>
        %parallel_loop3A_220 = arith.index_cast %parallel_loop3A_193 : i32 to index
        %parallel_loop3A_221 = arith.constant 32 : index
        %parallel_loop3A_222 = tpu.vector_load %arg11[%parallel_loop3A_220, %parallel_loop3A_221] {strides = array<i32>} : memref<48x128xf32, #tpu.memory_space<vmem>>, vector<1x16xf32>,
        %parallel_loop3A_223 = vector.shape_cast %parallel_loop3A_222 : vector<1x16xf32> to vector<16xf32>
        %parallel_loop3A_224 = arith.index_cast %parallel_loop3A_193 : i32 to index
        %parallel_loop3A_225 = arith.constant 32 : index
        %parallel_loop3A_226 = tpu.vector_load %arg13[%parallel_loop3A_224, %parallel_loop3A_225] {strides = array<i32>} : memref<48x128xf32, #tpu.memory_space<vmem>>, vector<1x16xf32>,
        %parallel_loop3A_227 = vector.shape_cast %parallel_loop3A_226 : vector<1x16xf32> to vector<16xf32>
        %parallel_loop3A_228 = arith.mulf %parallel_loop3A_223, %parallel_loop3A_227 : vector<16xf32>
        %parallel_loop3A_229 = arith.constant 8.000000e+01 : f32
        %parallel_loop3A_230 = vector.broadcast %parallel_loop3A_229 : f32 to vector<16xf32>
        %parallel_loop3A_231 = arith.minimumf %parallel_loop3A_228, %parallel_loop3A_230 : vector<16xf32>
        %parallel_loop3A_232 = math.exp %parallel_loop3A_231 : vector<16xf32>
        %parallel_loop3A_233 = arith.index_cast %parallel_loop3A_193 : i32 to index
        %parallel_loop3A_234 = arith.constant 48 : index
        %parallel_loop3A_235 = tpu.vector_load %arg11[%parallel_loop3A_233, %parallel_loop3A_234] {strides = array<i32>} : memref<48x128xf32, #tpu.memory_space<vmem>>, vector<1x16xf32>,
        %parallel_loop3A_236 = vector.shape_cast %parallel_loop3A_235 : vector<1x16xf32> to vector<16xf32>
        %parallel_loop3A_237 = arith.index_cast %parallel_loop3A_193 : i32 to index
        %parallel_loop3A_238 = arith.constant 48 : index
        %parallel_loop3A_239 = tpu.vector_load %arg13[%parallel_loop3A_237, %parallel_loop3A_238] {strides = array<i32>} : memref<48x128xf32, #tpu.memory_space<vmem>>, vector<1x16xf32>,
        %parallel_loop3A_240 = vector.shape_cast %parallel_loop3A_239 : vector<1x16xf32> to vector<16xf32>
        %parallel_loop3A_241 = arith.mulf %parallel_loop3A_236, %parallel_loop3A_240 : vector<16xf32>
        %parallel_loop3A_242 = arith.constant 8.000000e+01 : f32
        %parallel_loop3A_243 = vector.broadcast %parallel_loop3A_242 : f32 to vector<16xf32>
        %parallel_loop3A_244 = arith.minimumf %parallel_loop3A_241, %parallel_loop3A_243 : vector<16xf32>
        %parallel_loop3A_245 = math.exp %parallel_loop3A_244 : vector<16xf32>
        %parallel_loop3A_246 = arith.index_cast %parallel_loop3A_193 : i32 to index
        %parallel_loop3A_247 = arith.constant 64 : index
        %parallel_loop3A_248 = tpu.vector_load %arg11[%parallel_loop3A_246, %parallel_loop3A_247] {strides = array<i32>} : memref<48x128xf32, #tpu.memory_space<vmem>>, vector<1x16xf32>,
        %parallel_loop3A_249 = vector.shape_cast %parallel_loop3A_248 : vector<1x16xf32> to vector<16xf32>
        %parallel_loop3A_250 = arith.index_cast %parallel_loop3A_193 : i32 to index
        %parallel_loop3A_251 = arith.constant 64 : index
        %parallel_loop3A_252 = tpu.vector_load %arg13[%parallel_loop3A_250, %parallel_loop3A_251] {strides = array<i32>} : memref<48x128xf32, #tpu.memory_space<vmem>>, vector<1x16xf32>,
        %parallel_loop3A_253 = vector.shape_cast %parallel_loop3A_252 : vector<1x16xf32> to vector<16xf32>
        %parallel_loop3A_254 = arith.mulf %parallel_loop3A_249, %parallel_loop3A_253 : vector<16xf32>
        %parallel_loop3A_255 = arith.constant 8.000000e+01 : f32
        %parallel_loop3A_256 = vector.broadcast %parallel_loop3A_255 : f32 to vector<16xf32>
        %parallel_loop3A_257 = arith.minimumf %parallel_loop3A_254, %parallel_loop3A_256 : vector<16xf32>
        %parallel_loop3A_258 = math.exp %parallel_loop3A_257 : vector<16xf32>
        %parallel_loop3A_259 = arith.index_cast %parallel_loop3A_193 : i32 to index
        %parallel_loop3A_260 = arith.constant 80 : index
        %parallel_loop3A_261 = tpu.vector_load %arg11[%parallel_loop3A_259, %parallel_loop3A_260] {strides = array<i32>} : memref<48x128xf32, #tpu.memory_space<vmem>>, vector<1x16xf32>,
        %parallel_loop3A_262 = vector.shape_cast %parallel_loop3A_261 : vector<1x16xf32> to vector<16xf32>
        %parallel_loop3A_263 = arith.index_cast %parallel_loop3A_193 : i32 to index
        %parallel_loop3A_264 = arith.constant 80 : index
        %parallel_loop3A_265 = tpu.vector_load %arg13[%parallel_loop3A_263, %parallel_loop3A_264] {strides = array<i32>} : memref<48x128xf32, #tpu.memory_space<vmem>>, vector<1x16xf32>,
        %parallel_loop3A_266 = vector.shape_cast %parallel_loop3A_265 : vector<1x16xf32> to vector<16xf32>
        %parallel_loop3A_267 = arith.mulf %parallel_loop3A_262, %parallel_loop3A_266 : vector<16xf32>
        %parallel_loop3A_268 = arith.constant 8.000000e+01 : f32
        %parallel_loop3A_269 = vector.broadcast %parallel_loop3A_268 : f32 to vector<16xf32>
        %parallel_loop3A_270 = arith.minimumf %parallel_loop3A_267, %parallel_loop3A_269 : vector<16xf32>
        %parallel_loop3A_271 = math.exp %parallel_loop3A_270 : vector<16xf32>
        %parallel_loop3A_272 = arith.index_cast %parallel_loop3A_193 : i32 to index
        %parallel_loop3A_273 = arith.constant 96 : index
        %parallel_loop3A_274 = tpu.vector_load %arg11[%parallel_loop3A_272, %parallel_loop3A_273] {strides = array<i32>} : memref<48x128xf32, #tpu.memory_space<vmem>>, vector<1x16xf32>,
        %parallel_loop3A_275 = vector.shape_cast %parallel_loop3A_274 : vector<1x16xf32> to vector<16xf32>
        %parallel_loop3A_276 = arith.index_cast %parallel_loop3A_193 : i32 to index
        %parallel_loop3A_277 = arith.constant 96 : index
        %parallel_loop3A_278 = tpu.vector_load %arg13[%parallel_loop3A_276, %parallel_loop3A_277] {strides = array<i32>} : memref<48x128xf32, #tpu.memory_space<vmem>>, vector<1x16xf32>,
        %parallel_loop3A_279 = vector.shape_cast %parallel_loop3A_278 : vector<1x16xf32> to vector<16xf32>
        %parallel_loop3A_280 = arith.mulf %parallel_loop3A_275, %parallel_loop3A_279 : vector<16xf32>
        %parallel_loop3A_281 = arith.constant 8.000000e+01 : f32
        %parallel_loop3A_282 = vector.broadcast %parallel_loop3A_281 : f32 to vector<16xf32>
        %parallel_loop3A_283 = arith.minimumf %parallel_loop3A_280, %parallel_loop3A_282 : vector<16xf32>
        %parallel_loop3A_284 = math.exp %parallel_loop3A_283 : vector<16xf32>
        %parallel_loop3A_285 = arith.index_cast %parallel_loop3A_193 : i32 to index
        %parallel_loop3A_286 = arith.constant 112 : index
        %parallel_loop3A_287 = tpu.vector_load %arg11[%parallel_loop3A_285, %parallel_loop3A_286] {strides = array<i32>} : memref<48x128xf32, #tpu.memory_space<vmem>>, vector<1x16xf32>,
        %parallel_loop3A_288 = vector.shape_cast %parallel_loop3A_287 : vector<1x16xf32> to vector<16xf32>
        %parallel_loop3A_289 = arith.index_cast %parallel_loop3A_193 : i32 to index
        %parallel_loop3A_290 = arith.constant 112 : index
        %parallel_loop3A_291 = tpu.vector_load %arg13[%parallel_loop3A_289, %parallel_loop3A_290] {strides = array<i32>} : memref<48x128xf32, #tpu.memory_space<vmem>>, vector<1x16xf32>,
        %parallel_loop3A_292 = vector.shape_cast %parallel_loop3A_291 : vector<1x16xf32> to vector<16xf32>
        %parallel_loop3A_293 = arith.mulf %parallel_loop3A_288, %parallel_loop3A_292 : vector<16xf32>
        %parallel_loop3A_294 = arith.constant 8.000000e+01 : f32
        %parallel_loop3A_295 = vector.broadcast %parallel_loop3A_294 : f32 to vector<16xf32>
        %parallel_loop3A_296 = arith.minimumf %parallel_loop3A_293, %parallel_loop3A_295 : vector<16xf32>
        %parallel_loop3A_297 = math.exp %parallel_loop3A_296 : vector<16xf32>
        %parallel_loop3A_298 = arith.addf %parallel_loop3A_206, %parallel_loop3A_219 : vector<16xf32>
        %parallel_loop3A_299 = arith.addf %parallel_loop3A_298, %parallel_loop3A_232 : vector<16xf32>
        %parallel_loop3A_300 = arith.addf %parallel_loop3A_299, %parallel_loop3A_245 : vector<16xf32>
        %parallel_loop3A_301 = arith.addf %parallel_loop3A_300, %parallel_loop3A_258 : vector<16xf32>
        %parallel_loop3A_302 = arith.addf %parallel_loop3A_301, %parallel_loop3A_271 : vector<16xf32>
        %parallel_loop3A_303 = arith.addf %parallel_loop3A_302, %parallel_loop3A_284 : vector<16xf32>
        %parallel_loop3A_304 = arith.addf %parallel_loop3A_303, %parallel_loop3A_297 : vector<16xf32>
        %parallel_loop3A_305 = tpu.iota {dimensions = array<i32: 0>} : vector<16xi32>
        %parallel_loop3A_306 = arith.constant 8 : i32
        %parallel_loop3A_307 = vector.broadcast %parallel_loop3A_306 : i32 to vector<16xi32>
        %parallel_loop3A_308 = arith.xori %parallel_loop3A_305, %parallel_loop3A_307 : vector<16xi32>
        %parallel_loop3A_309 = vector.shape_cast %parallel_loop3A_308 : vector<16xi32> to vector<16x1xi32>
        %parallel_loop3A_310 = vector.shape_cast %parallel_loop3A_309 : vector<16x1xi32> to vector<16xi32>
        %parallel_loop3A_311 = tpu.dynamic_gather %parallel_loop3A_304[%parallel_loop3A_310] in [0] : vector<16xf32>, vector<16xi32> -> vector<16xf32>
        %parallel_loop3A_312 = arith.addf %parallel_loop3A_304, %parallel_loop3A_311 : vector<16xf32>
        %parallel_loop3A_313 = tpu.iota {dimensions = array<i32: 0>} : vector<16xi32>
        %parallel_loop3A_314 = arith.constant 4 : i32
        %parallel_loop3A_315 = vector.broadcast %parallel_loop3A_314 : i32 to vector<16xi32>
        %parallel_loop3A_316 = arith.xori %parallel_loop3A_313, %parallel_loop3A_315 : vector<16xi32>
        %parallel_loop3A_317 = vector.shape_cast %parallel_loop3A_316 : vector<16xi32> to vector<16x1xi32>
        %parallel_loop3A_318 = vector.shape_cast %parallel_loop3A_317 : vector<16x1xi32> to vector<16xi32>
        %parallel_loop3A_319 = tpu.dynamic_gather %parallel_loop3A_312[%parallel_loop3A_318] in [0] : vector<16xf32>, vector<16xi32> -> vector<16xf32>
        %parallel_loop3A_320 = arith.addf %parallel_loop3A_312, %parallel_loop3A_319 : vector<16xf32>
        %parallel_loop3A_321 = tpu.iota {dimensions = array<i32: 0>} : vector<16xi32>
        %parallel_loop3A_322 = arith.constant 2 : i32
        %parallel_loop3A_323 = vector.broadcast %parallel_loop3A_322 : i32 to vector<16xi32>
        %parallel_loop3A_324 = arith.xori %parallel_loop3A_321, %parallel_loop3A_323 : vector<16xi32>
        %parallel_loop3A_325 = vector.shape_cast %parallel_loop3A_324 : vector<16xi32> to vector<16x1xi32>
        %parallel_loop3A_326 = vector.shape_cast %parallel_loop3A_325 : vector<16x1xi32> to vector<16xi32>
        %parallel_loop3A_327 = tpu.dynamic_gather %parallel_loop3A_320[%parallel_loop3A_326] in [0] : vector<16xf32>, vector<16xi32> -> vector<16xf32>
        %parallel_loop3A_328 = arith.addf %parallel_loop3A_320, %parallel_loop3A_327 : vector<16xf32>
        %parallel_loop3A_329 = tpu.iota {dimensions = array<i32: 0>} : vector<16xi32>
        %parallel_loop3A_330 = arith.constant 1 : i32
        %parallel_loop3A_331 = vector.broadcast %parallel_loop3A_330 : i32 to vector<16xi32>
        %parallel_loop3A_332 = arith.xori %parallel_loop3A_329, %parallel_loop3A_331 : vector<16xi32>
        %parallel_loop3A_333 = vector.shape_cast %parallel_loop3A_332 : vector<16xi32> to vector<16x1xi32>
        %parallel_loop3A_334 = vector.shape_cast %parallel_loop3A_333 : vector<16x1xi32> to vector<16xi32>
        %parallel_loop3A_335 = tpu.dynamic_gather %parallel_loop3A_328[%parallel_loop3A_334] in [0] : vector<16xf32>, vector<16xi32> -> vector<16xf32>
        %parallel_loop3A_336 = arith.addf %parallel_loop3A_328, %parallel_loop3A_335 : vector<16xf32>
        %parallel_loop3A_337 = arith.constant 1.000000e+00 : f32
        %parallel_loop3A_338 = vector.broadcast %parallel_loop3A_337 : f32 to vector<16xf32>
        %parallel_loop3A_339 = arith.divf %parallel_loop3A_338, %parallel_loop3A_336 : vector<16xf32>
        %parallel_loop3A_340 = arith.mulf %parallel_loop3A_206, %parallel_loop3A_339 : vector<16xf32>
        %parallel_loop3A_341 = arith.index_cast %parallel_loop3A_193 : i32 to index
        %parallel_loop3A_342 = arith.constant 0 : index
        %parallel_loop3A_343 = tpu.vector_load %arg15[%parallel_loop3A_341, %parallel_loop3A_342] {strides = array<i32>} : memref<48x128xf32, #tpu.memory_space<vmem>>, vector<1x16xf32>,
        %parallel_loop3A_344 = vector.shape_cast %parallel_loop3A_343 : vector<1x16xf32> to vector<16xf32>
        %parallel_loop3A_345 = vector.shape_cast %parallel_loop3A_340 : vector<16xf32> to vector<1x16xf32>
        tpu.vector_store %arg15[%parallel_loop3A_341, %parallel_loop3A_342], %parallel_loop3A_345 {strides = array<i32>} : memref<48x128xf32, #tpu.memory_space<vmem>>, vector<1x16xf32>,
        %parallel_loop3A_346 = arith.mulf %parallel_loop3A_219, %parallel_loop3A_339 : vector<16xf32>
        %parallel_loop3A_347 = arith.index_cast %parallel_loop3A_193 : i32 to index
        %parallel_loop3A_348 = arith.constant 16 : index
        %parallel_loop3A_349 = tpu.vector_load %arg15[%parallel_loop3A_347, %parallel_loop3A_348] {strides = array<i32>} : memref<48x128xf32, #tpu.memory_space<vmem>>, vector<1x16xf32>,
        %parallel_loop3A_350 = vector.shape_cast %parallel_loop3A_349 : vector<1x16xf32> to vector<16xf32>
        %parallel_loop3A_351 = vector.shape_cast %parallel_loop3A_346 : vector<16xf32> to vector<1x16xf32>
        tpu.vector_store %arg15[%parallel_loop3A_347, %parallel_loop3A_348], %parallel_loop3A_351 {strides = array<i32>} : memref<48x128xf32, #tpu.memory_space<vmem>>, vector<1x16xf32>,
        %parallel_loop3A_352 = arith.mulf %parallel_loop3A_232, %parallel_loop3A_339 : vector<16xf32>
        %parallel_loop3A_353 = arith.index_cast %parallel_loop3A_193 : i32 to index
        %parallel_loop3A_354 = arith.constant 32 : index
        %parallel_loop3A_355 = tpu.vector_load %arg15[%parallel_loop3A_353, %parallel_loop3A_354] {strides = array<i32>} : memref<48x128xf32, #tpu.memory_space<vmem>>, vector<1x16xf32>,
        %parallel_loop3A_356 = vector.shape_cast %parallel_loop3A_355 : vector<1x16xf32> to vector<16xf32>
        %parallel_loop3A_357 = vector.shape_cast %parallel_loop3A_352 : vector<16xf32> to vector<1x16xf32>
        tpu.vector_store %arg15[%parallel_loop3A_353, %parallel_loop3A_354], %parallel_loop3A_357 {strides = array<i32>} : memref<48x128xf32, #tpu.memory_space<vmem>>, vector<1x16xf32>,
        %parallel_loop3A_358 = arith.mulf %parallel_loop3A_245, %parallel_loop3A_339 : vector<16xf32>
        %parallel_loop3A_359 = arith.index_cast %parallel_loop3A_193 : i32 to index
        %parallel_loop3A_360 = arith.constant 48 : index
        %parallel_loop3A_361 = tpu.vector_load %arg15[%parallel_loop3A_359, %parallel_loop3A_360] {strides = array<i32>} : memref<48x128xf32, #tpu.memory_space<vmem>>, vector<1x16xf32>,
        %parallel_loop3A_362 = vector.shape_cast %parallel_loop3A_361 : vector<1x16xf32> to vector<16xf32>
        %parallel_loop3A_363 = vector.shape_cast %parallel_loop3A_358 : vector<16xf32> to vector<1x16xf32>
        tpu.vector_store %arg15[%parallel_loop3A_359, %parallel_loop3A_360], %parallel_loop3A_363 {strides = array<i32>} : memref<48x128xf32, #tpu.memory_space<vmem>>, vector<1x16xf32>,
        %parallel_loop3A_364 = arith.mulf %parallel_loop3A_258, %parallel_loop3A_339 : vector<16xf32>
        %parallel_loop3A_365 = arith.index_cast %parallel_loop3A_193 : i32 to index
        %parallel_loop3A_366 = arith.constant 64 : index
        %parallel_loop3A_367 = tpu.vector_load %arg15[%parallel_loop3A_365, %parallel_loop3A_366] {strides = array<i32>} : memref<48x128xf32, #tpu.memory_space<vmem>>, vector<1x16xf32>,
        %parallel_loop3A_368 = vector.shape_cast %parallel_loop3A_367 : vector<1x16xf32> to vector<16xf32>
        %parallel_loop3A_369 = vector.shape_cast %parallel_loop3A_364 : vector<16xf32> to vector<1x16xf32>
        tpu.vector_store %arg15[%parallel_loop3A_365, %parallel_loop3A_366], %parallel_loop3A_369 {strides = array<i32>} : memref<48x128xf32, #tpu.memory_space<vmem>>, vector<1x16xf32>,
        %parallel_loop3A_370 = arith.mulf %parallel_loop3A_271, %parallel_loop3A_339 : vector<16xf32>
        %parallel_loop3A_371 = arith.index_cast %parallel_loop3A_193 : i32 to index
        %parallel_loop3A_372 = arith.constant 80 : index
        %parallel_loop3A_373 = tpu.vector_load %arg15[%parallel_loop3A_371, %parallel_loop3A_372] {strides = array<i32>} : memref<48x128xf32, #tpu.memory_space<vmem>>, vector<1x16xf32>,
        %parallel_loop3A_374 = vector.shape_cast %parallel_loop3A_373 : vector<1x16xf32> to vector<16xf32>
        %parallel_loop3A_375 = vector.shape_cast %parallel_loop3A_370 : vector<16xf32> to vector<1x16xf32>
        tpu.vector_store %arg15[%parallel_loop3A_371, %parallel_loop3A_372], %parallel_loop3A_375 {strides = array<i32>} : memref<48x128xf32, #tpu.memory_space<vmem>>, vector<1x16xf32>,
        %parallel_loop3A_376 = arith.mulf %parallel_loop3A_284, %parallel_loop3A_339 : vector<16xf32>
        %parallel_loop3A_377 = arith.index_cast %parallel_loop3A_193 : i32 to index
        %parallel_loop3A_378 = arith.constant 96 : index
        %parallel_loop3A_379 = tpu.vector_load %arg15[%parallel_loop3A_377, %parallel_loop3A_378] {strides = array<i32>} : memref<48x128xf32, #tpu.memory_space<vmem>>, vector<1x16xf32>,
        %parallel_loop3A_380 = vector.shape_cast %parallel_loop3A_379 : vector<1x16xf32> to vector<16xf32>
        %parallel_loop3A_381 = vector.shape_cast %parallel_loop3A_376 : vector<16xf32> to vector<1x16xf32>
        tpu.vector_store %arg15[%parallel_loop3A_377, %parallel_loop3A_378], %parallel_loop3A_381 {strides = array<i32>} : memref<48x128xf32, #tpu.memory_space<vmem>>, vector<1x16xf32>,
        %parallel_loop3A_382 = arith.mulf %parallel_loop3A_297, %parallel_loop3A_339 : vector<16xf32>
        %parallel_loop3A_383 = arith.index_cast %parallel_loop3A_193 : i32 to index
        %parallel_loop3A_384 = arith.constant 112 : index
        %parallel_loop3A_385 = tpu.vector_load %arg15[%parallel_loop3A_383, %parallel_loop3A_384] {strides = array<i32>} : memref<48x128xf32, #tpu.memory_space<vmem>>, vector<1x16xf32>,
        %parallel_loop3A_386 = vector.shape_cast %parallel_loop3A_385 : vector<1x16xf32> to vector<16xf32>
        %parallel_loop3A_387 = vector.shape_cast %parallel_loop3A_382 : vector<16xf32> to vector<1x16xf32>
        tpu.vector_store %arg15[%parallel_loop3A_383, %parallel_loop3A_384], %parallel_loop3A_387 {strides = array<i32>} : memref<48x128xf32, #tpu.memory_space<vmem>>, vector<1x16xf32>,
      } {sc.loop_unroll_factor = 2 : i64, sc.parallel_access}
      %mul3A_154 = arith.constant 48 : i32
      %mul3A_155 = arith.muli %add3A_134, %mul3A_154 : i32
      %add3A_156 = arith.addi %mul3A_2, %mul3A_155 : i32
      %dma_start3A_157 = arith.constant 0 : i32
      %dma_start3A_158 = tpu.memref_slice %arg4[%add3A_156, %dma_start3A_157] : memref<320000x128xf32, #tpu.memory_space<hbm>> -> memref<48x128xf32, #tpu.memory_space<hbm>>
      %dma_start3A_159 = arith.constant 0 : i32
      %dma_start3A_160 = tpu.memref_slice %arg4[%add3A_156, %dma_start3A_159] : memref<320000x128xf32, #tpu.memory_space<hbm>> -> memref<48x128xf32, #tpu.memory_space<hbm>>
      tpu.enqueue_dma source(%arg15 : memref<48x128xf32, #tpu.memory_space<vmem>>) target(%dma_start3A_160 : memref<48x128xf32, #tpu.memory_space<hbm>>) target_semaphore(%arg21 : memref<!tpu.dma_semaphore, #tpu.memory_space<semaphore_mem>>)
      %mul3A_161 = arith.constant 2 : i32
      %mul3A_162 = arith.muli %mul3A_161, %scan3A_130 : i32
      %add3A_163 = arith.constant 1 : i32
      %add3A_164 = arith.addi %mul3A_162, %add3A_163 : i32
      %add3A_165 = arith.constant 1 : i32
      %add3A_166 = arith.addi %add3A_164, %add3A_165 : i32
      %lt3A_167 = arith.constant 208 : i32
      %lt3A_168 = arith.cmpi slt, %add3A_166, %lt3A_167 : i32
      %convert_element_type3A_169 = arith.extui %lt3A_168 : i1 to i32
      %cond3A_170 = arith.constant 0 : i32
      %cond3A_171 = arith.cmpi ne, %convert_element_type3A_169, %cond3A_170 : i32
      scf.if %cond3A_171 {
        %add3A_193 = arith.constant 1 : i32
        %add3A_194 = arith.addi %add3A_164, %add3A_193 : i32
        %mul3A_195 = arith.constant 48 : i32
        %mul3A_196 = arith.muli %add3A_194, %mul3A_195 : i32
        %add3A_197 = arith.constant 0 : i32
        %add3A_198 = arith.addi %mul3A_196, %add3A_197 : i32
        %get3A_199 = arith.index_cast %add3A_198 : i32 to index
        %get3A_200 = tpu.vector_load %arg6[%get3A_199] {strides = array<i32>} : memref<10000xi32, #tpu.memory_space<vmem>>, vector<16xi32>,
        %get3A_201 = vector.shape_cast %get3A_200 : vector<16xi32> to vector<16xi32>
        %and3A_202 = arith.constant 65535 : i32
        %and3A_203 = vector.broadcast %and3A_202 : i32 to vector<16xi32>
        %and3A_204 = arith.andi %get3A_201, %and3A_203 : vector<16xi32>
        %swap3A_205 = arith.constant 0 : index
        %swap3A_206 = tpu.vector_load %arg7[%swap3A_205] {strides = array<i32>} : memref<48xi32, #tpu.memory_space<vmem>>, vector<16xi32>,
        %swap3A_207 = vector.shape_cast %swap3A_206 : vector<16xi32> to vector<16xi32>
        %swap3A_208 = vector.shape_cast %and3A_204 : vector<16xi32> to vector<16xi32>
        tpu.vector_store %arg7[%swap3A_205], %swap3A_208 {strides = array<i32>} : memref<48xi32, #tpu.memory_space<vmem>>, vector<16xi32>,
        %shift_right_logical3A_209 = arith.constant 16 : i32
        %shift_right_logical3A_210 = vector.broadcast %shift_right_logical3A_209 : i32 to vector<16xi32>
        %shift_right_logical3A_211 = arith.shrui %get3A_201, %shift_right_logical3A_210 : vector<16xi32>
        %swap3A_212 = arith.constant 0 : index
        %swap3A_213 = tpu.vector_load %arg9[%swap3A_212] {strides = array<i32>} : memref<48xi32, #tpu.memory_space<vmem>>, vector<16xi32>,
        %swap3A_214 = vector.shape_cast %swap3A_213 : vector<16xi32> to vector<16xi32>
        %swap3A_215 = vector.shape_cast %shift_right_logical3A_211 : vector<16xi32> to vector<16xi32>
        tpu.vector_store %arg9[%swap3A_212], %swap3A_215 {strides = array<i32>} : memref<48xi32, #tpu.memory_space<vmem>>, vector<16xi32>,
        %mul3A_216 = arith.constant 48 : i32
        %mul3A_217 = arith.muli %add3A_194, %mul3A_216 : i32
        %add3A_218 = arith.constant 16 : i32
        %add3A_219 = arith.addi %mul3A_217, %add3A_218 : i32
        %get3A_220 = arith.index_cast %add3A_219 : i32 to index
        %get3A_221 = tpu.vector_load %arg6[%get3A_220] {strides = array<i32>} : memref<10000xi32, #tpu.memory_space<vmem>>, vector<16xi32>,
        %get3A_222 = vector.shape_cast %get3A_221 : vector<16xi32> to vector<16xi32>
        %and3A_223 = arith.constant 65535 : i32
        %and3A_224 = vector.broadcast %and3A_223 : i32 to vector<16xi32>
        %and3A_225 = arith.andi %get3A_222, %and3A_224 : vector<16xi32>
        %swap3A_226 = arith.constant 16 : index
        %swap3A_227 = tpu.vector_load %arg7[%swap3A_226] {strides = array<i32>} : memref<48xi32, #tpu.memory_space<vmem>>, vector<16xi32>,
        %swap3A_228 = vector.shape_cast %swap3A_227 : vector<16xi32> to vector<16xi32>
        %swap3A_229 = vector.shape_cast %and3A_225 : vector<16xi32> to vector<16xi32>
        tpu.vector_store %arg7[%swap3A_226], %swap3A_229 {strides = array<i32>} : memref<48xi32, #tpu.memory_space<vmem>>, vector<16xi32>,
        %shift_right_logical3A_230 = arith.constant 16 : i32
        %shift_right_logical3A_231 = vector.broadcast %shift_right_logical3A_230 : i32 to vector<16xi32>
        %shift_right_logical3A_232 = arith.shrui %get3A_222, %shift_right_logical3A_231 : vector<16xi32>
        %swap3A_233 = arith.constant 16 : index
        %swap3A_234 = tpu.vector_load %arg9[%swap3A_233] {strides = array<i32>} : memref<48xi32, #tpu.memory_space<vmem>>, vector<16xi32>,
        %swap3A_235 = vector.shape_cast %swap3A_234 : vector<16xi32> to vector<16xi32>
        %swap3A_236 = vector.shape_cast %shift_right_logical3A_232 : vector<16xi32> to vector<16xi32>
        tpu.vector_store %arg9[%swap3A_233], %swap3A_236 {strides = array<i32>} : memref<48xi32, #tpu.memory_space<vmem>>, vector<16xi32>,
        %mul3A_237 = arith.constant 48 : i32
        %mul3A_238 = arith.muli %add3A_194, %mul3A_237 : i32
        %add3A_239 = arith.constant 32 : i32
        %add3A_240 = arith.addi %mul3A_238, %add3A_239 : i32
        %get3A_241 = arith.index_cast %add3A_240 : i32 to index
        %get3A_242 = tpu.vector_load %arg6[%get3A_241] {strides = array<i32>} : memref<10000xi32, #tpu.memory_space<vmem>>, vector<16xi32>,
        %get3A_243 = vector.shape_cast %get3A_242 : vector<16xi32> to vector<16xi32>
        %and3A_244 = arith.constant 65535 : i32
        %and3A_245 = vector.broadcast %and3A_244 : i32 to vector<16xi32>
        %and3A_246 = arith.andi %get3A_243, %and3A_245 : vector<16xi32>
        %swap3A_247 = arith.constant 32 : index
        %swap3A_248 = tpu.vector_load %arg7[%swap3A_247] {strides = array<i32>} : memref<48xi32, #tpu.memory_space<vmem>>, vector<16xi32>,
        %swap3A_249 = vector.shape_cast %swap3A_248 : vector<16xi32> to vector<16xi32>
        %swap3A_250 = vector.shape_cast %and3A_246 : vector<16xi32> to vector<16xi32>
        tpu.vector_store %arg7[%swap3A_247], %swap3A_250 {strides = array<i32>} : memref<48xi32, #tpu.memory_space<vmem>>, vector<16xi32>,
        %shift_right_logical3A_251 = arith.constant 16 : i32
        %shift_right_logical3A_252 = vector.broadcast %shift_right_logical3A_251 : i32 to vector<16xi32>
        %shift_right_logical3A_253 = arith.shrui %get3A_243, %shift_right_logical3A_252 : vector<16xi32>
        %swap3A_254 = arith.constant 32 : index
        %swap3A_255 = tpu.vector_load %arg9[%swap3A_254] {strides = array<i32>} : memref<48xi32, #tpu.memory_space<vmem>>, vector<16xi32>,
        %swap3A_256 = vector.shape_cast %swap3A_255 : vector<16xi32> to vector<16xi32>
        %swap3A_257 = vector.shape_cast %shift_right_logical3A_253 : vector<16xi32> to vector<16xi32>
        tpu.vector_store %arg9[%swap3A_254], %swap3A_257 {strides = array<i32>} : memref<48xi32, #tpu.memory_space<vmem>>, vector<16xi32>,
        %dma_start3A_258 = arith.constant 0 : i32
        %dma_start3A_259 = arith.constant 0 : i32
        %dma_start3A_260 = tpu.memref_slice %arg5[%dma_start3A_258, %dma_start3A_259] : memref<10000x128xf32, #tpu.memory_space<vmem_shared>> -> memref<10000x128xf32, #tpu.memory_space<vmem_shared>>
        tpu.enqueue_indirect_dma source(%dma_start3A_260 : memref<10000x128xf32, #tpu.memory_space<vmem_shared>>) target(%arg11 : memref<48x128xf32, #tpu.memory_space<vmem>>) offsets(%arg7 : memref<48xi32, #tpu.memory_space<vmem>>) semaphore(%arg17 : memref<!tpu.dma_semaphore, #tpu.memory_space<semaphore_mem>>)
        %dma_start3A_261 = arith.constant 0 : i32
        %dma_start3A_262 = arith.constant 0 : i32
        %dma_start3A_263 = tpu.memref_slice %arg5[%dma_start3A_261, %dma_start3A_262] : memref<10000x128xf32, #tpu.memory_space<vmem_shared>> -> memref<10000x128xf32, #tpu.memory_space<vmem_shared>>
        tpu.enqueue_indirect_dma source(%dma_start3A_263 : memref<10000x128xf32, #tpu.memory_space<vmem_shared>>) target(%arg13 : memref<48x128xf32, #tpu.memory_space<vmem>>) offsets(%arg9 : memref<48xi32, #tpu.memory_space<vmem>>) semaphore(%arg19 : memref<!tpu.dma_semaphore, #tpu.memory_space<semaphore_mem>>)
      } else {
      }
      %dma_wait3A_172 = arith.constant 0 : i32
      %dma_wait3A_173 = arith.constant 0 : i32
      %dma_wait3A_174 = tpu.memref_slice %arg5[%dma_wait3A_172, %dma_wait3A_173] : memref<10000x128xf32, #tpu.memory_space<vmem_shared>> -> memref<10000x128xf32, #tpu.memory_space<vmem_shared>>
      tpu.wait_indirect_dma semaphore(%arg18 : memref<!tpu.dma_semaphore, #tpu.memory_space<semaphore_mem>>) src(%dma_wait3A_174 : memref<10000x128xf32, #tpu.memory_space<vmem_shared>>) dst(%arg12 : memref<48x128xf32, #tpu.memory_space<vmem>>)
      %dma_wait3A_175 = arith.constant 0 : i32
      %dma_wait3A_176 = arith.constant 0 : i32
      %dma_wait3A_177 = tpu.memref_slice %arg5[%dma_wait3A_175, %dma_wait3A_176] : memref<10000x128xf32, #tpu.memory_space<vmem_shared>> -> memref<10000x128xf32, #tpu.memory_space<vmem_shared>>
      tpu.wait_indirect_dma semaphore(%arg20 : memref<!tpu.dma_semaphore, #tpu.memory_space<semaphore_mem>>) src(%dma_wait3A_177 : memref<10000x128xf32, #tpu.memory_space<vmem_shared>>) dst(%arg14 : memref<48x128xf32, #tpu.memory_space<vmem>>)
      %ge3A_178 = arith.constant 2 : i32
      %ge3A_179 = arith.cmpi sge, %add3A_164, %ge3A_178 : i32
      %convert_element_type3A_180 = arith.extui %ge3A_179 : i1 to i32
      %cond3A_181 = arith.constant 0 : i32
      %cond3A_182 = arith.cmpi ne, %convert_element_type3A_180, %cond3A_181 : i32
      scf.if %cond3A_182 {
        %sub3A = arith.constant 2 : i32
        %sub3A_193 = arith.subi %add3A_164, %sub3A : i32
        %mul3A_194 = arith.constant 48 : i32
        %mul3A_195 = arith.muli %sub3A_193, %mul3A_194 : i32
        %add3A_196 = arith.addi %mul3A_2, %mul3A_195 : i32
        %dma_wait3A_197 = arith.constant 0 : i32
        %dma_wait3A_198 = tpu.memref_slice %arg4[%add3A_196, %dma_wait3A_197] : memref<320000x128xf32, #tpu.memory_space<hbm>> -> memref<48x128xf32, #tpu.memory_space<hbm>>
        %dma_wait3A_199 = arith.constant 0 : i32
        %dma_wait3A_200 = tpu.memref_slice %arg4[%add3A_196, %dma_wait3A_199] : memref<320000x128xf32, #tpu.memory_space<hbm>> -> memref<48x128xf32, #tpu.memory_space<hbm>>
        tpu.wait_dma2 semaphore(%arg22 : memref<!tpu.dma_semaphore, #tpu.memory_space<semaphore_mem>>) src(%arg16 : memref<48x128xf32, #tpu.memory_space<vmem>>) dst(%dma_wait3A_200 : memref<48x128xf32, #tpu.memory_space<hbm>>)
      } else {
      }
      %parallel_loop3A_183 = arith.constant 0 : i32
      %parallel_loop3A_184 = arith.constant 48 : i32
      %parallel_loop3A_185 = arith.constant 1 : i32
      scf.for %parallel_loop3A_193 = %parallel_loop3A_183 to %parallel_loop3A_184 step %parallel_loop3A_185  : i32 {
        %parallel_loop3A_194 = arith.index_cast %parallel_loop3A_193 : i32 to index
        %parallel_loop3A_195 = arith.constant 0 : index
        %parallel_loop3A_196 = tpu.vector_load %arg12[%parallel_loop3A_194, %parallel_loop3A_195] {strides = array<i32>} : memref<48x128xf32, #tpu.memory_space<vmem>>, vector<1x16xf32>,
        %parallel_loop3A_197 = vector.shape_cast %parallel_loop3A_196 : vector<1x16xf32> to vector<16xf32>
        %parallel_loop3A_198 = arith.index_cast %parallel_loop3A_193 : i32 to index
        %parallel_loop3A_199 = arith.constant 0 : index
        %parallel_loop3A_200 = tpu.vector_load %arg14[%parallel_loop3A_198, %parallel_loop3A_199] {strides = array<i32>} : memref<48x128xf32, #tpu.memory_space<vmem>>, vector<1x16xf32>,
        %parallel_loop3A_201 = vector.shape_cast %parallel_loop3A_200 : vector<1x16xf32> to vector<16xf32>
        %parallel_loop3A_202 = arith.mulf %parallel_loop3A_197, %parallel_loop3A_201 : vector<16xf32>
        %parallel_loop3A_203 = arith.constant 8.000000e+01 : f32
        %parallel_loop3A_204 = vector.broadcast %parallel_loop3A_203 : f32 to vector<16xf32>
        %parallel_loop3A_205 = arith.minimumf %parallel_loop3A_202, %parallel_loop3A_204 : vector<16xf32>
        %parallel_loop3A_206 = math.exp %parallel_loop3A_205 : vector<16xf32>
        %parallel_loop3A_207 = arith.index_cast %parallel_loop3A_193 : i32 to index
        %parallel_loop3A_208 = arith.constant 16 : index
        %parallel_loop3A_209 = tpu.vector_load %arg12[%parallel_loop3A_207, %parallel_loop3A_208] {strides = array<i32>} : memref<48x128xf32, #tpu.memory_space<vmem>>, vector<1x16xf32>,
        %parallel_loop3A_210 = vector.shape_cast %parallel_loop3A_209 : vector<1x16xf32> to vector<16xf32>
        %parallel_loop3A_211 = arith.index_cast %parallel_loop3A_193 : i32 to index
        %parallel_loop3A_212 = arith.constant 16 : index
        %parallel_loop3A_213 = tpu.vector_load %arg14[%parallel_loop3A_211, %parallel_loop3A_212] {strides = array<i32>} : memref<48x128xf32, #tpu.memory_space<vmem>>, vector<1x16xf32>,
        %parallel_loop3A_214 = vector.shape_cast %parallel_loop3A_213 : vector<1x16xf32> to vector<16xf32>
        %parallel_loop3A_215 = arith.mulf %parallel_loop3A_210, %parallel_loop3A_214 : vector<16xf32>
        %parallel_loop3A_216 = arith.constant 8.000000e+01 : f32
        %parallel_loop3A_217 = vector.broadcast %parallel_loop3A_216 : f32 to vector<16xf32>
        %parallel_loop3A_218 = arith.minimumf %parallel_loop3A_215, %parallel_loop3A_217 : vector<16xf32>
        %parallel_loop3A_219 = math.exp %parallel_loop3A_218 : vector<16xf32>
        %parallel_loop3A_220 = arith.index_cast %parallel_loop3A_193 : i32 to index
        %parallel_loop3A_221 = arith.constant 32 : index
        %parallel_loop3A_222 = tpu.vector_load %arg12[%parallel_loop3A_220, %parallel_loop3A_221] {strides = array<i32>} : memref<48x128xf32, #tpu.memory_space<vmem>>, vector<1x16xf32>,
        %parallel_loop3A_223 = vector.shape_cast %parallel_loop3A_222 : vector<1x16xf32> to vector<16xf32>
        %parallel_loop3A_224 = arith.index_cast %parallel_loop3A_193 : i32 to index
        %parallel_loop3A_225 = arith.constant 32 : index
        %parallel_loop3A_226 = tpu.vector_load %arg14[%parallel_loop3A_224, %parallel_loop3A_225] {strides = array<i32>} : memref<48x128xf32, #tpu.memory_space<vmem>>, vector<1x16xf32>,
        %parallel_loop3A_227 = vector.shape_cast %parallel_loop3A_226 : vector<1x16xf32> to vector<16xf32>
        %parallel_loop3A_228 = arith.mulf %parallel_loop3A_223, %parallel_loop3A_227 : vector<16xf32>
        %parallel_loop3A_229 = arith.constant 8.000000e+01 : f32
        %parallel_loop3A_230 = vector.broadcast %parallel_loop3A_229 : f32 to vector<16xf32>
        %parallel_loop3A_231 = arith.minimumf %parallel_loop3A_228, %parallel_loop3A_230 : vector<16xf32>
        %parallel_loop3A_232 = math.exp %parallel_loop3A_231 : vector<16xf32>
        %parallel_loop3A_233 = arith.index_cast %parallel_loop3A_193 : i32 to index
        %parallel_loop3A_234 = arith.constant 48 : index
        %parallel_loop3A_235 = tpu.vector_load %arg12[%parallel_loop3A_233, %parallel_loop3A_234] {strides = array<i32>} : memref<48x128xf32, #tpu.memory_space<vmem>>, vector<1x16xf32>,
        %parallel_loop3A_236 = vector.shape_cast %parallel_loop3A_235 : vector<1x16xf32> to vector<16xf32>
        %parallel_loop3A_237 = arith.index_cast %parallel_loop3A_193 : i32 to index
        %parallel_loop3A_238 = arith.constant 48 : index
        %parallel_loop3A_239 = tpu.vector_load %arg14[%parallel_loop3A_237, %parallel_loop3A_238] {strides = array<i32>} : memref<48x128xf32, #tpu.memory_space<vmem>>, vector<1x16xf32>,
        %parallel_loop3A_240 = vector.shape_cast %parallel_loop3A_239 : vector<1x16xf32> to vector<16xf32>
        %parallel_loop3A_241 = arith.mulf %parallel_loop3A_236, %parallel_loop3A_240 : vector<16xf32>
        %parallel_loop3A_242 = arith.constant 8.000000e+01 : f32
        %parallel_loop3A_243 = vector.broadcast %parallel_loop3A_242 : f32 to vector<16xf32>
        %parallel_loop3A_244 = arith.minimumf %parallel_loop3A_241, %parallel_loop3A_243 : vector<16xf32>
        %parallel_loop3A_245 = math.exp %parallel_loop3A_244 : vector<16xf32>
        %parallel_loop3A_246 = arith.index_cast %parallel_loop3A_193 : i32 to index
        %parallel_loop3A_247 = arith.constant 64 : index
        %parallel_loop3A_248 = tpu.vector_load %arg12[%parallel_loop3A_246, %parallel_loop3A_247] {strides = array<i32>} : memref<48x128xf32, #tpu.memory_space<vmem>>, vector<1x16xf32>,
        %parallel_loop3A_249 = vector.shape_cast %parallel_loop3A_248 : vector<1x16xf32> to vector<16xf32>
        %parallel_loop3A_250 = arith.index_cast %parallel_loop3A_193 : i32 to index
        %parallel_loop3A_251 = arith.constant 64 : index
        %parallel_loop3A_252 = tpu.vector_load %arg14[%parallel_loop3A_250, %parallel_loop3A_251] {strides = array<i32>} : memref<48x128xf32, #tpu.memory_space<vmem>>, vector<1x16xf32>,
        %parallel_loop3A_253 = vector.shape_cast %parallel_loop3A_252 : vector<1x16xf32> to vector<16xf32>
        %parallel_loop3A_254 = arith.mulf %parallel_loop3A_249, %parallel_loop3A_253 : vector<16xf32>
        %parallel_loop3A_255 = arith.constant 8.000000e+01 : f32
        %parallel_loop3A_256 = vector.broadcast %parallel_loop3A_255 : f32 to vector<16xf32>
        %parallel_loop3A_257 = arith.minimumf %parallel_loop3A_254, %parallel_loop3A_256 : vector<16xf32>
        %parallel_loop3A_258 = math.exp %parallel_loop3A_257 : vector<16xf32>
        %parallel_loop3A_259 = arith.index_cast %parallel_loop3A_193 : i32 to index
        %parallel_loop3A_260 = arith.constant 80 : index
        %parallel_loop3A_261 = tpu.vector_load %arg12[%parallel_loop3A_259, %parallel_loop3A_260] {strides = array<i32>} : memref<48x128xf32, #tpu.memory_space<vmem>>, vector<1x16xf32>,
        %parallel_loop3A_262 = vector.shape_cast %parallel_loop3A_261 : vector<1x16xf32> to vector<16xf32>
        %parallel_loop3A_263 = arith.index_cast %parallel_loop3A_193 : i32 to index
        %parallel_loop3A_264 = arith.constant 80 : index
        %parallel_loop3A_265 = tpu.vector_load %arg14[%parallel_loop3A_263, %parallel_loop3A_264] {strides = array<i32>} : memref<48x128xf32, #tpu.memory_space<vmem>>, vector<1x16xf32>,
        %parallel_loop3A_266 = vector.shape_cast %parallel_loop3A_265 : vector<1x16xf32> to vector<16xf32>
        %parallel_loop3A_267 = arith.mulf %parallel_loop3A_262, %parallel_loop3A_266 : vector<16xf32>
        %parallel_loop3A_268 = arith.constant 8.000000e+01 : f32
        %parallel_loop3A_269 = vector.broadcast %parallel_loop3A_268 : f32 to vector<16xf32>
        %parallel_loop3A_270 = arith.minimumf %parallel_loop3A_267, %parallel_loop3A_269 : vector<16xf32>
        %parallel_loop3A_271 = math.exp %parallel_loop3A_270 : vector<16xf32>
        %parallel_loop3A_272 = arith.index_cast %parallel_loop3A_193 : i32 to index
        %parallel_loop3A_273 = arith.constant 96 : index
        %parallel_loop3A_274 = tpu.vector_load %arg12[%parallel_loop3A_272, %parallel_loop3A_273] {strides = array<i32>} : memref<48x128xf32, #tpu.memory_space<vmem>>, vector<1x16xf32>,
        %parallel_loop3A_275 = vector.shape_cast %parallel_loop3A_274 : vector<1x16xf32> to vector<16xf32>
        %parallel_loop3A_276 = arith.index_cast %parallel_loop3A_193 : i32 to index
        %parallel_loop3A_277 = arith.constant 96 : index
        %parallel_loop3A_278 = tpu.vector_load %arg14[%parallel_loop3A_276, %parallel_loop3A_277] {strides = array<i32>} : memref<48x128xf32, #tpu.memory_space<vmem>>, vector<1x16xf32>,
        %parallel_loop3A_279 = vector.shape_cast %parallel_loop3A_278 : vector<1x16xf32> to vector<16xf32>
        %parallel_loop3A_280 = arith.mulf %parallel_loop3A_275, %parallel_loop3A_279 : vector<16xf32>
        %parallel_loop3A_281 = arith.constant 8.000000e+01 : f32
        %parallel_loop3A_282 = vector.broadcast %parallel_loop3A_281 : f32 to vector<16xf32>
        %parallel_loop3A_283 = arith.minimumf %parallel_loop3A_280, %parallel_loop3A_282 : vector<16xf32>
        %parallel_loop3A_284 = math.exp %parallel_loop3A_283 : vector<16xf32>
        %parallel_loop3A_285 = arith.index_cast %parallel_loop3A_193 : i32 to index
        %parallel_loop3A_286 = arith.constant 112 : index
        %parallel_loop3A_287 = tpu.vector_load %arg12[%parallel_loop3A_285, %parallel_loop3A_286] {strides = array<i32>} : memref<48x128xf32, #tpu.memory_space<vmem>>, vector<1x16xf32>,
        %parallel_loop3A_288 = vector.shape_cast %parallel_loop3A_287 : vector<1x16xf32> to vector<16xf32>
        %parallel_loop3A_289 = arith.index_cast %parallel_loop3A_193 : i32 to index
        %parallel_loop3A_290 = arith.constant 112 : index
        %parallel_loop3A_291 = tpu.vector_load %arg14[%parallel_loop3A_289, %parallel_loop3A_290] {strides = array<i32>} : memref<48x128xf32, #tpu.memory_space<vmem>>, vector<1x16xf32>,
        %parallel_loop3A_292 = vector.shape_cast %parallel_loop3A_291 : vector<1x16xf32> to vector<16xf32>
        %parallel_loop3A_293 = arith.mulf %parallel_loop3A_288, %parallel_loop3A_292 : vector<16xf32>
        %parallel_loop3A_294 = arith.constant 8.000000e+01 : f32
        %parallel_loop3A_295 = vector.broadcast %parallel_loop3A_294 : f32 to vector<16xf32>
        %parallel_loop3A_296 = arith.minimumf %parallel_loop3A_293, %parallel_loop3A_295 : vector<16xf32>
        %parallel_loop3A_297 = math.exp %parallel_loop3A_296 : vector<16xf32>
        %parallel_loop3A_298 = arith.addf %parallel_loop3A_206, %parallel_loop3A_219 : vector<16xf32>
        %parallel_loop3A_299 = arith.addf %parallel_loop3A_298, %parallel_loop3A_232 : vector<16xf32>
        %parallel_loop3A_300 = arith.addf %parallel_loop3A_299, %parallel_loop3A_245 : vector<16xf32>
        %parallel_loop3A_301 = arith.addf %parallel_loop3A_300, %parallel_loop3A_258 : vector<16xf32>
        %parallel_loop3A_302 = arith.addf %parallel_loop3A_301, %parallel_loop3A_271 : vector<16xf32>
        %parallel_loop3A_303 = arith.addf %parallel_loop3A_302, %parallel_loop3A_284 : vector<16xf32>
        %parallel_loop3A_304 = arith.addf %parallel_loop3A_303, %parallel_loop3A_297 : vector<16xf32>
        %parallel_loop3A_305 = tpu.iota {dimensions = array<i32: 0>} : vector<16xi32>
        %parallel_loop3A_306 = arith.constant 8 : i32
        %parallel_loop3A_307 = vector.broadcast %parallel_loop3A_306 : i32 to vector<16xi32>
        %parallel_loop3A_308 = arith.xori %parallel_loop3A_305, %parallel_loop3A_307 : vector<16xi32>
        %parallel_loop3A_309 = vector.shape_cast %parallel_loop3A_308 : vector<16xi32> to vector<16x1xi32>
        %parallel_loop3A_310 = vector.shape_cast %parallel_loop3A_309 : vector<16x1xi32> to vector<16xi32>
        %parallel_loop3A_311 = tpu.dynamic_gather %parallel_loop3A_304[%parallel_loop3A_310] in [0] : vector<16xf32>, vector<16xi32> -> vector<16xf32>
        %parallel_loop3A_312 = arith.addf %parallel_loop3A_304, %parallel_loop3A_311 : vector<16xf32>
        %parallel_loop3A_313 = tpu.iota {dimensions = array<i32: 0>} : vector<16xi32>
        %parallel_loop3A_314 = arith.constant 4 : i32
        %parallel_loop3A_315 = vector.broadcast %parallel_loop3A_314 : i32 to vector<16xi32>
        %parallel_loop3A_316 = arith.xori %parallel_loop3A_313, %parallel_loop3A_315 : vector<16xi32>
        %parallel_loop3A_317 = vector.shape_cast %parallel_loop3A_316 : vector<16xi32> to vector<16x1xi32>
        %parallel_loop3A_318 = vector.shape_cast %parallel_loop3A_317 : vector<16x1xi32> to vector<16xi32>
        %parallel_loop3A_319 = tpu.dynamic_gather %parallel_loop3A_312[%parallel_loop3A_318] in [0] : vector<16xf32>, vector<16xi32> -> vector<16xf32>
        %parallel_loop3A_320 = arith.addf %parallel_loop3A_312, %parallel_loop3A_319 : vector<16xf32>
        %parallel_loop3A_321 = tpu.iota {dimensions = array<i32: 0>} : vector<16xi32>
        %parallel_loop3A_322 = arith.constant 2 : i32
        %parallel_loop3A_323 = vector.broadcast %parallel_loop3A_322 : i32 to vector<16xi32>
        %parallel_loop3A_324 = arith.xori %parallel_loop3A_321, %parallel_loop3A_323 : vector<16xi32>
        %parallel_loop3A_325 = vector.shape_cast %parallel_loop3A_324 : vector<16xi32> to vector<16x1xi32>
        %parallel_loop3A_326 = vector.shape_cast %parallel_loop3A_325 : vector<16x1xi32> to vector<16xi32>
        %parallel_loop3A_327 = tpu.dynamic_gather %parallel_loop3A_320[%parallel_loop3A_326] in [0] : vector<16xf32>, vector<16xi32> -> vector<16xf32>
        %parallel_loop3A_328 = arith.addf %parallel_loop3A_320, %parallel_loop3A_327 : vector<16xf32>
        %parallel_loop3A_329 = tpu.iota {dimensions = array<i32: 0>} : vector<16xi32>
        %parallel_loop3A_330 = arith.constant 1 : i32
        %parallel_loop3A_331 = vector.broadcast %parallel_loop3A_330 : i32 to vector<16xi32>
        %parallel_loop3A_332 = arith.xori %parallel_loop3A_329, %parallel_loop3A_331 : vector<16xi32>
        %parallel_loop3A_333 = vector.shape_cast %parallel_loop3A_332 : vector<16xi32> to vector<16x1xi32>
        %parallel_loop3A_334 = vector.shape_cast %parallel_loop3A_333 : vector<16x1xi32> to vector<16xi32>
        %parallel_loop3A_335 = tpu.dynamic_gather %parallel_loop3A_328[%parallel_loop3A_334] in [0] : vector<16xf32>, vector<16xi32> -> vector<16xf32>
        %parallel_loop3A_336 = arith.addf %parallel_loop3A_328, %parallel_loop3A_335 : vector<16xf32>
        %parallel_loop3A_337 = arith.constant 1.000000e+00 : f32
        %parallel_loop3A_338 = vector.broadcast %parallel_loop3A_337 : f32 to vector<16xf32>
        %parallel_loop3A_339 = arith.divf %parallel_loop3A_338, %parallel_loop3A_336 : vector<16xf32>
        %parallel_loop3A_340 = arith.mulf %parallel_loop3A_206, %parallel_loop3A_339 : vector<16xf32>
        %parallel_loop3A_341 = arith.index_cast %parallel_loop3A_193 : i32 to index
        %parallel_loop3A_342 = arith.constant 0 : index
        %parallel_loop3A_343 = tpu.vector_load %arg16[%parallel_loop3A_341, %parallel_loop3A_342] {strides = array<i32>} : memref<48x128xf32, #tpu.memory_space<vmem>>, vector<1x16xf32>,
        %parallel_loop3A_344 = vector.shape_cast %parallel_loop3A_343 : vector<1x16xf32> to vector<16xf32>
        %parallel_loop3A_345 = vector.shape_cast %parallel_loop3A_340 : vector<16xf32> to vector<1x16xf32>
        tpu.vector_store %arg16[%parallel_loop3A_341, %parallel_loop3A_342], %parallel_loop3A_345 {strides = array<i32>} : memref<48x128xf32, #tpu.memory_space<vmem>>, vector<1x16xf32>,
        %parallel_loop3A_346 = arith.mulf %parallel_loop3A_219, %parallel_loop3A_339 : vector<16xf32>
        %parallel_loop3A_347 = arith.index_cast %parallel_loop3A_193 : i32 to index
        %parallel_loop3A_348 = arith.constant 16 : index
        %parallel_loop3A_349 = tpu.vector_load %arg16[%parallel_loop3A_347, %parallel_loop3A_348] {strides = array<i32>} : memref<48x128xf32, #tpu.memory_space<vmem>>, vector<1x16xf32>,
        %parallel_loop3A_350 = vector.shape_cast %parallel_loop3A_349 : vector<1x16xf32> to vector<16xf32>
        %parallel_loop3A_351 = vector.shape_cast %parallel_loop3A_346 : vector<16xf32> to vector<1x16xf32>
        tpu.vector_store %arg16[%parallel_loop3A_347, %parallel_loop3A_348], %parallel_loop3A_351 {strides = array<i32>} : memref<48x128xf32, #tpu.memory_space<vmem>>, vector<1x16xf32>,
        %parallel_loop3A_352 = arith.mulf %parallel_loop3A_232, %parallel_loop3A_339 : vector<16xf32>
        %parallel_loop3A_353 = arith.index_cast %parallel_loop3A_193 : i32 to index
        %parallel_loop3A_354 = arith.constant 32 : index
        %parallel_loop3A_355 = tpu.vector_load %arg16[%parallel_loop3A_353, %parallel_loop3A_354] {strides = array<i32>} : memref<48x128xf32, #tpu.memory_space<vmem>>, vector<1x16xf32>,
        %parallel_loop3A_356 = vector.shape_cast %parallel_loop3A_355 : vector<1x16xf32> to vector<16xf32>
        %parallel_loop3A_357 = vector.shape_cast %parallel_loop3A_352 : vector<16xf32> to vector<1x16xf32>
        tpu.vector_store %arg16[%parallel_loop3A_353, %parallel_loop3A_354], %parallel_loop3A_357 {strides = array<i32>} : memref<48x128xf32, #tpu.memory_space<vmem>>, vector<1x16xf32>,
        %parallel_loop3A_358 = arith.mulf %parallel_loop3A_245, %parallel_loop3A_339 : vector<16xf32>
        %parallel_loop3A_359 = arith.index_cast %parallel_loop3A_193 : i32 to index
        %parallel_loop3A_360 = arith.constant 48 : index
        %parallel_loop3A_361 = tpu.vector_load %arg16[%parallel_loop3A_359, %parallel_loop3A_360] {strides = array<i32>} : memref<48x128xf32, #tpu.memory_space<vmem>>, vector<1x16xf32>,
        %parallel_loop3A_362 = vector.shape_cast %parallel_loop3A_361 : vector<1x16xf32> to vector<16xf32>
        %parallel_loop3A_363 = vector.shape_cast %parallel_loop3A_358 : vector<16xf32> to vector<1x16xf32>
        tpu.vector_store %arg16[%parallel_loop3A_359, %parallel_loop3A_360], %parallel_loop3A_363 {strides = array<i32>} : memref<48x128xf32, #tpu.memory_space<vmem>>, vector<1x16xf32>,
        %parallel_loop3A_364 = arith.mulf %parallel_loop3A_258, %parallel_loop3A_339 : vector<16xf32>
        %parallel_loop3A_365 = arith.index_cast %parallel_loop3A_193 : i32 to index
        %parallel_loop3A_366 = arith.constant 64 : index
        %parallel_loop3A_367 = tpu.vector_load %arg16[%parallel_loop3A_365, %parallel_loop3A_366] {strides = array<i32>} : memref<48x128xf32, #tpu.memory_space<vmem>>, vector<1x16xf32>,
        %parallel_loop3A_368 = vector.shape_cast %parallel_loop3A_367 : vector<1x16xf32> to vector<16xf32>
        %parallel_loop3A_369 = vector.shape_cast %parallel_loop3A_364 : vector<16xf32> to vector<1x16xf32>
        tpu.vector_store %arg16[%parallel_loop3A_365, %parallel_loop3A_366], %parallel_loop3A_369 {strides = array<i32>} : memref<48x128xf32, #tpu.memory_space<vmem>>, vector<1x16xf32>,
        %parallel_loop3A_370 = arith.mulf %parallel_loop3A_271, %parallel_loop3A_339 : vector<16xf32>
        %parallel_loop3A_371 = arith.index_cast %parallel_loop3A_193 : i32 to index
        %parallel_loop3A_372 = arith.constant 80 : index
        %parallel_loop3A_373 = tpu.vector_load %arg16[%parallel_loop3A_371, %parallel_loop3A_372] {strides = array<i32>} : memref<48x128xf32, #tpu.memory_space<vmem>>, vector<1x16xf32>,
        %parallel_loop3A_374 = vector.shape_cast %parallel_loop3A_373 : vector<1x16xf32> to vector<16xf32>
        %parallel_loop3A_375 = vector.shape_cast %parallel_loop3A_370 : vector<16xf32> to vector<1x16xf32>
        tpu.vector_store %arg16[%parallel_loop3A_371, %parallel_loop3A_372], %parallel_loop3A_375 {strides = array<i32>} : memref<48x128xf32, #tpu.memory_space<vmem>>, vector<1x16xf32>,
        %parallel_loop3A_376 = arith.mulf %parallel_loop3A_284, %parallel_loop3A_339 : vector<16xf32>
        %parallel_loop3A_377 = arith.index_cast %parallel_loop3A_193 : i32 to index
        %parallel_loop3A_378 = arith.constant 96 : index
        %parallel_loop3A_379 = tpu.vector_load %arg16[%parallel_loop3A_377, %parallel_loop3A_378] {strides = array<i32>} : memref<48x128xf32, #tpu.memory_space<vmem>>, vector<1x16xf32>,
        %parallel_loop3A_380 = vector.shape_cast %parallel_loop3A_379 : vector<1x16xf32> to vector<16xf32>
        %parallel_loop3A_381 = vector.shape_cast %parallel_loop3A_376 : vector<16xf32> to vector<1x16xf32>
        tpu.vector_store %arg16[%parallel_loop3A_377, %parallel_loop3A_378], %parallel_loop3A_381 {strides = array<i32>} : memref<48x128xf32, #tpu.memory_space<vmem>>, vector<1x16xf32>,
        %parallel_loop3A_382 = arith.mulf %parallel_loop3A_297, %parallel_loop3A_339 : vector<16xf32>
        %parallel_loop3A_383 = arith.index_cast %parallel_loop3A_193 : i32 to index
        %parallel_loop3A_384 = arith.constant 112 : index
        %parallel_loop3A_385 = tpu.vector_load %arg16[%parallel_loop3A_383, %parallel_loop3A_384] {strides = array<i32>} : memref<48x128xf32, #tpu.memory_space<vmem>>, vector<1x16xf32>,
        %parallel_loop3A_386 = vector.shape_cast %parallel_loop3A_385 : vector<1x16xf32> to vector<16xf32>
        %parallel_loop3A_387 = vector.shape_cast %parallel_loop3A_382 : vector<16xf32> to vector<1x16xf32>
        tpu.vector_store %arg16[%parallel_loop3A_383, %parallel_loop3A_384], %parallel_loop3A_387 {strides = array<i32>} : memref<48x128xf32, #tpu.memory_space<vmem>>, vector<1x16xf32>,
      } {sc.loop_unroll_factor = 2 : i64, sc.parallel_access}
      %mul3A_186 = arith.constant 48 : i32
      %mul3A_187 = arith.muli %add3A_164, %mul3A_186 : i32
      %add3A_188 = arith.addi %mul3A_2, %mul3A_187 : i32
      %dma_start3A_189 = arith.constant 0 : i32
      %dma_start3A_190 = tpu.memref_slice %arg4[%add3A_188, %dma_start3A_189] : memref<320000x128xf32, #tpu.memory_space<hbm>> -> memref<48x128xf32, #tpu.memory_space<hbm>>
      %dma_start3A_191 = arith.constant 0 : i32
      %dma_start3A_192 = tpu.memref_slice %arg4[%add3A_188, %dma_start3A_191] : memref<320000x128xf32, #tpu.memory_space<hbm>> -> memref<48x128xf32, #tpu.memory_space<hbm>>
      tpu.enqueue_dma source(%arg16 : memref<48x128xf32, #tpu.memory_space<vmem>>) target(%dma_start3A_192 : memref<48x128xf32, #tpu.memory_space<hbm>>) target_semaphore(%arg22 : memref<!tpu.dma_semaphore, #tpu.memory_space<semaphore_mem>>)
    }
    %scan3A_65 = arith.constant 104 : i32
    %add3A_66 = arith.constant 9984 : i32
    %add3A_67 = arith.addi %mul3A_2, %add3A_66 : i32
    %get3A_68 = arith.constant 9984 : index
    %get3A_69 = tpu.vector_load %arg6[%get3A_68] {strides = array<i32>} : memref<10000xi32, #tpu.memory_space<vmem>>, vector<16xi32>,
    %get3A_70 = vector.shape_cast %get3A_69 : vector<16xi32> to vector<16xi32>
    %and3A_71 = arith.constant 65535 : i32
    %and3A_72 = vector.broadcast %and3A_71 : i32 to vector<16xi32>
    %and3A_73 = arith.andi %get3A_70, %and3A_72 : vector<16xi32>
    %swap3A_74 = arith.constant 0 : index
    %swap3A_75 = tpu.vector_load %arg7[%swap3A_74] {strides = array<i32>} : memref<48xi32, #tpu.memory_space<vmem>>, vector<16xi32>,
    %swap3A_76 = vector.shape_cast %swap3A_75 : vector<16xi32> to vector<16xi32>
    %swap3A_77 = vector.shape_cast %and3A_73 : vector<16xi32> to vector<16xi32>
    tpu.vector_store %arg7[%swap3A_74], %swap3A_77 {strides = array<i32>} : memref<48xi32, #tpu.memory_space<vmem>>, vector<16xi32>,
    %shift_right_logical3A_78 = arith.constant 16 : i32
    %shift_right_logical3A_79 = vector.broadcast %shift_right_logical3A_78 : i32 to vector<16xi32>
    %shift_right_logical3A_80 = arith.shrui %get3A_70, %shift_right_logical3A_79 : vector<16xi32>
    %swap3A_81 = arith.constant 0 : index
    %swap3A_82 = tpu.vector_load %arg9[%swap3A_81] {strides = array<i32>} : memref<48xi32, #tpu.memory_space<vmem>>, vector<16xi32>,
    %swap3A_83 = vector.shape_cast %swap3A_82 : vector<16xi32> to vector<16xi32>
    %swap3A_84 = vector.shape_cast %shift_right_logical3A_80 : vector<16xi32> to vector<16xi32>
    tpu.vector_store %arg9[%swap3A_81], %swap3A_84 {strides = array<i32>} : memref<48xi32, #tpu.memory_space<vmem>>, vector<16xi32>,
    %dma_start3A_85 = arith.constant 0 : i32
    %dma_start3A_86 = arith.constant 0 : i32
    %dma_start3A_87 = tpu.memref_slice %arg11[%dma_start3A_85, %dma_start3A_86] : memref<48x128xf32, #tpu.memory_space<vmem>> -> memref<16x128xf32, #tpu.memory_space<vmem>>
    %dma_start3A_88 = arith.constant 0 : i32
    %dma_start3A_89 = tpu.memref_slice %arg7[%dma_start3A_88] : memref<48xi32, #tpu.memory_space<vmem>> -> memref<16xi32, #tpu.memory_space<vmem>>
    %dma_start3A_90 = arith.constant 0 : i32
    %dma_start3A_91 = arith.constant 0 : i32
    %dma_start3A_92 = tpu.memref_slice %arg5[%dma_start3A_90, %dma_start3A_91] : memref<10000x128xf32, #tpu.memory_space<vmem_shared>> -> memref<10000x128xf32, #tpu.memory_space<vmem_shared>>
    tpu.enqueue_indirect_dma source(%dma_start3A_92 : memref<10000x128xf32, #tpu.memory_space<vmem_shared>>) target(%dma_start3A_87 : memref<16x128xf32, #tpu.memory_space<vmem>>) offsets(%dma_start3A_89 : memref<16xi32, #tpu.memory_space<vmem>>) semaphore(%arg17 : memref<!tpu.dma_semaphore, #tpu.memory_space<semaphore_mem>>)
    %dma_wait3A = arith.constant 0 : i32
    %dma_wait3A_93 = arith.constant 0 : i32
    %dma_wait3A_94 = tpu.memref_slice %arg11[%dma_wait3A, %dma_wait3A_93] : memref<48x128xf32, #tpu.memory_space<vmem>> -> memref<16x128xf32, #tpu.memory_space<vmem>>
    %dma_wait3A_95 = arith.constant 0 : i32
    %dma_wait3A_96 = tpu.memref_slice %arg7[%dma_wait3A_95] : memref<48xi32, #tpu.memory_space<vmem>> -> memref<16xi32, #tpu.memory_space<vmem>>
    %dma_wait3A_97 = arith.constant 0 : i32
    %dma_wait3A_98 = arith.constant 0 : i32
    %dma_wait3A_99 = tpu.memref_slice %arg5[%dma_wait3A_97, %dma_wait3A_98] : memref<10000x128xf32, #tpu.memory_space<vmem_shared>> -> memref<10000x128xf32, #tpu.memory_space<vmem_shared>>
    tpu.wait_indirect_dma semaphore(%arg17 : memref<!tpu.dma_semaphore, #tpu.memory_space<semaphore_mem>>) src(%dma_wait3A_99 : memref<10000x128xf32, #tpu.memory_space<vmem_shared>>) dst(%dma_wait3A_94 : memref<16x128xf32, #tpu.memory_space<vmem>>)
    %dma_start3A_100 = arith.constant 0 : i32
    %dma_start3A_101 = arith.constant 0 : i32
    %dma_start3A_102 = tpu.memref_slice %arg13[%dma_start3A_100, %dma_start3A_101] : memref<48x128xf32, #tpu.memory_space<vmem>> -> memref<16x128xf32, #tpu.memory_space<vmem>>
    %dma_start3A_103 = arith.constant 0 : i32
    %dma_start3A_104 = tpu.memref_slice %arg9[%dma_start3A_103] : memref<48xi32, #tpu.memory_space<vmem>> -> memref<16xi32, #tpu.memory_space<vmem>>
    %dma_start3A_105 = arith.constant 0 : i32
    %dma_start3A_106 = arith.constant 0 : i32
    %dma_start3A_107 = tpu.memref_slice %arg5[%dma_start3A_105, %dma_start3A_106] : memref<10000x128xf32, #tpu.memory_space<vmem_shared>> -> memref<10000x128xf32, #tpu.memory_space<vmem_shared>>
    tpu.enqueue_indirect_dma source(%dma_start3A_107 : memref<10000x128xf32, #tpu.memory_space<vmem_shared>>) target(%dma_start3A_102 : memref<16x128xf32, #tpu.memory_space<vmem>>) offsets(%dma_start3A_104 : memref<16xi32, #tpu.memory_space<vmem>>) semaphore(%arg19 : memref<!tpu.dma_semaphore, #tpu.memory_space<semaphore_mem>>)
    %dma_wait3A_108 = arith.constant 0 : i32
    %dma_wait3A_109 = arith.constant 0 : i32
    %dma_wait3A_110 = tpu.memref_slice %arg13[%dma_wait3A_108, %dma_wait3A_109] : memref<48x128xf32, #tpu.memory_space<vmem>> -> memref<16x128xf32, #tpu.memory_space<vmem>>
    %dma_wait3A_111 = arith.constant 0 : i32
    %dma_wait3A_112 = tpu.memref_slice %arg9[%dma_wait3A_111] : memref<48xi32, #tpu.memory_space<vmem>> -> memref<16xi32, #tpu.memory_space<vmem>>
    %dma_wait3A_113 = arith.constant 0 : i32
    %dma_wait3A_114 = arith.constant 0 : i32
    %dma_wait3A_115 = tpu.memref_slice %arg5[%dma_wait3A_113, %dma_wait3A_114] : memref<10000x128xf32, #tpu.memory_space<vmem_shared>> -> memref<10000x128xf32, #tpu.memory_space<vmem_shared>>
    tpu.wait_indirect_dma semaphore(%arg19 : memref<!tpu.dma_semaphore, #tpu.memory_space<semaphore_mem>>) src(%dma_wait3A_115 : memref<10000x128xf32, #tpu.memory_space<vmem_shared>>) dst(%dma_wait3A_110 : memref<16x128xf32, #tpu.memory_space<vmem>>)
    %add3A_116 = arith.constant 9888 : i32
    %add3A_117 = arith.addi %mul3A_2, %add3A_116 : i32
    %dma_wait3A_118 = arith.constant 0 : i32
    %dma_wait3A_119 = tpu.memref_slice %arg4[%add3A_117, %dma_wait3A_118] : memref<320000x128xf32, #tpu.memory_space<hbm>> -> memref<48x128xf32, #tpu.memory_space<hbm>>
    %dma_wait3A_120 = arith.constant 0 : i32
    %dma_wait3A_121 = tpu.memref_slice %arg4[%add3A_117, %dma_wait3A_120] : memref<320000x128xf32, #tpu.memory_space<hbm>> -> memref<48x128xf32, #tpu.memory_space<hbm>>
    tpu.wait_dma2 semaphore(%arg21 : memref<!tpu.dma_semaphore, #tpu.memory_space<semaphore_mem>>) src(%arg15 : memref<48x128xf32, #tpu.memory_space<vmem>>) dst(%dma_wait3A_121 : memref<48x128xf32, #tpu.memory_space<hbm>>)
    %parallel_loop3A = arith.constant 0 : i32
    %parallel_loop3A_122 = arith.constant 16 : i32
    %parallel_loop3A_123 = arith.constant 1 : i32
    scf.for %parallel_loop3A_130 = %parallel_loop3A to %parallel_loop3A_122 step %parallel_loop3A_123  : i32 {
      %parallel_loop3A_131 = arith.index_cast %parallel_loop3A_130 : i32 to index
      %parallel_loop3A_132 = arith.constant 0 : index
      %parallel_loop3A_133 = tpu.vector_load %arg11[%parallel_loop3A_131, %parallel_loop3A_132] {strides = array<i32>} : memref<48x128xf32, #tpu.memory_space<vmem>>, vector<1x16xf32>,
      %parallel_loop3A_134 = vector.shape_cast %parallel_loop3A_133 : vector<1x16xf32> to vector<16xf32>
      %parallel_loop3A_135 = arith.index_cast %parallel_loop3A_130 : i32 to index
      %parallel_loop3A_136 = arith.constant 0 : index
      %parallel_loop3A_137 = tpu.vector_load %arg13[%parallel_loop3A_135, %parallel_loop3A_136] {strides = array<i32>} : memref<48x128xf32, #tpu.memory_space<vmem>>, vector<1x16xf32>,
      %parallel_loop3A_138 = vector.shape_cast %parallel_loop3A_137 : vector<1x16xf32> to vector<16xf32>
      %parallel_loop3A_139 = arith.mulf %parallel_loop3A_134, %parallel_loop3A_138 : vector<16xf32>
      %parallel_loop3A_140 = arith.constant 8.000000e+01 : f32
      %parallel_loop3A_141 = vector.broadcast %parallel_loop3A_140 : f32 to vector<16xf32>
      %parallel_loop3A_142 = arith.minimumf %parallel_loop3A_139, %parallel_loop3A_141 : vector<16xf32>
      %parallel_loop3A_143 = math.exp %parallel_loop3A_142 : vector<16xf32>
      %parallel_loop3A_144 = arith.index_cast %parallel_loop3A_130 : i32 to index
      %parallel_loop3A_145 = arith.constant 16 : index
      %parallel_loop3A_146 = tpu.vector_load %arg11[%parallel_loop3A_144, %parallel_loop3A_145] {strides = array<i32>} : memref<48x128xf32, #tpu.memory_space<vmem>>, vector<1x16xf32>,
      %parallel_loop3A_147 = vector.shape_cast %parallel_loop3A_146 : vector<1x16xf32> to vector<16xf32>
      %parallel_loop3A_148 = arith.index_cast %parallel_loop3A_130 : i32 to index
      %parallel_loop3A_149 = arith.constant 16 : index
      %parallel_loop3A_150 = tpu.vector_load %arg13[%parallel_loop3A_148, %parallel_loop3A_149] {strides = array<i32>} : memref<48x128xf32, #tpu.memory_space<vmem>>, vector<1x16xf32>,
      %parallel_loop3A_151 = vector.shape_cast %parallel_loop3A_150 : vector<1x16xf32> to vector<16xf32>
      %parallel_loop3A_152 = arith.mulf %parallel_loop3A_147, %parallel_loop3A_151 : vector<16xf32>
      %parallel_loop3A_153 = arith.constant 8.000000e+01 : f32
      %parallel_loop3A_154 = vector.broadcast %parallel_loop3A_153 : f32 to vector<16xf32>
      %parallel_loop3A_155 = arith.minimumf %parallel_loop3A_152, %parallel_loop3A_154 : vector<16xf32>
      %parallel_loop3A_156 = math.exp %parallel_loop3A_155 : vector<16xf32>
      %parallel_loop3A_157 = arith.index_cast %parallel_loop3A_130 : i32 to index
      %parallel_loop3A_158 = arith.constant 32 : index
      %parallel_loop3A_159 = tpu.vector_load %arg11[%parallel_loop3A_157, %parallel_loop3A_158] {strides = array<i32>} : memref<48x128xf32, #tpu.memory_space<vmem>>, vector<1x16xf32>,
      %parallel_loop3A_160 = vector.shape_cast %parallel_loop3A_159 : vector<1x16xf32> to vector<16xf32>
      %parallel_loop3A_161 = arith.index_cast %parallel_loop3A_130 : i32 to index
      %parallel_loop3A_162 = arith.constant 32 : index
      %parallel_loop3A_163 = tpu.vector_load %arg13[%parallel_loop3A_161, %parallel_loop3A_162] {strides = array<i32>} : memref<48x128xf32, #tpu.memory_space<vmem>>, vector<1x16xf32>,
      %parallel_loop3A_164 = vector.shape_cast %parallel_loop3A_163 : vector<1x16xf32> to vector<16xf32>
      %parallel_loop3A_165 = arith.mulf %parallel_loop3A_160, %parallel_loop3A_164 : vector<16xf32>
      %parallel_loop3A_166 = arith.constant 8.000000e+01 : f32
      %parallel_loop3A_167 = vector.broadcast %parallel_loop3A_166 : f32 to vector<16xf32>
      %parallel_loop3A_168 = arith.minimumf %parallel_loop3A_165, %parallel_loop3A_167 : vector<16xf32>
      %parallel_loop3A_169 = math.exp %parallel_loop3A_168 : vector<16xf32>
      %parallel_loop3A_170 = arith.index_cast %parallel_loop3A_130 : i32 to index
      %parallel_loop3A_171 = arith.constant 48 : index
      %parallel_loop3A_172 = tpu.vector_load %arg11[%parallel_loop3A_170, %parallel_loop3A_171] {strides = array<i32>} : memref<48x128xf32, #tpu.memory_space<vmem>>, vector<1x16xf32>,
      %parallel_loop3A_173 = vector.shape_cast %parallel_loop3A_172 : vector<1x16xf32> to vector<16xf32>
      %parallel_loop3A_174 = arith.index_cast %parallel_loop3A_130 : i32 to index
      %parallel_loop3A_175 = arith.constant 48 : index
      %parallel_loop3A_176 = tpu.vector_load %arg13[%parallel_loop3A_174, %parallel_loop3A_175] {strides = array<i32>} : memref<48x128xf32, #tpu.memory_space<vmem>>, vector<1x16xf32>,
      %parallel_loop3A_177 = vector.shape_cast %parallel_loop3A_176 : vector<1x16xf32> to vector<16xf32>
      %parallel_loop3A_178 = arith.mulf %parallel_loop3A_173, %parallel_loop3A_177 : vector<16xf32>
      %parallel_loop3A_179 = arith.constant 8.000000e+01 : f32
      %parallel_loop3A_180 = vector.broadcast %parallel_loop3A_179 : f32 to vector<16xf32>
      %parallel_loop3A_181 = arith.minimumf %parallel_loop3A_178, %parallel_loop3A_180 : vector<16xf32>
      %parallel_loop3A_182 = math.exp %parallel_loop3A_181 : vector<16xf32>
      %parallel_loop3A_183 = arith.index_cast %parallel_loop3A_130 : i32 to index
      %parallel_loop3A_184 = arith.constant 64 : index
      %parallel_loop3A_185 = tpu.vector_load %arg11[%parallel_loop3A_183, %parallel_loop3A_184] {strides = array<i32>} : memref<48x128xf32, #tpu.memory_space<vmem>>, vector<1x16xf32>,
      %parallel_loop3A_186 = vector.shape_cast %parallel_loop3A_185 : vector<1x16xf32> to vector<16xf32>
      %parallel_loop3A_187 = arith.index_cast %parallel_loop3A_130 : i32 to index
      %parallel_loop3A_188 = arith.constant 64 : index
      %parallel_loop3A_189 = tpu.vector_load %arg13[%parallel_loop3A_187, %parallel_loop3A_188] {strides = array<i32>} : memref<48x128xf32, #tpu.memory_space<vmem>>, vector<1x16xf32>,
      %parallel_loop3A_190 = vector.shape_cast %parallel_loop3A_189 : vector<1x16xf32> to vector<16xf32>
      %parallel_loop3A_191 = arith.mulf %parallel_loop3A_186, %parallel_loop3A_190 : vector<16xf32>
      %parallel_loop3A_192 = arith.constant 8.000000e+01 : f32
      %parallel_loop3A_193 = vector.broadcast %parallel_loop3A_192 : f32 to vector<16xf32>
      %parallel_loop3A_194 = arith.minimumf %parallel_loop3A_191, %parallel_loop3A_193 : vector<16xf32>
      %parallel_loop3A_195 = math.exp %parallel_loop3A_194 : vector<16xf32>
      %parallel_loop3A_196 = arith.index_cast %parallel_loop3A_130 : i32 to index
      %parallel_loop3A_197 = arith.constant 80 : index
      %parallel_loop3A_198 = tpu.vector_load %arg11[%parallel_loop3A_196, %parallel_loop3A_197] {strides = array<i32>} : memref<48x128xf32, #tpu.memory_space<vmem>>, vector<1x16xf32>,
      %parallel_loop3A_199 = vector.shape_cast %parallel_loop3A_198 : vector<1x16xf32> to vector<16xf32>
      %parallel_loop3A_200 = arith.index_cast %parallel_loop3A_130 : i32 to index
      %parallel_loop3A_201 = arith.constant 80 : index
      %parallel_loop3A_202 = tpu.vector_load %arg13[%parallel_loop3A_200, %parallel_loop3A_201] {strides = array<i32>} : memref<48x128xf32, #tpu.memory_space<vmem>>, vector<1x16xf32>,
      %parallel_loop3A_203 = vector.shape_cast %parallel_loop3A_202 : vector<1x16xf32> to vector<16xf32>
      %parallel_loop3A_204 = arith.mulf %parallel_loop3A_199, %parallel_loop3A_203 : vector<16xf32>
      %parallel_loop3A_205 = arith.constant 8.000000e+01 : f32
      %parallel_loop3A_206 = vector.broadcast %parallel_loop3A_205 : f32 to vector<16xf32>
      %parallel_loop3A_207 = arith.minimumf %parallel_loop3A_204, %parallel_loop3A_206 : vector<16xf32>
      %parallel_loop3A_208 = math.exp %parallel_loop3A_207 : vector<16xf32>
      %parallel_loop3A_209 = arith.index_cast %parallel_loop3A_130 : i32 to index
      %parallel_loop3A_210 = arith.constant 96 : index
      %parallel_loop3A_211 = tpu.vector_load %arg11[%parallel_loop3A_209, %parallel_loop3A_210] {strides = array<i32>} : memref<48x128xf32, #tpu.memory_space<vmem>>, vector<1x16xf32>,
      %parallel_loop3A_212 = vector.shape_cast %parallel_loop3A_211 : vector<1x16xf32> to vector<16xf32>
      %parallel_loop3A_213 = arith.index_cast %parallel_loop3A_130 : i32 to index
      %parallel_loop3A_214 = arith.constant 96 : index
      %parallel_loop3A_215 = tpu.vector_load %arg13[%parallel_loop3A_213, %parallel_loop3A_214] {strides = array<i32>} : memref<48x128xf32, #tpu.memory_space<vmem>>, vector<1x16xf32>,
      %parallel_loop3A_216 = vector.shape_cast %parallel_loop3A_215 : vector<1x16xf32> to vector<16xf32>
      %parallel_loop3A_217 = arith.mulf %parallel_loop3A_212, %parallel_loop3A_216 : vector<16xf32>
      %parallel_loop3A_218 = arith.constant 8.000000e+01 : f32
      %parallel_loop3A_219 = vector.broadcast %parallel_loop3A_218 : f32 to vector<16xf32>
      %parallel_loop3A_220 = arith.minimumf %parallel_loop3A_217, %parallel_loop3A_219 : vector<16xf32>
      %parallel_loop3A_221 = math.exp %parallel_loop3A_220 : vector<16xf32>
      %parallel_loop3A_222 = arith.index_cast %parallel_loop3A_130 : i32 to index
      %parallel_loop3A_223 = arith.constant 112 : index
      %parallel_loop3A_224 = tpu.vector_load %arg11[%parallel_loop3A_222, %parallel_loop3A_223] {strides = array<i32>} : memref<48x128xf32, #tpu.memory_space<vmem>>, vector<1x16xf32>,
      %parallel_loop3A_225 = vector.shape_cast %parallel_loop3A_224 : vector<1x16xf32> to vector<16xf32>
      %parallel_loop3A_226 = arith.index_cast %parallel_loop3A_130 : i32 to index
      %parallel_loop3A_227 = arith.constant 112 : index
      %parallel_loop3A_228 = tpu.vector_load %arg13[%parallel_loop3A_226, %parallel_loop3A_227] {strides = array<i32>} : memref<48x128xf32, #tpu.memory_space<vmem>>, vector<1x16xf32>,
      %parallel_loop3A_229 = vector.shape_cast %parallel_loop3A_228 : vector<1x16xf32> to vector<16xf32>
      %parallel_loop3A_230 = arith.mulf %parallel_loop3A_225, %parallel_loop3A_229 : vector<16xf32>
      %parallel_loop3A_231 = arith.constant 8.000000e+01 : f32
      %parallel_loop3A_232 = vector.broadcast %parallel_loop3A_231 : f32 to vector<16xf32>
      %parallel_loop3A_233 = arith.minimumf %parallel_loop3A_230, %parallel_loop3A_232 : vector<16xf32>
      %parallel_loop3A_234 = math.exp %parallel_loop3A_233 : vector<16xf32>
      %parallel_loop3A_235 = arith.addf %parallel_loop3A_143, %parallel_loop3A_156 : vector<16xf32>
      %parallel_loop3A_236 = arith.addf %parallel_loop3A_235, %parallel_loop3A_169 : vector<16xf32>
      %parallel_loop3A_237 = arith.addf %parallel_loop3A_236, %parallel_loop3A_182 : vector<16xf32>
      %parallel_loop3A_238 = arith.addf %parallel_loop3A_237, %parallel_loop3A_195 : vector<16xf32>
      %parallel_loop3A_239 = arith.addf %parallel_loop3A_238, %parallel_loop3A_208 : vector<16xf32>
      %parallel_loop3A_240 = arith.addf %parallel_loop3A_239, %parallel_loop3A_221 : vector<16xf32>
      %parallel_loop3A_241 = arith.addf %parallel_loop3A_240, %parallel_loop3A_234 : vector<16xf32>
      %parallel_loop3A_242 = tpu.iota {dimensions = array<i32: 0>} : vector<16xi32>
      %parallel_loop3A_243 = arith.constant 8 : i32
      %parallel_loop3A_244 = vector.broadcast %parallel_loop3A_243 : i32 to vector<16xi32>
      %parallel_loop3A_245 = arith.xori %parallel_loop3A_242, %parallel_loop3A_244 : vector<16xi32>
      %parallel_loop3A_246 = vector.shape_cast %parallel_loop3A_245 : vector<16xi32> to vector<16x1xi32>
      %parallel_loop3A_247 = vector.shape_cast %parallel_loop3A_246 : vector<16x1xi32> to vector<16xi32>
      %parallel_loop3A_248 = tpu.dynamic_gather %parallel_loop3A_241[%parallel_loop3A_247] in [0] : vector<16xf32>, vector<16xi32> -> vector<16xf32>
      %parallel_loop3A_249 = arith.addf %parallel_loop3A_241, %parallel_loop3A_248 : vector<16xf32>
      %parallel_loop3A_250 = tpu.iota {dimensions = array<i32: 0>} : vector<16xi32>
      %parallel_loop3A_251 = arith.constant 4 : i32
      %parallel_loop3A_252 = vector.broadcast %parallel_loop3A_251 : i32 to vector<16xi32>
      %parallel_loop3A_253 = arith.xori %parallel_loop3A_250, %parallel_loop3A_252 : vector<16xi32>
      %parallel_loop3A_254 = vector.shape_cast %parallel_loop3A_253 : vector<16xi32> to vector<16x1xi32>
      %parallel_loop3A_255 = vector.shape_cast %parallel_loop3A_254 : vector<16x1xi32> to vector<16xi32>
      %parallel_loop3A_256 = tpu.dynamic_gather %parallel_loop3A_249[%parallel_loop3A_255] in [0] : vector<16xf32>, vector<16xi32> -> vector<16xf32>
      %parallel_loop3A_257 = arith.addf %parallel_loop3A_249, %parallel_loop3A_256 : vector<16xf32>
      %parallel_loop3A_258 = tpu.iota {dimensions = array<i32: 0>} : vector<16xi32>
      %parallel_loop3A_259 = arith.constant 2 : i32
      %parallel_loop3A_260 = vector.broadcast %parallel_loop3A_259 : i32 to vector<16xi32>
      %parallel_loop3A_261 = arith.xori %parallel_loop3A_258, %parallel_loop3A_260 : vector<16xi32>
      %parallel_loop3A_262 = vector.shape_cast %parallel_loop3A_261 : vector<16xi32> to vector<16x1xi32>
      %parallel_loop3A_263 = vector.shape_cast %parallel_loop3A_262 : vector<16x1xi32> to vector<16xi32>
      %parallel_loop3A_264 = tpu.dynamic_gather %parallel_loop3A_257[%parallel_loop3A_263] in [0] : vector<16xf32>, vector<16xi32> -> vector<16xf32>
      %parallel_loop3A_265 = arith.addf %parallel_loop3A_257, %parallel_loop3A_264 : vector<16xf32>
      %parallel_loop3A_266 = tpu.iota {dimensions = array<i32: 0>} : vector<16xi32>
      %parallel_loop3A_267 = arith.constant 1 : i32
      %parallel_loop3A_268 = vector.broadcast %parallel_loop3A_267 : i32 to vector<16xi32>
      %parallel_loop3A_269 = arith.xori %parallel_loop3A_266, %parallel_loop3A_268 : vector<16xi32>
      %parallel_loop3A_270 = vector.shape_cast %parallel_loop3A_269 : vector<16xi32> to vector<16x1xi32>
      %parallel_loop3A_271 = vector.shape_cast %parallel_loop3A_270 : vector<16x1xi32> to vector<16xi32>
      %parallel_loop3A_272 = tpu.dynamic_gather %parallel_loop3A_265[%parallel_loop3A_271] in [0] : vector<16xf32>, vector<16xi32> -> vector<16xf32>
      %parallel_loop3A_273 = arith.addf %parallel_loop3A_265, %parallel_loop3A_272 : vector<16xf32>
      %parallel_loop3A_274 = arith.constant 1.000000e+00 : f32
      %parallel_loop3A_275 = vector.broadcast %parallel_loop3A_274 : f32 to vector<16xf32>
      %parallel_loop3A_276 = arith.divf %parallel_loop3A_275, %parallel_loop3A_273 : vector<16xf32>
      %parallel_loop3A_277 = arith.mulf %parallel_loop3A_143, %parallel_loop3A_276 : vector<16xf32>
      %parallel_loop3A_278 = arith.index_cast %parallel_loop3A_130 : i32 to index
      %parallel_loop3A_279 = arith.constant 0 : index
      %parallel_loop3A_280 = tpu.vector_load %arg15[%parallel_loop3A_278, %parallel_loop3A_279] {strides = array<i32>} : memref<48x128xf32, #tpu.memory_space<vmem>>, vector<1x16xf32>,
      %parallel_loop3A_281 = vector.shape_cast %parallel_loop3A_280 : vector<1x16xf32> to vector<16xf32>
      %parallel_loop3A_282 = vector.shape_cast %parallel_loop3A_277 : vector<16xf32> to vector<1x16xf32>
      tpu.vector_store %arg15[%parallel_loop3A_278, %parallel_loop3A_279], %parallel_loop3A_282 {strides = array<i32>} : memref<48x128xf32, #tpu.memory_space<vmem>>, vector<1x16xf32>,
      %parallel_loop3A_283 = arith.mulf %parallel_loop3A_156, %parallel_loop3A_276 : vector<16xf32>
      %parallel_loop3A_284 = arith.index_cast %parallel_loop3A_130 : i32 to index
      %parallel_loop3A_285 = arith.constant 16 : index
      %parallel_loop3A_286 = tpu.vector_load %arg15[%parallel_loop3A_284, %parallel_loop3A_285] {strides = array<i32>} : memref<48x128xf32, #tpu.memory_space<vmem>>, vector<1x16xf32>,
      %parallel_loop3A_287 = vector.shape_cast %parallel_loop3A_286 : vector<1x16xf32> to vector<16xf32>
      %parallel_loop3A_288 = vector.shape_cast %parallel_loop3A_283 : vector<16xf32> to vector<1x16xf32>
      tpu.vector_store %arg15[%parallel_loop3A_284, %parallel_loop3A_285], %parallel_loop3A_288 {strides = array<i32>} : memref<48x128xf32, #tpu.memory_space<vmem>>, vector<1x16xf32>,
      %parallel_loop3A_289 = arith.mulf %parallel_loop3A_169, %parallel_loop3A_276 : vector<16xf32>
      %parallel_loop3A_290 = arith.index_cast %parallel_loop3A_130 : i32 to index
      %parallel_loop3A_291 = arith.constant 32 : index
      %parallel_loop3A_292 = tpu.vector_load %arg15[%parallel_loop3A_290, %parallel_loop3A_291] {strides = array<i32>} : memref<48x128xf32, #tpu.memory_space<vmem>>, vector<1x16xf32>,
      %parallel_loop3A_293 = vector.shape_cast %parallel_loop3A_292 : vector<1x16xf32> to vector<16xf32>
      %parallel_loop3A_294 = vector.shape_cast %parallel_loop3A_289 : vector<16xf32> to vector<1x16xf32>
      tpu.vector_store %arg15[%parallel_loop3A_290, %parallel_loop3A_291], %parallel_loop3A_294 {strides = array<i32>} : memref<48x128xf32, #tpu.memory_space<vmem>>, vector<1x16xf32>,
      %parallel_loop3A_295 = arith.mulf %parallel_loop3A_182, %parallel_loop3A_276 : vector<16xf32>
      %parallel_loop3A_296 = arith.index_cast %parallel_loop3A_130 : i32 to index
      %parallel_loop3A_297 = arith.constant 48 : index
      %parallel_loop3A_298 = tpu.vector_load %arg15[%parallel_loop3A_296, %parallel_loop3A_297] {strides = array<i32>} : memref<48x128xf32, #tpu.memory_space<vmem>>, vector<1x16xf32>,
      %parallel_loop3A_299 = vector.shape_cast %parallel_loop3A_298 : vector<1x16xf32> to vector<16xf32>
      %parallel_loop3A_300 = vector.shape_cast %parallel_loop3A_295 : vector<16xf32> to vector<1x16xf32>
      tpu.vector_store %arg15[%parallel_loop3A_296, %parallel_loop3A_297], %parallel_loop3A_300 {strides = array<i32>} : memref<48x128xf32, #tpu.memory_space<vmem>>, vector<1x16xf32>,
      %parallel_loop3A_301 = arith.mulf %parallel_loop3A_195, %parallel_loop3A_276 : vector<16xf32>
      %parallel_loop3A_302 = arith.index_cast %parallel_loop3A_130 : i32 to index
      %parallel_loop3A_303 = arith.constant 64 : index
      %parallel_loop3A_304 = tpu.vector_load %arg15[%parallel_loop3A_302, %parallel_loop3A_303] {strides = array<i32>} : memref<48x128xf32, #tpu.memory_space<vmem>>, vector<1x16xf32>,
      %parallel_loop3A_305 = vector.shape_cast %parallel_loop3A_304 : vector<1x16xf32> to vector<16xf32>
      %parallel_loop3A_306 = vector.shape_cast %parallel_loop3A_301 : vector<16xf32> to vector<1x16xf32>
      tpu.vector_store %arg15[%parallel_loop3A_302, %parallel_loop3A_303], %parallel_loop3A_306 {strides = array<i32>} : memref<48x128xf32, #tpu.memory_space<vmem>>, vector<1x16xf32>,
      %parallel_loop3A_307 = arith.mulf %parallel_loop3A_208, %parallel_loop3A_276 : vector<16xf32>
      %parallel_loop3A_308 = arith.index_cast %parallel_loop3A_130 : i32 to index
      %parallel_loop3A_309 = arith.constant 80 : index
      %parallel_loop3A_310 = tpu.vector_load %arg15[%parallel_loop3A_308, %parallel_loop3A_309] {strides = array<i32>} : memref<48x128xf32, #tpu.memory_space<vmem>>, vector<1x16xf32>,
      %parallel_loop3A_311 = vector.shape_cast %parallel_loop3A_310 : vector<1x16xf32> to vector<16xf32>
      %parallel_loop3A_312 = vector.shape_cast %parallel_loop3A_307 : vector<16xf32> to vector<1x16xf32>
      tpu.vector_store %arg15[%parallel_loop3A_308, %parallel_loop3A_309], %parallel_loop3A_312 {strides = array<i32>} : memref<48x128xf32, #tpu.memory_space<vmem>>, vector<1x16xf32>,
      %parallel_loop3A_313 = arith.mulf %parallel_loop3A_221, %parallel_loop3A_276 : vector<16xf32>
      %parallel_loop3A_314 = arith.index_cast %parallel_loop3A_130 : i32 to index
      %parallel_loop3A_315 = arith.constant 96 : index
      %parallel_loop3A_316 = tpu.vector_load %arg15[%parallel_loop3A_314, %parallel_loop3A_315] {strides = array<i32>} : memref<48x128xf32, #tpu.memory_space<vmem>>, vector<1x16xf32>,
      %parallel_loop3A_317 = vector.shape_cast %parallel_loop3A_316 : vector<1x16xf32> to vector<16xf32>
      %parallel_loop3A_318 = vector.shape_cast %parallel_loop3A_313 : vector<16xf32> to vector<1x16xf32>
      tpu.vector_store %arg15[%parallel_loop3A_314, %parallel_loop3A_315], %parallel_loop3A_318 {strides = array<i32>} : memref<48x128xf32, #tpu.memory_space<vmem>>, vector<1x16xf32>,
      %parallel_loop3A_319 = arith.mulf %parallel_loop3A_234, %parallel_loop3A_276 : vector<16xf32>
      %parallel_loop3A_320 = arith.index_cast %parallel_loop3A_130 : i32 to index
      %parallel_loop3A_321 = arith.constant 112 : index
      %parallel_loop3A_322 = tpu.vector_load %arg15[%parallel_loop3A_320, %parallel_loop3A_321] {strides = array<i32>} : memref<48x128xf32, #tpu.memory_space<vmem>>, vector<1x16xf32>,
      %parallel_loop3A_323 = vector.shape_cast %parallel_loop3A_322 : vector<1x16xf32> to vector<16xf32>
      %parallel_loop3A_324 = vector.shape_cast %parallel_loop3A_319 : vector<16xf32> to vector<1x16xf32>
      tpu.vector_store %arg15[%parallel_loop3A_320, %parallel_loop3A_321], %parallel_loop3A_324 {strides = array<i32>} : memref<48x128xf32, #tpu.memory_space<vmem>>, vector<1x16xf32>,
    } {sc.loop_unroll_factor = 2 : i64, sc.parallel_access}
    "tpu.region"() ({
      %run_scoped3A = tpu.sem_alloc : memref<!tpu.dma_semaphore, #tpu.memory_space<semaphore_mem>>
      %dma_start3A_130 = arith.constant 0 : i32
      %dma_start3A_131 = arith.constant 0 : i32
      %dma_start3A_132 = tpu.memref_slice %arg15[%dma_start3A_130, %dma_start3A_131] : memref<48x128xf32, #tpu.memory_space<vmem>> -> memref<16x128xf32, #tpu.memory_space<vmem>>
      %dma_start3A_133 = arith.constant 0 : i32
      %dma_start3A_134 = tpu.memref_slice %arg4[%add3A_67, %dma_start3A_133] : memref<320000x128xf32, #tpu.memory_space<hbm>> -> memref<16x128xf32, #tpu.memory_space<hbm>>
      %dma_start3A_135 = arith.constant 0 : i32
      %dma_start3A_136 = tpu.memref_slice %arg4[%add3A_67, %dma_start3A_135] : memref<320000x128xf32, #tpu.memory_space<hbm>> -> memref<16x128xf32, #tpu.memory_space<hbm>>
      %dma_start3A_137 = arith.constant 0 : i32
      %dma_start3A_138 = arith.constant 0 : i32
      %dma_start3A_139 = tpu.memref_slice %arg15[%dma_start3A_137, %dma_start3A_138] : memref<48x128xf32, #tpu.memory_space<vmem>> -> memref<16x128xf32, #tpu.memory_space<vmem>>
      tpu.enqueue_dma source(%dma_start3A_139 : memref<16x128xf32, #tpu.memory_space<vmem>>) target(%dma_start3A_136 : memref<16x128xf32, #tpu.memory_space<hbm>>) target_semaphore(%run_scoped3A : memref<!tpu.dma_semaphore, #tpu.memory_space<semaphore_mem>>)
      %dma_wait3A_140 = arith.constant 0 : i32
      %dma_wait3A_141 = arith.constant 0 : i32
      %dma_wait3A_142 = tpu.memref_slice %arg15[%dma_wait3A_140, %dma_wait3A_141] : memref<48x128xf32, #tpu.memory_space<vmem>> -> memref<16x128xf32, #tpu.memory_space<vmem>>
      %dma_wait3A_143 = arith.constant 0 : i32
      %dma_wait3A_144 = tpu.memref_slice %arg4[%add3A_67, %dma_wait3A_143] : memref<320000x128xf32, #tpu.memory_space<hbm>> -> memref<16x128xf32, #tpu.memory_space<hbm>>
      %dma_wait3A_145 = arith.constant 0 : i32
      %dma_wait3A_146 = tpu.memref_slice %arg4[%add3A_67, %dma_wait3A_145] : memref<320000x128xf32, #tpu.memory_space<hbm>> -> memref<16x128xf32, #tpu.memory_space<hbm>>
      %dma_wait3A_147 = arith.constant 0 : i32
      %dma_wait3A_148 = arith.constant 0 : i32
      %dma_wait3A_149 = tpu.memref_slice %arg15[%dma_wait3A_147, %dma_wait3A_148] : memref<48x128xf32, #tpu.memory_space<vmem>> -> memref<16x128xf32, #tpu.memory_space<vmem>>
      tpu.wait_dma2 semaphore(%run_scoped3A : memref<!tpu.dma_semaphore, #tpu.memory_space<semaphore_mem>>) src(%dma_wait3A_149 : memref<16x128xf32, #tpu.memory_space<vmem>>) dst(%dma_wait3A_146 : memref<16x128xf32, #tpu.memory_space<hbm>>)
      tpu.yield
    }) : () -> ()
    %add3A_124 = arith.constant 9936 : i32
    %add3A_125 = arith.addi %mul3A_2, %add3A_124 : i32
    %dma_wait3A_126 = arith.constant 0 : i32
    %dma_wait3A_127 = tpu.memref_slice %arg4[%add3A_125, %dma_wait3A_126] : memref<320000x128xf32, #tpu.memory_space<hbm>> -> memref<48x128xf32, #tpu.memory_space<hbm>>
    %dma_wait3A_128 = arith.constant 0 : i32
    %dma_wait3A_129 = tpu.memref_slice %arg4[%add3A_125, %dma_wait3A_128] : memref<320000x128xf32, #tpu.memory_space<hbm>> -> memref<48x128xf32, #tpu.memory_space<hbm>>
    tpu.wait_dma2 semaphore(%arg22 : memref<!tpu.dma_semaphore, #tpu.memory_space<semaphore_mem>>) src(%arg16 : memref<48x128xf32, #tpu.memory_space<vmem>>) dst(%dma_wait3A_129 : memref<48x128xf32, #tpu.memory_space<hbm>>)
    return
  }
}

</mosaic_0001>

<sc_bundles>
// kernel: kernel.3.cloned.1.call-start
scs
__scs_entry_jumppad:
0x0: {  	(pc) =	sbr.rel $0x88, $3  }
0x1: {  	(tag) =	ssettag $0x0;
	lr =	simm.s32 $0x1  }
0x2: {  	[smem:$0x3F9F] =	sst lr;
	_ =	strace $0xD0000000  }
0x3: {  	_ = 	snop  }
0x4: {  	_ = 	snop  }
0x5: {  	_ = 	snop  }
0x6: {  	_ = 	snop  }
0x7: {  	_ = 	snop  }
__scs_overlays_trampoline_lowered:
0x8: {  	[smem:$0x3FAE] =	sst s0  }
0x9: {  	[smem:$0x3FAF] =	sst s1  }
0xa: {  	[smem:$0x3FB0] =	sst s2  }
0xb: {  	[smem:$0x3FB1] =	sst s3  }
0xc: {  	[smem:$0x3FB2] =	sst s4  }
0xd: {  	[smem:$0x3FB3] =	sst s5  }
0xe: {  	[smem:$0x3FB4] =	sst s6  }
0xf: {  	[smem:$0x3FB5] =	sst s7  }
0x10: {  	[smem:$0x3FB6] =	sst s8  }
0x11: {  	[smem:$0x3FB7] =	sst s9;
	s0 =	simm.s32 @!p0 $0x0  }
0x12: {  	s1 =	sld [smem:$0x3F9D];
	s0 =	simm.s32 @p0 $0x1  }
0x13: {  	[smem:$0x3FB8] =	sst s0;
	s0 =	simm.s32 @!p1 $0x0  }
0x14: {  	s2 =	sld [smem:$0x3F9C];
	s0 =	simm.s32 @p1 $0x1  }
0x15: {  	[smem:$0x3FB9] =	sst s0;
	s0 =	simm.s32 @!p2 $0x0  }
0x16: {  	s3 =	sld [smem:$0x3FDB];
	s0 =	simm.s32 @p2 $0x1  }
0x17: {  	s4 =	simm.s32 $0x1BF5;
	[smem:$0x3FBB] =	sst s0  }
0x18: {  	s0 =	sld [smem:$0x3F9E];
	_ =	swait.ge [sflag:s4], $0x0  }
0x19: {  	s7 =	sld [smem:$0x3F9F]  }
0x1a: {  	s8 =	sadd.s32 $0xFFFFE003, lr  }
0x1b: {  	s9 =	sadd.s32 $0xFFFFFEF7, lr;
	s5 =	simm.s32 $0xFFFFFFFF;
	p2 =	slt.u32 s8, $0xFFFFF086  }
0x1c: {  	p1 =	slt.u32 s9, $0xF7A;
	s5 =	simm.s32 @!p2 $0x0  }
0x1d: {  	s5 =	simm.s32 @p1 $0x1;
	p0 =	seq.s32 s7, s2  }
0x1e: {  	s7 =	smul.u32 @!p0 $0xF7A, s2;
	p2 =	seq.s32 @!p0 s5, $0x0  }
0x1f: {  	s9 =	smul.u32 $0xF7A, s1;
	s8 =	simm.s32 @!p0 $0x1BF5;
	p2 =	por !p2, p0  }
0x20: {  	[sflag:s8] =	ssyncset.s32 @!p0 $0xFFFFF086;
	s6 =	sadd.s32 @!p0 s3, s7;
	s7 =	simm.s32 @!p0 $0x108  }
0x21: {  	s3 =	sadd.s32 s3, s9;
	s6 =	sadd.s32 @!p0 $0x88, s6;
	s7 =	simm.s32 @p2 $0x1082  }
0x22: {  	[simem:s7], [sflag:s8] =	dma.local @!p0 [hbm:s6], $0xF7A  }
0x23: {  	s9 =	sor.u32 $0xD0000000, s2;
	s6 =	simm.s32 $0x108;
	_ =	swait.ge @!p0 [sflag:s8], $0x0  }
0x24: {  	s3 =	sadd.s32 $0x88, s3;
	s6 =	simm.s32 @!p1 $0x1082;
	[sflag:s4] =	ssyncset.s32 $0xFFFFF086  }
0x25: {  	[simem:s6], [sflag:s4] =	dma.local [hbm:s3], $0xF7A  }
0x26: {  	[smem:$0x3F9F] =	sst s1;
	(tag) =	ssettag s2;
	_ =	strace s9  }
0x27: {  	s1 =	sld [smem:$0x3FAF]  }
0x28: {  	s2 =	sld [smem:$0x3FB0]  }
0x29: {  	s4 =	sld [smem:$0x3FB2]  }
0x2a: {  	p0 =	seq.s32 s5, $0x0;
	s5 =	sld [smem:$0x3FB3]  }
0x2b: {  	s6 =	sld [smem:$0x3FB4]  }
0x2c: {  	s7 =	sld [smem:$0x3FB5]  }
0x2d: {  	s3 =	simm.s32 $0x108;
	s8 =	sld [smem:$0x3FB6]  }
0x2e: {  	s3 =	simm.s32 @!p0 $0x1082;
	s9 =	sld [smem:$0x3FB7]  }
0x2f: {  	lr =	sadd.s32 s0, s3;
	s0 =	sld [smem:$0x3FAE]  }
0x30: {  	s3 =	sld [smem:$0x3FB1]  }
0x31: {  	[smem:$0x3FBA] =	sst s10  }
0x32: {  	s10 =	sld [smem:$0x3FB8];
	_ =	sdelay $0x3  }
0x33: {  	p0 =	seq.s32 s10, $0x1;
	s10 =	sld [smem:$0x3FBA];
	_ =	sdelay $0x3  }
0x34: {  	[smem:$0x3FBA] =	sst s10  }
0x35: {  	s10 =	sld [smem:$0x3FB9];
	_ =	sdelay $0x3  }
0x36: {  	p1 =	seq.s32 s10, $0x1;
	s10 =	sld [smem:$0x3FBA];
	_ =	sdelay $0x3  }
0x37: {  	[smem:$0x3FBA] =	sst s10  }
0x38: {  	s10 =	sld [smem:$0x3FBB]  }
0x39: {  	_ = 	snop;
	(pc) =	sbr.ind lr, $3  }
0x3a: {  	_ = 	snop  }
0x3b: {  	_ = 	snop  }
0x3c: {  	p2 =	seq.s32 s10, $0x1;
	s10 =	sld [smem:$0x3FBA]  }
0x3d: {  	_ =	shalt  }
0x3e: {  	_ =	shalt  }
0x3f: {  	_ =	shalt  }
0x40: {  	_ =	shalt  }
0x41: {  	_ =	shalt  }
0x42: {  	_ =	shalt  }
0x43: {  	_ =	shalt  }
0x44: {  	_ =	shalt  }
0x45: {  	_ =	shalt  }
0x46: {  	_ =	shalt  }
0x47: {  	_ =	shalt  }
0x48: {  	_ =	shalt  }
0x49: {  	_ =	shalt  }
0x4a: {  	_ =	shalt  }
0x4b: {  	_ =	shalt  }
0x4c: {  	_ =	shalt  }
0x4d: {  	_ =	shalt  }
0x4e: {  	_ =	shalt  }
0x4f: {  	_ =	shalt  }
0x50: {  	_ =	shalt  }
0x51: {  	_ =	shalt  }
0x52: {  	_ =	shalt  }
0x53: {  	_ =	shalt  }
0x54: {  	_ =	shalt  }
0x55: {  	_ =	shalt  }
0x56: {  	_ =	shalt  }
0x57: {  	_ =	shalt  }
0x58: {  	_ =	shalt  }
0x59: {  	_ =	shalt  }
0x5a: {  	_ =	shalt  }
0x5b: {  	_ =	shalt  }
0x5c: {  	_ =	shalt  }
0x5d: {  	_ =	shalt  }
0x5e: {  	_ =	shalt  }
0x5f: {  	_ =	shalt  }
0x60: {  	_ =	shalt  }
0x61: {  	_ =	shalt  }
0x62: {  	_ =	shalt  }
0x63: {  	_ =	shalt  }
0x64: {  	_ =	shalt  }
0x65: {  	_ =	shalt  }
0x66: {  	_ =	shalt  }
0x67: {  	_ =	shalt  }
0x68: {  	_ =	shalt  }
0x69: {  	_ =	shalt  }
0x6a: {  	_ =	shalt  }
0x6b: {  	_ =	shalt  }
0x6c: {  	_ =	shalt  }
0x6d: {  	_ =	shalt  }
0x6e: {  	_ =	shalt  }
0x6f: {  	_ =	shalt  }
0x70: {  	_ =	shalt  }
0x71: {  	_ =	shalt  }
0x72: {  	_ =	shalt  }
0x73: {  	_ =	shalt  }
0x74: {  	_ =	shalt  }
0x75: {  	_ =	shalt  }
0x76: {  	_ =	shalt  }
0x77: {  	_ =	shalt  }
0x78: {  	_ =	shalt  }
0x79: {  	_ =	shalt  }
0x7a: {  	_ =	shalt  }
0x7b: {  	_ =	shalt  }
0x7c: {  	_ =	shalt  }
0x7d: {  	_ =	shalt  }
0x7e: {  	_ =	shalt  }
0x7f: {  	_ =	shalt  }
0x80: {  	_ =	shalt  }
0x81: {  	_ =	shalt  }
0x82: {  	_ =	shalt  }
0x83: {  	_ =	shalt  }
0x84: {  	_ =	shalt  }
0x85: {  	_ =	shalt  }
0x86: {  	_ =	shalt  }
0x87: {  	_ =	shalt  }
.Lfunc_end0:
.L_simem_size_0:
called_computation_lowered:
.L_overlay_start_0:
0x88: {  	s2 =	sld [smem:$0x3FD9]  }
0x89: {  	s3 =	sld [smem:$0x3FFE];
	_ =	sdelay $0x1  }
0x8a: {  	s1 =	srdreg.scid  }
0x8b: {  	s0 =	sand.u32 $0x1, s1  }
0x8c: {  	s17 =	sshll.u32 s0, $0xA;
	s2 =	sadd.s32 s3, s2  }
0x8d: {  	s2 =	sadd.s32 s2, s17  }
0x8e: {  	[smem:$0x3FC6] =	sst s2  }
0x8f: {  	_ = 	snop  }
0x90: {  	s2 =	sld [smem:$0x3FC9]  }
0x91: {  	s18 =	sld [smem:$0x3FD0];
	(tm) =	ssettm $0x1  }
0x92: {  	s4 =	sld [smem:$0x3FFB];
	_ =	sdelay $0x3  }
0x93: {  	_ =	strace s4  }
0x94: {  	s4 =	sld [smem:$0x3FFC];
	_ =	sdelay $0x3  }
0x95: {  	_ =	strace s4  }
0x96: {  	s4 =	sld [smem:$0x3FFD];
	_ =	sdelay $0x3  }
0x97: {  	_ =	strace s4  }
0x98: {  	_ =	strace $0x8FFFFFFF  }
0x99: {  	s19 =	sld [smem:$0x3FDB];
	_ =	sdelay $0x1  }
0x9a: {  	s5 =	simm.s32 $_scs_section_size  }
0x9b: {  	s6 =	simm.s32 $_size__tile_overlayer_lowered;
	s7 =	simm.s32 $_tile_overlayer_lowered  }
0x9c: {  	s22 =	simm.s32 $0x1BFF;
	s21 =	sshll.u32 s7, $0x1;
	s4 =	sadd.s32 s5, s19  }
0x9d: {  	s8 =	simm.s32 $0x0;
	s20 =	sshll.u32 s6, $0x1;
	s6 =	sadd.s32 s21, s4  }
0x9e: {  	[timem:s8], [sflag:s22] =	dma.local [hbm:s6], s20  }
0x9f: {  	_ =	swait.ge [sflag:s22], s20  }
0xa0: {  	s5 =	ssub.s32 $0x0, s20;
	[sflag:s22] =	ssyncset.done $0x0  }
0xa1: {  	[sflag:s22] =	ssyncadd.s32 s5;
	_ =	sdelay $0x1  }
0xa2: {  	s23 =	simm.s32 $0x1B8B  }
0xa3: {  	_ =	swait.ge [sflag:s23], $0x1  }
0xa4: {  	[sflag:s23] =	ssyncset.done $0x0  }
0xa5: {  	s25 =	simm.s32 $0x1B8E;
	s24 =	sld [smem:$0x3FFE];
	[sflag:s23] =	ssyncadd.s32 $0xFFFFFFFF  }
0xa6: {  	s26 =	simm.s32 $execute0_lowered;
	[smem:$0x3FD2] =	sst s25  }
0xa7: {  	s6 =	sshll.u32 s26, $0x1;
	_ =	strace $0x80000046;
	[dreg:$0x1] =	wrdreg $0xFFFFFFFF  }
0xa8: {  	s28 =	simm.s32 $_size_execute0_lowered;
	s4 =	sadd.s32 s4, s6;
	[dreg:$0x0] =	wrdreg $0x0  }
0xa9: {  	s6 =	sshll.u32 s28, $0x1;
	[dreg:$0x2] =	wrdreg s4  }
0xaa: {  	[dreg:$0x3] =	wrdreg s6  }
0xab: {  	[dreg:$0x4] =	wrdreg $0xC0  }
0xac: {  	_ =	task [dreg:s8], $0x5FFFF  }
0xad: {  	[dreg:$0x1] =	wrdreg $0xFFFFFFFF  }
0xae: {  	[dreg:$0x0] =	wrdreg $0x60  }
0xaf: {  	[dreg:$0x2] =	wrdreg s2  }
0xb0: {  	[dreg:$0x3] =	wrdreg s24  }
0xb1: {  	[dreg:$0x4] =	wrdreg s18  }
0xb2: {  	[dreg:$0x5] =	wrdreg $0x0  }
0xb3: {  	[dreg:$0x6] =	wrdreg $0x9  }
0xb4: {  	_ =	task.clear_ibuf [dreg:s8], $0x7FFFF;
	_ =	strace $0x90000046  }
0xb5: {  	s29 =	simm.s32 $0x9;
	_ =	strace $0x80000048  }
0xb6: {  	_ =	swait.ge [sflag:s29], $0x1  }
0xb7: {  	[sflag:s29] =	ssyncadd.s32 $0xFFFFFFFF  }
0xb8: {  	_ =	strace $0x90000048  }
0xb9: {  	_ =	sfence  }
0xba: {  	s30 =	sld [smem:$0x0];
	_ =	sdelay $0x2  }
0xbb: {  	s31 =	sshll.u32 s1, $0xD;
	s1 =	sshrl.u32 s1, $0x2  }
0xbc: {  	s3 =	sand.u32 $0x4000, s31;
	s1 =	sadd.s32 s1, s30  }
0xbd: {  	s0 =	sor.u32 s3, s0;
	s1 =	sshll.u32 s1, $0x11  }
0xbe: {  	s0 =	sor.u32 s1, s0  }
0xbf: {  	s0 =	sadd.s32 $0x8F2B, s0  }
0xc0: {  	[sflag:s0] =	ssyncadd.remote.s32 $0x1  }
0xc1: {  	_ =	sfence.sel $0xFFFF  }
0xc2: {  	[dreg:$0x0] =	wrdreg $0xFFFFFFFF;
	(pc) =	sbr.abs _section_cstart, $3  }
0xc3: {  	[dreg:$0x1] =	wrdreg $0xFFFFFFFF  }
0xc4: {  	_ =	task.clear_ibuf [dreg:s8], $0x2FFFF;
	_ =	strace $0x9FFFFFFF  }
0xc5: {  	(tm) =	ssettm $0x7FFFFFFF  }
tec
execute0_lowered:
.L_overlay_start_1:
0x0: {  	(tag) =	ssettag $0x1  }
0x1: {  	s0 =	rddreg [dreg:$0x0]  }
0x2: {  	s6 =	rddreg [dreg:$0x1]  }
0x3: {  	s1 =	rddreg [dreg:$0x2]  }
0x4: {  	s2 =	rddreg [dreg:$0x3];
	s4 =	srdreg.scid  }
0x5: {  	s3 =	simm.s32 $0x0;
	s7 =	stileid.u32;
	s15 =	simm.s32 $0x30  }
0x6: {  	s17 =	simm.s32 $0x16000;
	s18 =	simm.s32 $0x16200;
	s19 =	simm.s32 $0x16100  }
0x7: {  	s20 =	simm.s32 $0x16080;
	s21 =	simm.s32 $0x17A00;
	s28 =	simm.s32 $0x2  }
0x8: {  	s29 =	simm.s32 $0x4;
	s30 =	simm.s32 $0x1DA00;
	s31 =	simm.s32 $0x10  }
0x9: {  	s14 =	simm.s32 $0x6;
	s16 =	simm.s32 $0x0;
	s4 =	sand.u32 $0x1, s4  }
0xa: {  	v0 =	vimm.s32 $0xFEDCBA98;
	v1 =	vimm.s32 $0x76543210;
	[smem:$0x7FF] =	sst s3;
	s8 =	sshll.u32 s7, $0x1;
	s10 =	smul.u32 $0x4E000, s7  }
0xb: {  	v2 =	vimm.s32 $0xBA98FEDC;
	v3 =	vimm.s32 $0x32107654;
	s23 =	sshll.u32 s7, $0x6;
	s12 =	smul.u32 $0x2700, s7;
	s13 =	sadd.s32 $0x27000, s0  }
0xc: {  	v4 =	vimm.s32 $0xDCFE98BA;
	v5 =	vimm.s32 $0x54761032;
	v6 =	vimm.s32 $0xEFCDAB89;
	p0 =	sne.s32 s7, $0x0;
	s5 =	ssub.s32 $0x2, s4;
	s8 =	sor.u32 s4, s8  }
0xd: {  	v7 =	vimm.s32 $0x67452301;
	_ =	strace $0x80000047;
	[dreg:$0x5] =	wrdreg s13;
	s4 =	smul.u32 $0x2710, s8  }
0xe: {  	v0 =	vunpack.c.l.s4.s8 v0;
	v1 =	vunpack.c.l.s4.s8 v1;
	v2 =	vunpack.c.l.s4.s8 v2;
	s9 =	sshrl.u32 s5, $0x1;
	s22 =	sshrl.u32 s10, $0x2;
	s8 =	smul.u32 $0x138800, s8  }
0xf: {  	v3 =	vunpack.c.l.s4.s8 v3;
	v4 =	vunpack.c.l.s4.s8 v4;
	v5 =	vunpack.c.l.s4.s8 v5;
	s10 =	sadd.s32 $0x138000, s2;
	s0 =	sadd.s32 s0, s12;
	s12 =	simm.s32 $0x7  }
0x10: {  	v6 =	vunpack.c.l.s4.s8 v6;
	v7 =	vunpack.c.l.s4.s8 v7;
	v0 =	vunpack.c.0.s8.s32 v0;
	s9 =	ssub.s32 s5, s9;
	s11 =	sadd.s32 s22, s2;
	s5 =	sor.u32 $0x1C07, s23  }
0x11: {  	v2 =	vunpack.c.0.s8.s32 v2;
	v3 =	vunpack.c.0.s8.s32 v3;
	v4 =	vunpack.c.0.s8.s32 v4;
	[dreg:$0x6] =	wrdreg s0;
	s13 =	sshrl.u32 @!p0 s10, $0x3;
	s22 =	simm.s32 $0x16180  }
0x12: {  	v5 =	vunpack.c.0.s8.s32 v5;
	v6 =	vunpack.c.0.s8.s32 v6;
	v7 =	vunpack.c.0.s8.s32 v7;
	s23 =	simm.s32 $0x1AA00;
	s8 =	sshrl.u32 s8, $0x3;
	s24 =	sshrl.u32 s4, $0x3  }
0x13: {  	v1 =	vunpack.c.0.s8.s32 v1;
	s26 =	smax.u32 s9, $0x1;
	s11 =	sshrl.u32 s11, $0x3;
	v2 =	vcombine.low v3, v2;
	s8 =	sadd.s32 s1, s8  }
0x14: {  	v3 =	vcombine.low v5, v4;
	v4 =	vcombine.low v7, v6;
	v0 =	vand.u32 $0xF, v0;
	s0 =	sadd.s32 s6, s24;
	[dreg:$0x9] =	wrdreg s26;
	s24 =	simm.s32 $0x1  }
0x15: {  	s26 =	simm.s32 $0x1C200;
	v0 =	vcombine.low v0, v1;
	[dreg:$0x7] =	wrdreg s0;
	s25 =	sadd.s32 $0x27000, s8  }
0x16: {  	v1 =	vand.u32 $0xF, v2;
	v2 =	vand.u32 $0xF, v3;
	v3 =	vand.u32 $0xF, v4;
	s0 =	simm.s32 $0x5;
	[dreg:$0x8] =	wrdreg s25;
	s25 =	simm.s32 $0x3  }
.LBB2_1:
0x17: {  	s6 =	rddreg [dreg:$0x6]  }
0x18: {  	[spmem:s11], [sflag:s5] =	dma.local [hbm:s6], $0x2700  }
0x19: {  	_ =	swait.ge [sflag:s12], $0x2700  }
0x1a: {  	[sflag:s12] =	ssyncset.done $0x0  }
0x1b: {  	s6 =	rddreg [dreg:$0x5];
	[sflag:s12] =	ssyncadd.s32 $0xFFFFD900  }
0x1c: {  	[spmem:s13], [sflag:s5] =	dma.local @!p0 [hbm:s6], $0x100  }
0x1d: {  	s6 =	simm.s32 @!p0 $0x7  }
0x1e: {  	_ =	swait.ge @!p0 [sflag:s6], $0x100  }
0x1f: {  	[sflag:s6] =	ssyncset.done @!p0 $0x0  }
0x20: {  	s7 =	simm.s32 $0x13880;
	s10 =	rddreg [dreg:$0x7];
	[sflag:s6] =	ssyncadd.s32 @!p0 $0xFFFFFF00  }
0x21: {  	[tilespmem:s7], [sflag:$0x7] =	stream.linear.gather [hbm4b:s10+s3], $0x2710, $0x38;
	[tilespmem:$0x1F200] =	vst v63  }
0x22: {  	_ =	swait.ge [sflag:s12], $0x2710  }
0x23: {  	[sflag:s12] =	ssyncset.done $0x0  }
0x24: {  	[sflag:s12] =	ssyncadd.s32 $0xFFFFD8F0  }
0x25: {  	[bflag:$0x0] =	sbarrier.arrive $0xFFFF  }
0x26: {  	v4 =	vld [tilespmem:$0x13880];
	_ =	sdelay $0x1  }
0x27: {  	v5 =	vld [tilespmem:$0x13890];
	_ =	sdelay $0x1  }
0x28: {  	v6 =	vld [tilespmem:$0x138A0]  }
0x29: {  	v7 =	vand.u32 $0xFFFF, v4  }
0x2a: {  	v4 =	vshrl.u32 v4, $0x10;
	[tilespmem:$0x16000] =	vst v7  }
0x2b: {  	[tilespmem:$0x16100] =	vst v4;
	v4 =	vand.u32 $0xFFFF, v5  }
0x2c: {  	[tilespmem:$0x16010] =	vst v4;
	v4 =	vshrl.u32 v5, $0x10  }
0x2d: {  	[tilespmem:$0x16110] =	vst v4;
	v4 =	vand.u32 $0xFFFF, v6  }
0x2e: {  	[tilespmem:$0x16020] =	vst v4;
	v4 =	vshrl.u32 v6, $0x10  }
0x2f: {  	[tilespmem:$0x16120] =	vst v4  }
0x30: {  	[tilespmem:s18], [sflag:$0x1] =	stream.indirect.gather [spmem:s2], $0x80, s17, s15, $0xb8;
	[tilespmem:$0x1F200] =	vst v63  }
0x31: {  	s18 =	simm.s32 $0x19200;
	s17 =	simm.s32 $0x0  }
0x32: {  	[tilespmem:s18], [sflag:$0x3] =	stream.indirect.gather [spmem:s2], $0x80, s19, s15, $0xb8;
	[tilespmem:$0x1F200] =	vst v63  }
.LBB2_2:
0x33: {  	s19 =	smul.u32 $0x60, s17;
	_ =	sdelay $0x1  }
0x34: {  	v4 =	vld [tilespmem:s19+$0x138B0];
	_ =	sdelay $0x4  }
0x35: {  	v5 =	vand.u32 $0xFFFF, v4  }
0x36: {  	v4 =	vshrl.u32 v4, $0x10;
	[tilespmem:$0x16080] =	vst v5  }
0x37: {  	[tilespmem:$0x16180] =	vst v4  }
0x38: {  	v4 =	vld [tilespmem:s19+$0x138C0];
	_ =	sdelay $0x4  }
0x39: {  	v5 =	vand.u32 $0xFFFF, v4  }
0x3a: {  	v4 =	vshrl.u32 v4, $0x10;
	[tilespmem:$0x16090] =	vst v5  }
0x3b: {  	[tilespmem:$0x16190] =	vst v4  }
0x3c: {  	v4 =	vld [tilespmem:s19+$0x138D0];
	_ =	sdelay $0x4  }
0x3d: {  	v5 =	vand.u32 $0xFFFF, v4  }
0x3e: {  	v4 =	vshrl.u32 v4, $0x10;
	[tilespmem:$0x160A0] =	vst v5  }
0x3f: {  	[tilespmem:$0x161A0] =	vst v4  }
0x40: {  	[tilespmem:s21], [sflag:$0x2] =	stream.indirect.gather [spmem:s2], $0x80, s20, s15, $0xb8;
	[tilespmem:$0x1F200] =	vst v63  }
0x41: {  	_ = 	snop  }
0x42: {  	[tilespmem:s23], [sflag:$0x4] =	stream.indirect.gather [spmem:s2], $0x80, s22, s15, $0xb8;
	[tilespmem:$0x1F200] =	vst v63  }
0x43: {  	_ =	swait.ge [sflag:s24], $0x1800  }
0x44: {  	[sflag:s24] =	ssyncset.done $0x0  }
0x45: {  	[sflag:s24] =	ssyncadd.s32 $0xFFFFE800  }
0x46: {  	_ =	swait.ge [sflag:s25], $0x1800  }
0x47: {  	p1 =	seq.s32 s17, $0x0;
	[sflag:s25] =	ssyncset.done $0x0  }
0x48: {  	s6 =	simm.s32 @!p1 $0x5;
	[sflag:s25] =	ssyncadd.s32 $0xFFFFE800  }
0x49: {  	_ =	swait.ge @!p1 [sflag:s6], $0x1800  }
0x4a: {  	[sflag:s6] =	ssyncset.done @!p1 $0x0  }
0x4b: {  	s7 =	simm.s32 $0x16280;
	[sflag:s6] =	ssyncadd.s32 @!p1 $0xFFFFE800  }
0x4c: {  	s9 =	simm.s32 $0x19280;
	v4 =	vld [tilespmem:s7+$0x0]  }
0x4d: {  	v5 =	vld [tilespmem:s9+$0x0]  }
0x4e: {  	v6 =	vld [tilespmem:s7+$0x10]  }
0x4f: {  	v7 =	vld [tilespmem:s9+$0x10]  }
0x50: {  	v8 =	vld [tilespmem:s7+$0x20]  }
0x51: {  	v9 =	vld [tilespmem:s9+$0x20]  }
0x52: {  	v10 =	vld [tilespmem:s7+$0x30]  }
0x53: {  	v4 =	vmul.f32 v5, v4;
	v5 =	vld [tilespmem:s9+$0x30]  }
0x54: {  	v11 =	vld [tilespmem:s9+$0x40];
	v6 =	vmul.f32 v7, v6  }
0x55: {  	v7 =	vld [tilespmem:s7+$0x40];
	v4 =	vmin.f32 v4, $8.000000000e+01  }
0x56: {  	v12 =	vld [tilespmem:s9+$0x50];
	v8 =	vmul.f32 v9, v8;
	v6 =	vmin.f32 v6, $8.000000000e+01;
	v4 =	vmul.f32 $1.442695020e+00, v4  }
0x57: {  	v9 =	vld [tilespmem:s7+$0x50];
	v6 =	vmul.f32 $1.442695020e+00, v6  }
0x58: {  	(erf) = vpow2.f32 v4;
	v4 =	vmin.f32 v8, $8.000000000e+01;
	v5 =	vmul.f32 v5, v10;
	v8 =	vld [tilespmem:s7+$0x60]  }
0x59: {  	(erf) = vpow2.f32 v6;
	v4 =	vmul.f32 $1.442695020e+00, v4;
	v6 =	vld [tilespmem:s9+$0x60]  }
0x5a: {  	v10 =	vld [tilespmem:s7+$0x70];
	v7 =	vmul.f32 v11, v7;
	v5 =	vmin.f32 v5, $8.000000000e+01  }
0x5b: {  	v11 =	vld [tilespmem:s9+$0x70];
	v5 =	vmul.f32 $1.442695020e+00, v5;
	(erf) = vpow2.f32 v4  }
0x5c: {  	v4 =	vmin.f32 v7, $8.000000000e+01;
	v7 =	vmul.f32 v12, v9  }
0x5d: {  	v4 =	vmul.f32 $1.442695020e+00, v4;
	(erf) = vpow2.f32 v5  }
0x5e: {  	v5 =	vmin.f32 v7, $8.000000000e+01;
	v6 =	vmul.f32 v6, v8  }
0x5f: {  	v5 =	vmul.f32 $1.442695020e+00, v5;
	(erf) = vpow2.f32 v4  }
0x60: {  	v13 =	vld [tilespmem:s7+$0xFFFFFFC0];
	v4 =	vmul.f32 v11, v10;
	v6 =	vmin.f32 v6, $8.000000000e+01  }
0x61: {  	v9 =	vld [tilespmem:s7+$0xFFFFFF80];
	(erf) = vpow2.f32 v5;
	v17 =	vpop (erf);
	v6 =	vmul.f32 $1.442695020e+00, v6  }
0x62: {  	v12 =	vld [tilespmem:s9+$0xFFFFFFB0];
	v4 =	vmin.f32 v4, $8.000000000e+01;
	v20 =	vpop (erf)  }
0x63: {  	v7 =	vld [tilespmem:s7+$0xFFFFFF90];
	v4 =	vmul.f32 $1.442695020e+00, v4;
	v8 =	vadd.f32 v20, v17;
	(erf) = vpow2.f32 v6  }
0x64: {  	v5 =	vld [tilespmem:s9+$0xFFFFFF80];
	v24 =	vpop (erf)  }
0x65: {  	v10 =	vld [tilespmem:s9+$0xFFFFFFA0];
	(erf) = vpow2.f32 v4;
	v8 =	vadd.f32 v24, v8  }
0x66: {  	v6 =	vld [tilespmem:s9+$0xFFFFFF90];
	v21 =	vpop (erf)  }
0x67: {  	v11 =	vld [tilespmem:s7+$0xFFFFFFB0];
	v8 =	vadd.f32 v21, v8  }
0x68: {  	v4 =	vld [tilespmem:s7+$0xFFFFFFA0];
	v23 =	vpop (erf)  }
0x69: {  	v5 =	vmul.f32 v5, v9;
	v9 =	vld [tilespmem:s9+$0xFFFFFFC0];
	v8 =	vadd.f32 v23, v8  }
0x6a: {  	v15 =	vld [tilespmem:s9+$0xFFFFFFE0];
	v22 =	vpop (erf)  }
0x6b: {  	v16 =	vld [tilespmem:s9+$0xFFFFFFF0];
	v5 =	vmin.f32 v5, $8.000000000e+01;
	v6 =	vmul.f32 v6, v7;
	v8 =	vadd.f32 v22, v8  }
0x6c: {  	v11 =	vmul.f32 v12, v11;
	v7 =	vld [tilespmem:s7+$0xFFFFFFD0];
	v5 =	vmul.f32 $1.442695020e+00, v5;
	v25 =	vpop (erf)  }
0x6d: {  	v4 =	vmul.f32 v10, v4;
	v10 =	vld [tilespmem:s9+$0xFFFFFFD0];
	v6 =	vmin.f32 v6, $8.000000000e+01;
	v8 =	vadd.f32 v25, v8  }
0x6e: {  	v12 =	vld [tilespmem:s7+$0xFFFFFFE0];
	(erf) = vpow2.f32 v5;
	v5 =	vmul.f32 v9, v13;
	v9 =	vmin.f32 v11, $8.000000000e+01;
	v14 =	vpop (erf)  }
0x6f: {  	v11 =	vld [tilespmem:s7+$0xFFFFFFF0];
	v6 =	vmul.f32 $1.442695020e+00, v6;
	v4 =	vmin.f32 v4, $8.000000000e+01;
	v8 =	vadd.f32 v14, v8  }
0x70: {  	s10 =	simm.s32 $0x16380;
	v9 =	vmul.f32 $1.442695020e+00, v9;
	v4 =	vmul.f32 $1.442695020e+00, v4  }
0x71: {  	s18 =	simm.s32 $0x19380;
	v28 =	vld [tilespmem:s10+$0xFFFFFFB0];
	(erf) = vpow2.f32 v6;
	v13 =	vperm.xlane v8, v0  }
0x72: {  	v29 =	vld [tilespmem:s18+$0xFFFFFFB0];
	v5 =	vmin.f32 v5, $8.000000000e+01;
	v6 =	vmul.f32 v10, v7;
	(erf) = vpow2.f32 v4  }
0x73: {  	v4 =	vld [tilespmem:s10+$0x0];
	(erf) = vpow2.f32 v9;
	v9 =	vmul.f32 v15, v12;
	v7 =	vadd.f32 v8, v13  }
0x74: {  	v5 =	vmul.f32 $1.442695020e+00, v5;
	v11 =	vmul.f32 v16, v11;
	v6 =	vmin.f32 v6, $8.000000000e+01;
	v8 =	vld [tilespmem:s18+$0x0]  }
0x75: {  	v10 =	vld [tilespmem:s10+$0x10];
	v6 =	vmul.f32 $1.442695020e+00, v6;
	v9 =	vmin.f32 v9, $8.000000000e+01;
	v12 =	vperm.xlane v7, v1  }
0x76: {  	(erf) = vpow2.f32 v5;
	v5 =	vld [tilespmem:s18+$0x10];
	v9 =	vmul.f32 $1.442695020e+00, v9  }
0x77: {  	v11 =	vmin.f32 v11, $8.000000000e+01;
	(erf) = vpow2.f32 v6;
	v6 =	vld [tilespmem:s18+$0x20];
	v7 =	vadd.f32 v7, v12  }
0x78: {  	(erf) = vpow2.f32 v9;
	v9 =	vmul.f32 $1.442695020e+00, v11;
	v12 =	vld [tilespmem:s10+$0x20]  }
0x79: {  	v11 =	vld [tilespmem:s18+$0x30];
	v4 =	vmul.f32 v8, v4;
	v13 =	vperm.xlane v7, v2  }
0x7a: {  	v8 =	vld [tilespmem:s10+$0x30]  }
0x7b: {  	v5 =	vmul.f32 v5, v10;
	v10 =	vld [tilespmem:s10+$0x40];
	v4 =	vmin.f32 v4, $8.000000000e+01;
	v7 =	vadd.f32 v7, v13  }
0x7c: {  	v27 =	vpop (erf);
	(erf) = vpow2.f32 v9;
	v9 =	vld [tilespmem:s18+$0x40];
	v4 =	vmul.f32 $1.442695020e+00, v4  }
0x7d: {  	v16 =	vld [tilespmem:s18+$0x50];
	v32 =	vpop (erf);
	v5 =	vmin.f32 v5, $8.000000000e+01;
	v6 =	vmul.f32 v6, v12;
	v13 =	vperm.xlane v7, v3  }
0x7e: {  	v15 =	vadd.f32 v32, v27;
	v5 =	vmul.f32 $1.442695020e+00, v5;
	v12 =	vld [tilespmem:s10+$0x50];
	(erf) = vpow2.f32 v4  }
0x7f: {  	v33 =	vpop (erf);
	v6 =	vmin.f32 v6, $8.000000000e+01;
	v4 =	vadd.f32 v7, v13;
	v7 =	vmul.f32 v11, v8;
	v8 =	vld [tilespmem:s10+$0x60]  }
0x80: {  	(erf) = vpow2.f32 v5;
	v11 =	vadd.f32 v33, v15;
	v5 =	vmul.f32 $1.442695020e+00, v6;
	v6 =	vld [tilespmem:s18+$0x60]  }
0x81: {  	v31 =	vpop (erf);
	v13 =	vld [tilespmem:s10+$0x70];
	(erf) = vrcp.f32 v4;
	v4 =	vmin.f32 v7, $8.000000000e+01;
	v7 =	vmul.f32 v9, v10  }
0x82: {  	v9 =	vld [tilespmem:s18+$0x70];
	v11 =	vadd.f32 v31, v11;
	v10 =	vmul.f32 $1.442695020e+00, v4  }
0x83: {  	v18 =	vld [tilespmem:s18+$0xFFFFFF90];
	(erf) = vpow2.f32 v5;
	v5 =	vmin.f32 v7, $8.000000000e+01;
	v7 =	vmul.f32 v16, v12  }
0x84: {  	v19 =	vld [tilespmem:s10+$0xFFFFFF80];
	v28 =	vmul.f32 v29, v28;
	v4 =	vpop (erf);
	(erf) = vpow2.f32 v10  }
0x85: {  	v12 =	vld [tilespmem:s10+$0xFFFFFF90];
	v8 =	vmul.f32 v6, v8;
	v10 =	vadd.f32 v4, v11;
	v7 =	vmin.f32 v7, $8.000000000e+01  }
0x86: {  	v15 =	vld [tilespmem:s18+$0xFFFFFF80];
	v16 =	vmul.f32 $1.442695020e+00, v5;
	v5 =	vpop (erf);
	v11 =	vmul.f32 $1.442695020e+00, v7  }
0x87: {  	v26 =	vld [tilespmem:s18+$0xFFFFFFA0];
	v13 =	vmul.f32 v9, v13;
	v8 =	vmin.f32 v8, $8.000000000e+01;
	v6 =	vpop (erf);
	v10 =	vadd.f32 v5, v10  }
0x88: {  	(erf) = vpow2.f32 v16;
	v16 =	vld [tilespmem:s10+$0xFFFFFFA0];
	v8 =	vmul.f32 $1.442695020e+00, v8;
	v7 =	vpop (erf)  }
0x89: {  	v13 =	vmin.f32 v13, $8.000000000e+01;
	v9 =	vpop (erf);
	(erf) = vpow2.f32 v11;
	v10 =	vadd.f32 v6, v10  }
0x8a: {  	v36 =	vld [tilespmem:s18+$0xFFFFFFC0];
	v28 =	vmin.f32 v28, $8.000000000e+01;
	v12 =	vmul.f32 v18, v12;
	v11 =	vpop (erf);
	(erf) = vpow2.f32 v8  }
0x8b: {  	v45 =	vld [tilespmem:s18+$0xFFFFFFD0];
	v35 =	vpop (erf);
	v34 =	vadd.f32 v11, v9;
	v8 =	vadd.f32 v7, v10;
	v10 =	vmul.f32 v15, v19  }
0x8c: {  	s8 =	simm.s32 $0x16480;
	v28 =	vmul.f32 $1.442695020e+00, v28;
	v30 =	vmul.f32 $1.442695020e+00, v13;
	v19 =	vld [tilespmem:s10+$0xFFFFFFC0];
	v13 =	vpop (erf)  }
0x8d: {  	v51 =	vld [tilespmem:s8+$0x10];
	v12 =	vmin.f32 v12, $8.000000000e+01;
	v16 =	vmul.f32 v26, v16;
	v15 =	vadd.f32 v13, v34  }
0x8e: {  	s6 =	simm.s32 $0x19480;
	(erf) = vpow2.f32 v30;
	v26 =	vld [tilespmem:s10+$0xFFFFFFD0];
	v12 =	vmul.f32 $1.442695020e+00, v12;
	v30 =	vmin.f32 v10, $8.000000000e+01  }
0x8f: {  	v40 =	vld [tilespmem:s6+$0x10];
	v44 =	vmul.f32 v35, v14;
	v16 =	vmin.f32 v16, $8.000000000e+01;
	v30 =	vmul.f32 $1.442695020e+00, v30;
	v10 =	vpop (erf)  }
0x90: {  	v38 =	vld [tilespmem:s18+$0xFFFFFFE0];
	v18 =	vperm.xlane v8, v0;
	v16 =	vmul.f32 $1.442695020e+00, v16;
	v37 =	vadd.f32 v10, v15  }
0x91: {  	v46 =	vld [tilespmem:s10+$0xFFFFFFF0];
	(erf) = vpow2.f32 v30;
	v19 =	vmul.f32 v36, v19;
	v15 =	vpop (erf)  }
0x92: {  	v29 =	vld [tilespmem:s10+$0xFFFFFFE0];
	v8 =	vadd.f32 v8, v18;
	(erf) = vpow2.f32 v12;
	v30 =	vadd.f32 v15, v37  }
0x93: {  	v47 =	vld [tilespmem:s18+$0xFFFFFFF0];
	v26 =	vmul.f32 v45, v26;
	v12 =	vpop (erf);
	v19 =	vmin.f32 v19, $8.000000000e+01;
	(erf) = vpow2.f32 v16  }
0x94: {  	v37 =	vmul.f32 v35, v23;
	v23 =	vmul.f32 v40, v51;
	v30 =	vadd.f32 v12, v30  }
0x95: {  	v49 =	vld [tilespmem:s8+$0x0];
	v26 =	vmin.f32 v26, $8.000000000e+01;
	v18 =	vpop (erf);
	v16 =	vmul.f32 $1.442695020e+00, v19;
	v19 =	vperm.xlane v8, v1  }
0x96: {  	v55 =	vld [tilespmem:s8+$0x20];
	v40 =	vmul.f32 v35, v22;
	(erf) = vpow2.f32 v28;
	v30 =	vadd.f32 v18, v30  }
0x97: {  	v56 =	vld [tilespmem:s6+$0x20];
	v28 =	vmul.f32 v38, v29;
	v26 =	vmul.f32 $1.442695020e+00, v26;
	v34 =	vpop (erf);
	v19 =	vadd.f32 v8, v19  }
0x98: {  	v57 =	vld [tilespmem:s6+$0x40];
	(erf) = vpow2.f32 v16;
	v16 =	vmul.f32 v47, v46;
	v29 =	vadd.f32 v34, v30  }
0x99: {  	v8 =	vmin.f32 v28, $8.000000000e+01;
	(erf) = vpow2.f32 v26;
	v26 =	vld [tilespmem:s6+$0x0];
	v28 =	vperm.xlane v19, v2  }
0x9a: {  	v61 =	vld [tilespmem:s8+$0xFFFFFFB0];
	v46 =	vmul.f32 v35, v24;
	v48 =	vperm.xlane v29, v0  }
0x9b: {  	v51 =	vld [tilespmem:s6+$0xFFFFFFB0];
	v50 =	vmul.f32 $1.442695020e+00, v8;
	v39 =	vmin.f32 v16, $8.000000000e+01;
	v28 =	vadd.f32 v19, v28  }
0x9c: {  	v24 =	vld [tilespmem:s8+$0x30];
	v47 =	vmul.f32 v35, v21;
	v52 =	vmul.f32 $1.442695020e+00, v39;
	v8 =	vpop (erf);
	v29 =	vadd.f32 v29, v48  }
0x9d: {  	v16 =	vpop (erf);
	(erf) = vpow2.f32 v50;
	v50 =	vld [tilespmem:s6+$0xFFFFFF90];
	v41 =	vperm.xlane v28, v3  }
0x9e: {  	v22 =	vmin.f32 v23, $8.000000000e+01;
	v21 =	vmul.f32 v26, v49;
	v26 =	vld [tilespmem:s8+$0x40];
	v42 =	vperm.xlane v29, v1  }
0x9f: {  	v45 =	vmul.f32 v35, v20;
	v22 =	vmul.f32 $1.442695020e+00, v22;
	v53 =	vadd.f32 v16, v8;
	v49 =	vld [tilespmem:s8+$0xFFFFFF90]  }
0xa0: {  	v19 =	vpop (erf);
	(erf) = vpow2.f32 v52;
	v48 =	vld [tilespmem:s6+$0x50];
	v28 =	vadd.f32 v28, v41;
	v29 =	vadd.f32 v29, v42  }
0xa1: {  	v14 =	vpop (erf);
	v54 =	vadd.f32 v19, v53;
	v41 =	vmul.f32 v35, v17;
	v35 =	vmul.f32 v35, v25;
	v25 =	vld [tilespmem:s8+$0x50]  }
0xa2: {  	v17 =	vpop (erf);
	(erf) = vrcp.f32 v28;
	v28 =	vld [tilespmem:s6+$0x30];
	v20 =	vperm.xlane v29, v2  }
0xa3: {  	v39 =	vmul.f32 v56, v55;
	v55 =	vmul.f32 v51, v61;
	v38 =	vadd.f32 v14, v54  }
0xa4: {  	v36 =	vmul.f32 v57, v26;
	v29 =	vadd.f32 v29, v20;
	v20 =	vmin.f32 v21, $8.000000000e+01  }
0xa5: {  	v49 =	vmul.f32 v50, v49;
	v21 =	vmul.f32 $1.442695020e+00, v20  }
0xa6: {  	v43 =	vld [tilespmem:s6+$0x70];
	v38 =	vadd.f32 v17, v38;
	v25 =	vmul.f32 v48, v25;
	v23 =	vperm.xlane v29, v3  }
0xa7: {  	v58 =	vld [tilespmem:s8+$0x60];
	v24 =	vmul.f32 v28, v24;
	v20 =	vpop (erf);
	(erf) = vpow2.f32 v21  }
0xa8: {  	v28 =	vld [tilespmem:s6+$0x60];
	v38 =	vadd.f32 v20, v38;
	v23 =	vadd.f32 v29, v23;
	v29 =	vmin.f32 v39, $8.000000000e+01  }
0xa9: {  	v30 =	vld [tilespmem:s8+$0x70];
	(erf) = vpow2.f32 v22;
	v21 =	vpop (erf);
	v29 =	vmul.f32 $1.442695020e+00, v29  }
0xaa: {  	v59 =	vld [tilespmem:s6+$0xFFFFFF80];
	v24 =	vmin.f32 v24, $8.000000000e+01;
	v22 =	vpop (erf);
	v38 =	vadd.f32 v21, v38;
	(erf) = vrcp.f32 v23  }
0xab: {  	v23 =	vmul.f32 $1.442695020e+00, v24;
	v24 =	vmin.f32 v36, $8.000000000e+01;
	v26 =	vpop (erf);
	(erf) = vpow2.f32 v29;
	v29 =	vld [tilespmem:s8+$0xFFFFFF80]  }
0xac: {  	v60 =	vld [tilespmem:s6+$0xFFFFFFA0];
	v24 =	vmul.f32 $1.442695020e+00, v24;
	v36 =	vadd.f32 v22, v38;
	v38 =	vmul.f32 v26, v27  }
0xad: {  	v27 =	vld [tilespmem:s8+$0xFFFFFFA0];
	(erf) = vpow2.f32 v23;
	v23 =	vmin.f32 v25, $8.000000000e+01;
	v25 =	vmul.f32 v28, v58  }
0xae: {  	v28 =	vmul.f32 v43, v30;
	v30 =	vmul.f32 $1.442695020e+00, v23  }
0xaf: {  	(erf) = vpow2.f32 v24;
	v62 =	vperm.xlane v36, v0  }
0xb0: {  	v56 =	vld [tilespmem:s6+$0xFFFFFFD0];
	v24 =	vmin.f32 v25, $8.000000000e+01;
	v28 =	vmin.f32 v28, $8.000000000e+01;
	v29 =	vmul.f32 v59, v29  }
0xb1: {  	v52 =	vld [tilespmem:s6+$0xFFFFFFC0];
	v25 =	vmul.f32 $1.442695020e+00, v24;
	v63 =	vmul.f32 $1.442695020e+00, v28  }
0xb2: {  	v54 =	vld [tilespmem:s8+$0xFFFFFFD0];
	v23 =	vpop (erf);
	(erf) = vpow2.f32 v30;
	v27 =	vmul.f32 v60, v27;
	v29 =	vmin.f32 v29, $8.000000000e+01  }
0xb3: {  	v30 =	vld [tilespmem:s8+$0xFFFFFFC0];
	v24 =	vpop (erf);
	(erf) = vpow2.f32 v25;
	v29 =	vmul.f32 $1.442695020e+00, v29  }
0xb4: {  	v53 =	vadd.f32 v24, v23;
	(erf) = vpow2.f32 v63;
	v28 =	vpop (erf);
	v58 =	vmin.f32 v27, $8.000000000e+01  }
0xb5: {  	v49 =	vmin.f32 v49, $8.000000000e+01;
	v25 =	vpop (erf);
	(erf) = vpow2.f32 v29;
	v29 =	vmul.f32 $1.442695020e+00, v58  }
0xb6: {  	s7 =	simm.s32 $0x1C280;
	v49 =	vmul.f32 $1.442695020e+00, v49;
	v57 =	vadd.f32 v25, v53  }
0xb7: {  	[tilespmem:s7+$0x70] =	vst v44;
	v42 =	vmul.f32 v56, v54;
	v39 =	vmin.f32 v55, $8.000000000e+01;
	v59 =	vld [tilespmem:s8+$0xFFFFFFE0];
	v36 =	vadd.f32 v36, v62;
	v27 =	vpop (erf)  }
0xb8: {  	[tilespmem:s7+$0x10] =	vst v45;
	v60 =	vld [tilespmem:s6+$0xFFFFFFE0];
	v62 =	vmul.f32 v52, v30;
	(erf) = vpow2.f32 v49;
	v61 =	vadd.f32 v27, v57  }
0xb9: {  	[tilespmem:s7+$0x40] =	vst v37;
	v39 =	vmul.f32 $1.442695020e+00, v39;
	v63 =	vld [tilespmem:s8+$0xFFFFFFF0];
	(erf) = vpow2.f32 v29;
	v29 =	vpop (erf)  }
0xba: {  	[tilespmem:s7+$0x50] =	vst v40;
	v54 =	vmul.f32 v26, v32;
	v52 =	vld [tilespmem:s6+$0xFFFFFFF0];
	v56 =	vmin.f32 v62, $8.000000000e+01;
	v53 =	vadd.f32 v29, v61  }
0xbb: {  	[tilespmem:s7+$0x20] =	vst v46;
	v55 =	vmul.f32 v26, v33;
	v32 =	vmul.f32 $1.442695020e+00, v56;
	v30 =	vpop (erf)  }
0xbc: {  	[tilespmem:s7+$0x30] =	vst v47;
	v34 =	vmul.f32 v28, v34;
	(erf) = vpow2.f32 v39;
	v57 =	vadd.f32 v30, v53  }
0xbd: {  	[tilespmem:s7+$0x0] =	vst v41;
	v58 =	vmin.f32 v42, $8.000000000e+01;
	v41 =	vmul.f32 v60, v59;
	v59 =	vperm.xlane v36, v1;
	v33 =	vpop (erf)  }
0xbe: {  	[tilespmem:s7+$0x60] =	vst v35;
	v60 =	vmul.f32 $1.442695020e+00, v58;
	(erf) = vpow2.f32 v32;
	v37 =	vadd.f32 v33, v57  }
0xbf: {  	[tilespmem:s7+$0xFFFFFF80] =	vst v38;
	v36 =	vadd.f32 v36, v59;
	v61 =	vmin.f32 v41, $8.000000000e+01;
	v62 =	vmul.f32 v52, v63;
	v32 =	vpop (erf)  }
0xc0: {  	[tilespmem:s7+$0xFFFFFF90] =	vst v54;
	v63 =	vmul.f32 $1.442695020e+00, v61;
	(erf) = vpow2.f32 v60;
	v39 =	vadd.f32 v32, v37  }
0xc1: {  	[tilespmem:s7+$0xFFFFFFA0] =	vst v55;
	v38 =	vmul.f32 v26, v31;
	s8 =	simm.s32 $0x1C380;
	v40 =	vperm.xlane v36, v2  }
0xc2: {  	s9 =	simm.s32 $0x4;
	s18 =	sadd.s32 $0x30, s19;
	s10 =	simm.s32 $0x16580;
	[tilespmem:s8+$0x70] =	vst v34;
	v35 =	vmin.f32 v62, $8.000000000e+01;
	v31 =	vpop (erf);
	(erf) = vpow2.f32 v63;
	v41 =	vperm.xlane v39, v0  }
.LBB2_3:
0xc3: {  	v37 =	vld [tilespmem:s10+$0x70];
	v42 =	vmul.f32 $1.442695020e+00, v35;
	v35 =	vpop (erf);
	v40 =	vadd.f32 v36, v40;
	[tilespmem:s7+$0xFFFFFFB0] =	vst v38;
	v44 =	vmul.f32 v26, v4  }
0xc4: {  	s6 =	sadd.s32 $0x100, s6;
	v5 =	vmul.f32 v26, v5;
	v38 =	vld [tilespmem:s10+$0x0];
	v43 =	vadd.f32 v35, v31;
	v39 =	vadd.f32 v39, v41;
	v36 =	vpop (erf)  }
0xc5: {  	v4 =	vmov v17;
	v41 =	vld [tilespmem:s6+$0x0];
	v34 =	vpop (erf);
	(erf) = vpow2.f32 v42;
	v42 =	vperm.xlane v40, v3;
	[tilespmem:s7+$0xFFFFFFC0] =	vst v44  }
0xc6: {  	v47 =	vmul.f32 v26, v6;
	v44 =	vld [tilespmem:s10+$0x10];
	v43 =	vadd.f32 v36, v43;
	v45 =	vperm.xlane v39, v1;
	[tilespmem:s7+$0xFFFFFFD0] =	vst v5  }
0xc7: {  	v9 =	vmul.f32 v28, v9;
	v7 =	vmul.f32 v26, v7;
	v46 =	vld [tilespmem:s6+$0x10];
	v17 =	vpop (erf);
	v6 =	vadd.f32 v40, v42  }
0xc8: {  	s9 =	sadd.s32 $0x2, s9;
	v11 =	vmul.f32 v28, v11;
	v40 =	vld [tilespmem:s6+$0x70];
	v26 =	vadd.f32 v34, v43;
	v39 =	vadd.f32 v39, v45;
	[tilespmem:s7+$0xFFFFFFE0] =	vst v47  }
0xc9: {  	v13 =	vmul.f32 v28, v13;
	p2 =	slt.u32 s9, $0x2E;
	v5 =	vmov v20;
	v42 =	vld [tilespmem:s10+$0x20];
	(erf) = vrcp.f32 v6;
	[tilespmem:s7+$0xFFFFFFF0] =	vst v7;
	v20 =	vpop (erf);
	s7 =	smov.u32 s8  }
0xca: {  	v43 =	vld [tilespmem:s6+$0x20];
	v45 =	vadd.f32 v17, v26;
	v26 =	vperm.xlane v39, v2;
	[tilespmem:s8+$0x0] =	vst v9;
	v9 =	vmul.f32 v28, v10  }
0xcb: {  	v10 =	vmul.f32 v41, v38;
	v38 =	vld [tilespmem:s10+$0x30];
	[tilespmem:s8+$0x10] =	vst v11;
	v11 =	vmul.f32 v28, v15;
	v6 =	vmov v21;
	v21 =	vpop (erf)  }
0xcc: {  	v15 =	vmul.f32 v46, v44;
	v41 =	vld [tilespmem:s6+$0x30];
	v44 =	vadd.f32 v20, v45;
	v26 =	vadd.f32 v39, v26;
	[tilespmem:s8+$0x20] =	vst v13  }
0xcd: {  	v7 =	vmovc v22;
	v10 =	vmin.f32 v10, $8.000000000e+01;
	v45 =	vmul.f32 v28, v12;
	v12 =	vmul.f32 v28, v18;
	v39 =	vld [tilespmem:s10+$0x40];
	[tilespmem:s8+$0x30] =	vst v9  }
0xce: {  	v47 =	vmul.f32 $1.442695020e+00, v10;
	v46 =	vmin.f32 v15, $8.000000000e+01;
	v18 =	vld [tilespmem:s6+$0x40];
	v48 =	vperm.xlane v26, v3;
	v22 =	vpop (erf);
	[tilespmem:s8+$0x40] =	vst v11  }
0xcf: {  	v44 =	vadd.f32 v21, v44;
	v9 =	vmovc v23;
	v28 =	vmul.f32 $1.442695020e+00, v46;
	v42 =	vmul.f32 v43, v42;
	v43 =	vld [tilespmem:s10+$0x50];
	[tilespmem:s8+$0x50] =	vst v45  }
0xd0: {  	v13 =	vmovc v25;
	v11 =	vmovc v24;
	v10 =	vmov v27;
	v23 =	vld [tilespmem:s6+$0x50];
	(erf) = vpow2.f32 v47;
	v45 =	vadd.f32 v26, v48;
	[tilespmem:s8+$0x60] =	vst v12  }
0xd1: {  	v15 =	vmovc v29;
	v12 =	vmovc v30;
	v24 =	vmin.f32 v42, $8.000000000e+01;
	v25 =	vmul.f32 v41, v38;
	v27 =	vld [tilespmem:s10+$0x60];
	(erf) = vpow2.f32 v28  }
0xd2: {  	v29 =	vadd.f32 v22, v44;
	v24 =	vmul.f32 $1.442695020e+00, v24;
	v28 =	vld [tilespmem:s6+$0x60];
	(erf) = vrcp.f32 v45;
	v26 =	vpop (erf)  }
0xd3: {  	v30 =	vld [tilespmem:s6+$0xFFFFFF80];
	v25 =	vmin.f32 v25, $8.000000000e+01;
	v38 =	vmul.f32 v18, v39;
	v39 =	vmul.f32 v26, v8;
	v18 =	vmovc v33;
	v8 =	vmovc v31  }
0xd4: {  	v31 =	vld [tilespmem:s10+$0xFFFFFF90];
	v25 =	vmul.f32 $1.442695020e+00, v25;
	(erf) = vpow2.f32 v24  }
0xd5: {  	v33 =	vld [tilespmem:s6+$0xFFFFFF90];
	v24 =	vmin.f32 v38, $8.000000000e+01;
	v23 =	vmul.f32 v23, v43;
	v38 =	vperm.xlane v29, v0;
	[tilespmem:s8+$0xFFFFFF80] =	vst v39  }
0xd6: {  	v39 =	vld [tilespmem:s10+$0xFFFFFF80];
	v24 =	vmul.f32 $1.442695020e+00, v24;
	(erf) = vpow2.f32 v25  }
0xd7: {  	v25 =	vld [tilespmem:s10+$0xFFFFFFA0];
	v41 =	vmin.f32 v23, $8.000000000e+01;
	v27 =	vmul.f32 v28, v27;
	v28 =	vmul.f32 v40, v37  }
0xd8: {  	v38 =	vadd.f32 v29, v38;
	v37 =	vld [tilespmem:s6+$0xFFFFFFA0];
	v40 =	vmul.f32 $1.442695020e+00, v41;
	(erf) = vpow2.f32 v24  }
0xd9: {  	v44 =	vmul.f32 v26, v19;
	v43 =	vmul.f32 v26, v16;
	v29 =	vld [tilespmem:s10+$0xFFFFFFB0];
	v42 =	vmin.f32 v27, $8.000000000e+01;
	v23 =	vpop (erf)  }
0xda: {  	v27 =	vld [tilespmem:s6+$0xFFFFFFB0];
	v41 =	vmul.f32 $1.442695020e+00, v42;
	v42 =	vmin.f32 v28, $8.000000000e+01;
	v24 =	vpop (erf);
	(erf) = vpow2.f32 v40  }
0xdb: {  	v16 =	vmov v35;
	v30 =	vmul.f32 v30, v39;
	v39 =	vld [tilespmem:s10+$0xFFFFFFC0];
	v40 =	vmul.f32 $1.442695020e+00, v42;
	v28 =	vpop (erf);
	[tilespmem:s8+$0xFFFFFF90] =	vst v43  }
0xdc: {  	v19 =	vmovc v36;
	v42 =	vadd.f32 v24, v23;
	v35 =	vld [tilespmem:s6+$0xFFFFFFC0];
	(erf) = vpow2.f32 v41;
	v32 =	vmul.f32 v28, v32;
	[tilespmem:s8+$0xFFFFFFA0] =	vst v44  }
0xdd: {  	v31 =	vmul.f32 v33, v31;
	s8 =	sadd.s32 $0x100, s8;
	v30 =	vmin.f32 v30, $8.000000000e+01;
	v33 =	vmul.f32 v37, v25;
	v36 =	vld [tilespmem:s10+$0xFFFFFFD0];
	v25 =	vpop (erf)  }
0xde: {  	v30 =	vmul.f32 $1.442695020e+00, v30;
	v37 =	vld [tilespmem:s6+$0xFFFFFFD0];
	v41 =	vadd.f32 v25, v42;
	(erf) = vpow2.f32 v40;
	[tilespmem:s8+$0x70] =	vst v32  }
0xdf: {  	v31 =	vmin.f32 v31, $8.000000000e+01;
	v32 =	vmin.f32 v33, $8.000000000e+01;
	v42 =	vmul.f32 v27, v29;
	v33 =	vld [tilespmem:s10+$0xFFFFFFE0];
	v27 =	vpop (erf)  }
0xe0: {  	v31 =	vmul.f32 $1.442695020e+00, v31;
	v40 =	vld [tilespmem:s6+$0xFFFFFFE0];
	v41 =	vadd.f32 v27, v41;
	(erf) = vpow2.f32 v30  }
0xe1: {  	v43 =	vmul.f32 $1.442695020e+00, v32;
	v32 =	vmin.f32 v42, $8.000000000e+01;
	v35 =	vmul.f32 v35, v39;
	v39 =	vld [tilespmem:s10+$0xFFFFFFF0];
	v29 =	vpop (erf)  }
0xe2: {  	v32 =	vmul.f32 $1.442695020e+00, v32;
	v42 =	vld [tilespmem:s6+$0xFFFFFFF0];
	v41 =	vadd.f32 v29, v41;
	(erf) = vpow2.f32 v31  }
0xe3: {  	v31 =	vmin.f32 v35, $8.000000000e+01;
	v35 =	vmul.f32 v37, v36;
	(erf) = vpow2.f32 v43;
	v30 =	vpop (erf)  }
0xe4: {  	v31 =	vmul.f32 $1.442695020e+00, v31;
	v36 =	vadd.f32 v30, v41;
	(erf) = vpow2.f32 v32  }
0xe5: {  	v37 =	vperm.xlane v38, v1;
	v43 =	vmin.f32 v35, $8.000000000e+01;
	v35 =	vmul.f32 v40, v33;
	v33 =	vpop (erf)  }
.Ltmp0:
0xe6: {  	v40 =	vmul.f32 $1.442695020e+00, v43;
	v41 =	vadd.f32 v33, v36;
	(erf) = vpow2.f32 v31;
	(pc) =	sbr.rel @p2 .LBB2_3-.Ltmp0, $4  }
0xe7: {  	v36 =	vadd.f32 v38, v37;
	v43 =	vmin.f32 v35, $8.000000000e+01;
	v35 =	vmul.f32 v42, v39;
	v32 =	vpop (erf)  }
0xe8: {  	v37 =	vmul.f32 $1.442695020e+00, v43;
	v39 =	vadd.f32 v32, v41;
	(erf) = vpow2.f32 v40  }
0xe9: {  	v38 =	vmul.f32 v26, v14;
	v40 =	vperm.xlane v36, v2;
	v35 =	vmin.f32 v35, $8.000000000e+01;
	v31 =	vpop (erf)  }
0xea: {  	s10 =	sadd.s32 $0x100, s10;
	v14 =	vmov v34;
	v41 =	vperm.xlane v39, v0;
	(erf) = vpow2.f32 v37  }
0xeb: {  	v34 =	vpop (erf)  }
0xec: {  	v35 =	vmul.f32 $1.442695020e+00, v35;
	v37 =	vadd.f32 v34, v31  }
0xed: {  	v42 =	vpop (erf)  }
0xee: {  	(erf) = vpow2.f32 v35;
	v57 =	vadd.f32 v42, v37  }
0xef: {  	v59 =	vpop (erf)  }
0xf0: {  	v58 =	vadd.f32 v39, v41;
	v35 =	vadd.f32 v59, v57  }
0xf1: {  	v43 =	vpop (erf)  }
0xf2: {  	v41 =	vperm.xlane v58, v1;
	v35 =	vadd.f32 v43, v35  }
0xf3: {  	v60 =	vpop (erf)  }
0xf4: {  	v37 =	vadd.f32 v58, v41;
	v35 =	vadd.f32 v60, v35  }
0xf5: {  	v36 =	vadd.f32 v36, v40;
	v44 =	vpop (erf)  }
0xf6: {  	v61 =	vperm.xlane v37, v2;
	v35 =	vadd.f32 v44, v35  }
0xf7: {  	v45 =	vperm.xlane v36, v3;
	v62 =	vpop (erf)  }
0xf8: {  	v37 =	vadd.f32 v37, v61;
	v35 =	vadd.f32 v62, v35  }
0xf9: {  	v4 =	vmul.f32 v26, v4;
	v5 =	vmul.f32 v26, v5;
	v36 =	vadd.f32 v36, v45  }
0xfa: {  	v63 =	vperm.xlane v37, v3;
	v48 =	vperm.xlane v35, v0  }
0xfb: {  	[tilespmem:s7+$0xFFFFFFC0] =	vst v4;
	v4 =	vmul.f32 v26, v6;
	(erf) = vrcp.f32 v36  }
0xfc: {  	[tilespmem:s7+$0xFFFFFFD0] =	vst v5;
	v5 =	vmul.f32 v26, v7;
	v6 =	vadd.f32 v37, v63;
	v7 =	vadd.f32 v35, v48  }
0xfd: {  	v9 =	vmul.f32 v28, v9;
	[tilespmem:s7+$0xFFFFFFE0] =	vst v4;
	v4 =	vmul.f32 v28, v11  }
0xfe: {  	[tilespmem:s7+$0xFFFFFFF0] =	vst v5;
	(erf) = vrcp.f32 v6;
	v5 =	vperm.xlane v7, v1  }
0xff: {  	[tilespmem:s8+$0x0] =	vst v9  }
0x100: {  	v9 =	vmul.f32 v28, v10;
	[tilespmem:s8+$0x10] =	vst v4;
	v4 =	vadd.f32 v7, v5;
	v5 =	vmul.f32 v28, v15  }
0x101: {  	[tilespmem:s7+$0xFFFFFFB0] =	vst v38;
	v6 =	vmul.f32 v28, v13  }
0x102: {  	[tilespmem:s8+$0x30] =	vst v9  }
0x103: {  	[tilespmem:s8+$0x20] =	vst v6;
	v6 =	vmul.f32 v28, v12;
	v7 =	vperm.xlane v4, v2  }
0x104: {  	v9 =	vmul.f32 v28, v18;
	[tilespmem:s8+$0x40] =	vst v5;
	v5 =	vpop (erf)  }
0x105: {  	[tilespmem:s8+$0x50] =	vst v6;
	v4 =	vadd.f32 v4, v7;
	v6 =	vmul.f32 v5, v8  }
0x106: {  	[tilespmem:s8+$0x60] =	vst v9;
	v7 =	vmul.f32 v5, v16  }
0x107: {  	v8 =	vpop (erf);
	v9 =	vperm.xlane v4, v3;
	[tilespmem:s8+$0xFFFFFF80] =	vst v6;
	v6 =	vmul.f32 v5, v19  }
0x108: {  	[tilespmem:s8+$0xFFFFFF90] =	vst v7;
	v7 =	vmul.f32 v8, v32  }
0x109: {  	s6 =	sadd.s32 $0x100, s8;
	v4 =	vadd.f32 v4, v9;
	[tilespmem:s8+$0xFFFFFFA0] =	vst v6;
	v6 =	vmul.f32 v5, v14  }
0x10a: {  	[tilespmem:s6+$0x70] =	vst v7;
	v7 =	vmul.f32 v5, v17  }
0x10b: {  	(erf) = vrcp.f32 v4;
	v4 =	vmul.f32 v5, v21;
	[tilespmem:s8+$0xFFFFFFB0] =	vst v6  }
0x10c: {  	v6 =	vmul.f32 v5, v20;
	[tilespmem:s8+$0xFFFFFFC0] =	vst v7  }
0x10d: {  	v5 =	vmul.f32 v5, v22;
	[tilespmem:s8+$0xFFFFFFE0] =	vst v4  }
0x10e: {  	v4 =	vmul.f32 v8, v24;
	[tilespmem:s8+$0xFFFFFFD0] =	vst v6  }
0x10f: {  	v6 =	vmul.f32 v8, v23;
	[tilespmem:s8+$0xFFFFFFF0] =	vst v5  }
0x110: {  	v5 =	vmul.f32 v8, v25;
	[tilespmem:s6+$0x10] =	vst v4;
	v4 =	vmul.f32 v8, v29  }
0x111: {  	[tilespmem:s6+$0x0] =	vst v6  }
0x112: {  	v6 =	vmul.f32 v8, v27;
	[tilespmem:s6+$0x20] =	vst v5  }
0x113: {  	v5 =	vmul.f32 v8, v30;
	[tilespmem:s6+$0x40] =	vst v4  }
0x114: {  	[tilespmem:s6+$0x30] =	vst v6;
	v6 =	vmul.f32 v8, v33;
	v4 =	vpop (erf)  }
0x115: {  	[tilespmem:s6+$0x50] =	vst v5;
	v5 =	vmul.f32 v4, v31  }
0x116: {  	[tilespmem:s6+$0x60] =	vst v6;
	v6 =	vmul.f32 v4, v34  }
0x117: {  	[tilespmem:s6+$0xFFFFFF80] =	vst v5;
	v5 =	vmul.f32 v4, v42  }
0x118: {  	[tilespmem:s6+$0xFFFFFF90] =	vst v6;
	v6 =	vmul.f32 v4, v59  }
0x119: {  	[tilespmem:s6+$0xFFFFFFA0] =	vst v5;
	v5 =	vmul.f32 v4, v43  }
0x11a: {  	[tilespmem:s6+$0xFFFFFFB0] =	vst v6;
	v6 =	vmul.f32 v4, v60  }
0x11b: {  	[tilespmem:s6+$0xFFFFFFC0] =	vst v5;
	v5 =	vmul.f32 v4, v44  }
0x11c: {  	s9 =	sadd.s32 s4, s19;
	[tilespmem:s6+$0xFFFFFFD0] =	vst v6;
	v4 =	vmul.f32 v4, v62  }
0x11d: {  	s7 =	sshll.u32 s9, $0x4;
	[tilespmem:s6+$0xFFFFFFE0] =	vst v5  }
0x11e: {  	p2 =	seq.s32 s17, $0x67;
	s10 =	sadd.s32 s1, s7;
	[tilespmem:s6+$0xFFFFFFF0] =	vst v4  }
0x11f: {  	[hbm4b:s10+s3] =	stream.linear.scatter [tilespmem:s26], [sflag:$0x5], $0x1800, $0x38;
	[tilespmem:$0x1F200] =	vst v63  }
0x120: {  	v4 =	vld @!p2 [tilespmem:s19+$0x138E0];
	_ =	sdelay $0x4  }
0x121: {  	v5 =	vand.u32 @!p2 $0xFFFF, v4  }
0x122: {  	v4 =	vshrl.u32 @!p2 v4, $0x10;
	[tilespmem:$0x16000] =	vst @!p2 v5  }
0x123: {  	[tilespmem:$0x16100] =	vst @!p2 v4  }
0x124: {  	v4 =	vld @!p2 [tilespmem:s19+$0x138F0];
	_ =	sdelay $0x4  }
0x125: {  	v5 =	vand.u32 @!p2 $0xFFFF, v4  }
0x126: {  	v4 =	vshrl.u32 @!p2 v4, $0x10;
	[tilespmem:$0x16010] =	vst @!p2 v5  }
0x127: {  	[tilespmem:$0x16110] =	vst @!p2 v4  }
0x128: {  	v4 =	vld @!p2 [tilespmem:s19+$0x13900];
	_ =	sdelay $0x4  }
0x129: {  	v5 =	vand.u32 @!p2 $0xFFFF, v4  }
0x12a: {  	v4 =	vshrl.u32 @!p2 v4, $0x10;
	[tilespmem:$0x16020] =	vst @!p2 v5  }
0x12b: {  	s7 =	simm.s32 @!p2 $0x16000;
	s8 =	simm.s32 @!p2 $0x16200;
	s6 =	simm.s32 @!p2 $0x30;
	[tilespmem:$0x16120] =	vst @!p2 v4  }
0x12c: {  	[tilespmem:s8], [sflag:$0x1] =	stream.indirect.gather @!p2 [spmem:s2], $0x80, s7, s6, $0xb8;
	[tilespmem:$0x1F200] =	vst v63  }
0x12d: {  	s7 =	simm.s32 @!p2 $0x16100;
	s8 =	simm.s32 @!p2 $0x19200  }
0x12e: {  	[tilespmem:s8], [sflag:$0x3] =	stream.indirect.gather @!p2 [spmem:s2], $0x80, s7, s6, $0xb8;
	[tilespmem:$0x1F200] =	vst v63  }
0x12f: {  	_ =	swait.ge [sflag:s28], $0x1800  }
0x130: {  	[sflag:s28] =	ssyncset.done $0x0  }
0x131: {  	[sflag:s28] =	ssyncadd.s32 $0xFFFFE800  }
0x132: {  	_ =	swait.ge [sflag:s29], $0x1800  }
0x133: {  	[sflag:s29] =	ssyncset.done $0x0  }
0x134: {  	s6 =	simm.s32 @!p1 $0x6;
	[sflag:s29] =	ssyncadd.s32 $0xFFFFE800  }
0x135: {  	_ =	swait.ge @!p1 [sflag:s6], $0x1800  }
0x136: {  	[sflag:s6] =	ssyncset.done @!p1 $0x0  }
0x137: {  	[sflag:s6] =	ssyncadd.s32 @!p1 $0xFFFFE800;
	s6 =	simm.s32 $0x17A80  }
0x138: {  	s8 =	simm.s32 $0x1AA80;
	v4 =	vld [tilespmem:s6+$0x0]  }
0x139: {  	v5 =	vld [tilespmem:s8+$0x0]  }
0x13a: {  	v6 =	vld [tilespmem:s6+$0x10]  }
0x13b: {  	v7 =	vld [tilespmem:s8+$0x10]  }
0x13c: {  	v8 =	vld [tilespmem:s6+$0x20]  }
0x13d: {  	v9 =	vld [tilespmem:s8+$0x20]  }
0x13e: {  	v10 =	vld [tilespmem:s6+$0x30]  }
0x13f: {  	v4 =	vmul.f32 v5, v4;
	v5 =	vld [tilespmem:s8+$0x30]  }
0x140: {  	v11 =	vld [tilespmem:s8+$0x40];
	v6 =	vmul.f32 v7, v6  }
0x141: {  	v7 =	vld [tilespmem:s6+$0x40];
	v4 =	vmin.f32 v4, $8.000000000e+01  }
0x142: {  	v12 =	vld [tilespmem:s8+$0x50];
	v8 =	vmul.f32 v9, v8;
	v6 =	vmin.f32 v6, $8.000000000e+01;
	v4 =	vmul.f32 $1.442695020e+00, v4  }
0x143: {  	v9 =	vld [tilespmem:s6+$0x50];
	v6 =	vmul.f32 $1.442695020e+00, v6  }
0x144: {  	(erf) = vpow2.f32 v4;
	v4 =	vmin.f32 v8, $8.000000000e+01;
	v5 =	vmul.f32 v5, v10;
	v8 =	vld [tilespmem:s6+$0x60]  }
0x145: {  	(erf) = vpow2.f32 v6;
	v4 =	vmul.f32 $1.442695020e+00, v4;
	v6 =	vld [tilespmem:s8+$0x60]  }
0x146: {  	v10 =	vld [tilespmem:s6+$0x70];
	v7 =	vmul.f32 v11, v7;
	v5 =	vmin.f32 v5, $8.000000000e+01  }
0x147: {  	v11 =	vld [tilespmem:s8+$0x70];
	v5 =	vmul.f32 $1.442695020e+00, v5;
	(erf) = vpow2.f32 v4  }
0x148: {  	v4 =	vmin.f32 v7, $8.000000000e+01;
	v7 =	vmul.f32 v12, v9  }
0x149: {  	v4 =	vmul.f32 $1.442695020e+00, v4;
	(erf) = vpow2.f32 v5  }
0x14a: {  	v5 =	vmin.f32 v7, $8.000000000e+01;
	v6 =	vmul.f32 v6, v8  }
0x14b: {  	v5 =	vmul.f32 $1.442695020e+00, v5;
	(erf) = vpow2.f32 v4  }
0x14c: {  	v13 =	vld [tilespmem:s6+$0xFFFFFFC0];
	v4 =	vmul.f32 v11, v10;
	v6 =	vmin.f32 v6, $8.000000000e+01  }
0x14d: {  	v9 =	vld [tilespmem:s6+$0xFFFFFF80];
	v17 =	vpop (erf);
	v6 =	vmul.f32 $1.442695020e+00, v6;
	(erf) = vpow2.f32 v5  }
0x14e: {  	v12 =	vld [tilespmem:s8+$0xFFFFFFB0];
	v4 =	vmin.f32 v4, $8.000000000e+01;
	v20 =	vpop (erf)  }
0x14f: {  	v7 =	vld [tilespmem:s6+$0xFFFFFF90];
	v4 =	vmul.f32 $1.442695020e+00, v4;
	v8 =	vadd.f32 v20, v17;
	(erf) = vpow2.f32 v6  }
0x150: {  	v5 =	vld [tilespmem:s8+$0xFFFFFF80];
	v24 =	vpop (erf)  }
0x151: {  	v10 =	vld [tilespmem:s8+$0xFFFFFFA0];
	(erf) = vpow2.f32 v4;
	v8 =	vadd.f32 v24, v8  }
0x152: {  	v6 =	vld [tilespmem:s8+$0xFFFFFF90];
	v21 =	vpop (erf)  }
0x153: {  	v4 =	vld [tilespmem:s6+$0xFFFFFFA0];
	v8 =	vadd.f32 v21, v8  }
0x154: {  	v11 =	vld [tilespmem:s6+$0xFFFFFFB0];
	v23 =	vpop (erf)  }
0x155: {  	v15 =	vld [tilespmem:s8+$0xFFFFFFE0];
	v5 =	vmul.f32 v5, v9;
	v8 =	vadd.f32 v23, v8  }
0x156: {  	v9 =	vld [tilespmem:s8+$0xFFFFFFC0];
	v22 =	vpop (erf)  }
0x157: {  	v16 =	vld [tilespmem:s8+$0xFFFFFFF0];
	v6 =	vmul.f32 v6, v7;
	v5 =	vmin.f32 v5, $8.000000000e+01;
	v8 =	vadd.f32 v22, v8  }
0x158: {  	v7 =	vld [tilespmem:s6+$0xFFFFFFD0];
	v4 =	vmul.f32 v10, v4;
	v5 =	vmul.f32 $1.442695020e+00, v5;
	v25 =	vpop (erf)  }
0x159: {  	v11 =	vmul.f32 v12, v11;
	v10 =	vld [tilespmem:s8+$0xFFFFFFD0];
	v6 =	vmin.f32 v6, $8.000000000e+01;
	v8 =	vadd.f32 v25, v8  }
0x15a: {  	v12 =	vld [tilespmem:s6+$0xFFFFFFE0];
	v6 =	vmul.f32 $1.442695020e+00, v6;
	v4 =	vmin.f32 v4, $8.000000000e+01;
	(erf) = vpow2.f32 v5;
	v14 =	vpop (erf)  }
0x15b: {  	v5 =	vmul.f32 v9, v13;
	v9 =	vmin.f32 v11, $8.000000000e+01;
	v11 =	vld [tilespmem:s6+$0xFFFFFFF0];
	v8 =	vadd.f32 v14, v8  }
0x15c: {  	v4 =	vmul.f32 $1.442695020e+00, v4;
	v9 =	vmul.f32 $1.442695020e+00, v9  }
0x15d: {  	(erf) = vpow2.f32 v6;
	v13 =	vperm.xlane v8, v0  }
0x15e: {  	s9 =	simm.s32 $0x17B80;
	v5 =	vmin.f32 v5, $8.000000000e+01;
	v6 =	vmul.f32 v10, v7;
	(erf) = vpow2.f32 v4  }
0x15f: {  	v4 =	vld [tilespmem:s9+$0x0];
	(erf) = vpow2.f32 v9;
	v9 =	vmul.f32 v15, v12;
	v7 =	vadd.f32 v8, v13  }
0x160: {  	s10 =	simm.s32 $0x1AB80;
	v5 =	vmul.f32 $1.442695020e+00, v5;
	v10 =	vld [tilespmem:s9+$0x10];
	v6 =	vmin.f32 v6, $8.000000000e+01;
	v11 =	vmul.f32 v16, v11  }
0x161: {  	v6 =	vmul.f32 $1.442695020e+00, v6;
	v9 =	vmin.f32 v9, $8.000000000e+01;
	v8 =	vld [tilespmem:s10+$0x0];
	v12 =	vperm.xlane v7, v1  }
0x162: {  	(erf) = vpow2.f32 v5;
	v5 =	vld [tilespmem:s10+$0x10];
	v9 =	vmul.f32 $1.442695020e+00, v9  }
0x163: {  	v11 =	vmin.f32 v11, $8.000000000e+01;
	(erf) = vpow2.f32 v6;
	v6 =	vld [tilespmem:s10+$0x20];
	v7 =	vadd.f32 v7, v12  }
0x164: {  	(erf) = vpow2.f32 v9;
	v9 =	vmul.f32 $1.442695020e+00, v11;
	v11 =	vld [tilespmem:s10+$0x30]  }
0x165: {  	v12 =	vld [tilespmem:s9+$0x20];
	v13 =	vperm.xlane v7, v2  }
0x166: {  	v4 =	vmul.f32 v8, v4;
	v8 =	vld [tilespmem:s9+$0x30]  }
0x167: {  	v18 =	vld [tilespmem:s10+$0xFFFFFF90];
	v5 =	vmul.f32 v5, v10;
	v7 =	vadd.f32 v7, v13  }
0x168: {  	v27 =	vpop (erf);
	v10 =	vld [tilespmem:s9+$0x40];
	(erf) = vpow2.f32 v9;
	v4 =	vmin.f32 v4, $8.000000000e+01  }
0x169: {  	v9 =	vld [tilespmem:s10+$0x40];
	v32 =	vpop (erf);
	v5 =	vmin.f32 v5, $8.000000000e+01;
	v4 =	vmul.f32 $1.442695020e+00, v4;
	v13 =	vperm.xlane v7, v3  }
0x16a: {  	v16 =	vld [tilespmem:s10+$0x50];
	v15 =	vadd.f32 v32, v27;
	v5 =	vmul.f32 $1.442695020e+00, v5;
	v6 =	vmul.f32 v6, v12  }
0x16b: {  	v33 =	vpop (erf);
	v12 =	vld [tilespmem:s9+$0x50];
	(erf) = vpow2.f32 v4;
	v4 =	vadd.f32 v7, v13;
	v7 =	vmul.f32 v11, v8  }
0x16c: {  	v6 =	vmin.f32 v6, $8.000000000e+01;
	(erf) = vpow2.f32 v5;
	v8 =	vld [tilespmem:s9+$0x60];
	v11 =	vadd.f32 v33, v15  }
0x16d: {  	v5 =	vmul.f32 $1.442695020e+00, v6;
	v13 =	vld [tilespmem:s10+$0x60];
	(erf) = vrcp.f32 v4;
	v4 =	vmin.f32 v7, $8.000000000e+01  }
0x16e: {  	v19 =	vld [tilespmem:s9+$0xFFFFFFA0];
	v31 =	vpop (erf);
	v6 =	vmul.f32 v9, v10  }
0x16f: {  	v15 =	vld [tilespmem:s9+$0x70];
	v7 =	vmul.f32 $1.442695020e+00, v4;
	(erf) = vpow2.f32 v5;
	v5 =	vadd.f32 v31, v11  }
0x170: {  	v9 =	vld [tilespmem:s10+$0x70];
	v6 =	vmin.f32 v6, $8.000000000e+01;
	v11 =	vmul.f32 v16, v12;
	v4 =	vpop (erf)  }
0x171: {  	v10 =	vld [tilespmem:s10+$0xFFFFFF80];
	(erf) = vpow2.f32 v7;
	v7 =	vadd.f32 v4, v5  }
0x172: {  	v16 =	vmul.f32 $1.442695020e+00, v6;
	v11 =	vmin.f32 v11, $8.000000000e+01;
	v8 =	vmul.f32 v13, v8;
	v13 =	vld [tilespmem:s9+$0xFFFFFF80]  }
0x173: {  	v26 =	vld [tilespmem:s10+$0xFFFFFFA0];
	v6 =	vpop (erf);
	v11 =	vmul.f32 $1.442695020e+00, v11  }
0x174: {  	v12 =	vld [tilespmem:s9+$0xFFFFFF90];
	v5 =	vpop (erf);
	(erf) = vpow2.f32 v16  }
0x175: {  	v28 =	vld [tilespmem:s9+$0xFFFFFFB0];
	v15 =	vmul.f32 v9, v15;
	v8 =	vmin.f32 v8, $8.000000000e+01;
	v16 =	vadd.f32 v6, v7;
	v7 =	vpop (erf)  }
0x176: {  	v29 =	vld [tilespmem:s10+$0xFFFFFFB0];
	v8 =	vmul.f32 $1.442695020e+00, v8;
	v9 =	vpop (erf)  }
0x177: {  	v15 =	vmin.f32 v15, $8.000000000e+01;
	(erf) = vpow2.f32 v11;
	v10 =	vmul.f32 v10, v13;
	v11 =	vpop (erf)  }
0x178: {  	v53 =	vld [tilespmem:s10+$0xFFFFFFD0];
	v19 =	vmul.f32 v26, v19;
	v15 =	vmul.f32 $1.442695020e+00, v15;
	v30 =	vpop (erf);
	v49 =	vadd.f32 v11, v9  }
0x179: {  	v26 =	vld [tilespmem:s9+$0xFFFFFFD0];
	v12 =	vmul.f32 v18, v12;
	v16 =	vadd.f32 v5, v16;
	(erf) = vpow2.f32 v8;
	v13 =	vpop (erf)  }
0x17a: {  	(erf) = vpow2.f32 v15;
	v15 =	vmin.f32 v10, $8.000000000e+01;
	v18 =	vadd.f32 v13, v49  }
0x17b: {  	v50 =	vld [tilespmem:s10+$0xFFFFFFC0];
	v28 =	vmul.f32 v29, v28;
	v19 =	vmin.f32 v19, $8.000000000e+01;
	v12 =	vmin.f32 v12, $8.000000000e+01;
	v10 =	vpop (erf)  }
0x17c: {  	v12 =	vmul.f32 $1.442695020e+00, v12;
	v8 =	vadd.f32 v7, v16;
	v16 =	vld [tilespmem:s9+$0xFFFFFFC0];
	v18 =	vadd.f32 v10, v18  }
0x17d: {  	v28 =	vmin.f32 v28, $8.000000000e+01;
	v19 =	vmul.f32 $1.442695020e+00, v19;
	v52 =	vmul.f32 $1.442695020e+00, v15;
	v15 =	vpop (erf)  }
0x17e: {  	v26 =	vmul.f32 v53, v26;
	v51 =	vperm.xlane v8, v0;
	v18 =	vadd.f32 v15, v18  }
0x17f: {  	v54 =	vld [tilespmem:s10+$0xFFFFFFE0];
	v28 =	vmul.f32 $1.442695020e+00, v28;
	(erf) = vpow2.f32 v52  }
0x180: {  	v29 =	vld [tilespmem:s9+$0xFFFFFFE0];
	v26 =	vmin.f32 v26, $8.000000000e+01;
	(erf) = vpow2.f32 v12;
	v8 =	vadd.f32 v8, v51;
	v12 =	vpop (erf)  }
0x181: {  	v55 =	vld [tilespmem:s9+$0xFFFFFFF0];
	v26 =	vmul.f32 $1.442695020e+00, v26;
	v16 =	vmul.f32 v50, v16;
	v57 =	vadd.f32 v12, v18  }
0x182: {  	s19 =	simm.s32 $0x17C80;
	v56 =	vld [tilespmem:s10+$0xFFFFFFF0];
	(erf) = vpow2.f32 v19;
	v19 =	vperm.xlane v8, v1;
	v18 =	vpop (erf)  }
0x183: {  	v35 =	vld [tilespmem:s19+$0x70];
	v44 =	vmul.f32 v30, v14;
	v45 =	vmul.f32 v30, v20;
	v58 =	vadd.f32 v18, v57  }
0x184: {  	v63 =	vld [tilespmem:s19+$0x10];
	s6 =	simm.s32 $0x1AC80;
	v46 =	vmul.f32 v30, v24;
	v16 =	vmin.f32 v16, $8.000000000e+01;
	v19 =	vadd.f32 v8, v19;
	v34 =	vpop (erf)  }
0x185: {  	v50 =	vld [tilespmem:s6+$0x10];
	(erf) = vpow2.f32 v28;
	v28 =	vmul.f32 v54, v29;
	v29 =	vadd.f32 v34, v58  }
0x186: {  	v60 =	vld [tilespmem:s19+$0x0];
	v37 =	vmul.f32 v30, v23;
	v16 =	vmul.f32 $1.442695020e+00, v16  }
0x187: {  	v53 =	vld [tilespmem:s6+$0x70];
	v8 =	vmin.f32 v28, $8.000000000e+01;
	v28 =	vperm.xlane v19, v2;
	v59 =	vperm.xlane v29, v0  }
0x188: {  	v24 =	vld [tilespmem:s19+$0x30];
	(erf) = vpow2.f32 v16;
	v16 =	vmul.f32 v56, v55  }
0x189: {  	(erf) = vpow2.f32 v26;
	v26 =	vld [tilespmem:s6+$0x0];
	v28 =	vadd.f32 v19, v28;
	v29 =	vadd.f32 v29, v59  }
0x18a: {  	v23 =	vmul.f32 v50, v63;
	v50 =	vld [tilespmem:s6+$0xFFFFFF90];
	v61 =	vmul.f32 $1.442695020e+00, v8  }
0x18b: {  	v55 =	vld [tilespmem:s19+$0x20];
	v62 =	vmin.f32 v16, $8.000000000e+01;
	v51 =	vperm.xlane v28, v3;
	v52 =	vperm.xlane v29, v1  }
0x18c: {  	v47 =	vmul.f32 v30, v21;
	v56 =	vld [tilespmem:s6+$0x20];
	v48 =	vmul.f32 $1.442695020e+00, v62;
	v8 =	vpop (erf)  }
0x18d: {  	v57 =	vld [tilespmem:s6+$0x40];
	v16 =	vpop (erf);
	(erf) = vpow2.f32 v61;
	v28 =	vadd.f32 v28, v51;
	v29 =	vadd.f32 v29, v52  }
0x18e: {  	v19 =	vpop (erf);
	(erf) = vpow2.f32 v48;
	v21 =	vmul.f32 v26, v60;
	v26 =	vld [tilespmem:s19+$0x40]  }
0x18f: {  	(erf) = vrcp.f32 v28;
	v28 =	vld [tilespmem:s6+$0x30];
	v20 =	vperm.xlane v29, v2  }
0x190: {  	v41 =	vmul.f32 v30, v17;
	v40 =	vmul.f32 v30, v22;
	v22 =	vmin.f32 v23, $8.000000000e+01;
	v62 =	vld [tilespmem:s19+$0xFFFFFFB0]  }
0x191: {  	v22 =	vmul.f32 $1.442695020e+00, v22;
	v48 =	vmul.f32 v30, v25;
	v25 =	vld [tilespmem:s19+$0x50];
	v29 =	vadd.f32 v29, v20  }
0x192: {  	v39 =	vmul.f32 v56, v55;
	v49 =	vadd.f32 v16, v8;
	v30 =	vld [tilespmem:s6+$0x50];
	v20 =	vmin.f32 v21, $8.000000000e+01  }
0x193: {  	v51 =	vld [tilespmem:s6+$0xFFFFFFB0];
	v21 =	vmul.f32 $1.442695020e+00, v20;
	v23 =	vperm.xlane v29, v3  }
0x194: {  	v54 =	vadd.f32 v19, v49;
	v14 =	vpop (erf);
	v49 =	vld [tilespmem:s19+$0xFFFFFF90];
	v36 =	vmul.f32 v57, v26;
	v24 =	vmul.f32 v28, v24  }
0x195: {  	v58 =	vld [tilespmem:s19+$0x60];
	v17 =	vpop (erf);
	(erf) = vpow2.f32 v21;
	v23 =	vadd.f32 v29, v23;
	v29 =	vmin.f32 v39, $8.000000000e+01  }
0x196: {  	v28 =	vld [tilespmem:s6+$0x60];
	v20 =	vpop (erf);
	(erf) = vpow2.f32 v22;
	v29 =	vmul.f32 $1.442695020e+00, v29  }
0x197: {  	v59 =	vld [tilespmem:s6+$0xFFFFFF80];
	v38 =	vadd.f32 v14, v54;
	v25 =	vmul.f32 v30, v25;
	v21 =	vpop (erf);
	(erf) = vrcp.f32 v23  }
0x198: {  	v57 =	vmul.f32 v51, v62;
	v24 =	vmin.f32 v24, $8.000000000e+01;
	v22 =	vpop (erf);
	(erf) = vpow2.f32 v29;
	v29 =	vld [tilespmem:s19+$0xFFFFFF80]  }
0x199: {  	v60 =	vld [tilespmem:s6+$0xFFFFFFA0];
	v49 =	vmul.f32 v50, v49;
	v23 =	vmul.f32 $1.442695020e+00, v24;
	v24 =	vmin.f32 v36, $8.000000000e+01;
	v26 =	vpop (erf)  }
0x19a: {  	v38 =	vadd.f32 v17, v38;
	v24 =	vmul.f32 $1.442695020e+00, v24;
	v36 =	vmul.f32 v26, v27;
	v27 =	vld [tilespmem:s19+$0xFFFFFFA0]  }
0x19b: {  	(erf) = vpow2.f32 v23;
	v23 =	vmin.f32 v25, $8.000000000e+01;
	v25 =	vmul.f32 v28, v58  }
0x19c: {  	v49 =	vmin.f32 v49, $8.000000000e+01;
	v28 =	vmul.f32 v53, v35;
	v61 =	vmul.f32 $1.442695020e+00, v23  }
0x19d: {  	(erf) = vpow2.f32 v24;
	v24 =	vmin.f32 v25, $8.000000000e+01;
	v29 =	vmul.f32 v59, v29  }
0x19e: {  	v28 =	vmin.f32 v28, $8.000000000e+01;
	v25 =	vmul.f32 $1.442695020e+00, v24;
	(erf) = vpow2.f32 v61  }
0x19f: {  	v52 =	vld [tilespmem:s6+$0xFFFFFFC0];
	v63 =	vmul.f32 $1.442695020e+00, v28;
	v23 =	vpop (erf);
	v27 =	vmul.f32 v60, v27;
	v29 =	vmin.f32 v29, $8.000000000e+01  }
0x1a0: {  	v38 =	vadd.f32 v20, v38;
	v35 =	vld [tilespmem:s19+$0xFFFFFFC0];
	v24 =	vpop (erf);
	(erf) = vpow2.f32 v25;
	v29 =	vmul.f32 $1.442695020e+00, v29  }
0x1a1: {  	v56 =	vld [tilespmem:s19+$0xFFFFFFD0];
	v53 =	vadd.f32 v24, v23;
	(erf) = vpow2.f32 v63;
	v28 =	vpop (erf);
	v60 =	vmin.f32 v27, $8.000000000e+01  }
0x1a2: {  	v38 =	vadd.f32 v21, v38;
	v58 =	vld [tilespmem:s6+$0xFFFFFFD0];
	v25 =	vpop (erf);
	(erf) = vpow2.f32 v29;
	v29 =	vmul.f32 $1.442695020e+00, v60  }
0x1a3: {  	s7 =	simm.s32 $0x1DA80;
	v49 =	vmul.f32 $1.442695020e+00, v49;
	v39 =	vmin.f32 v57, $8.000000000e+01;
	v59 =	vadd.f32 v25, v53  }
0x1a4: {  	[tilespmem:s7+$0x70] =	vst v44;
	v62 =	vld [tilespmem:s6+$0xFFFFFFE0];
	v39 =	vmul.f32 $1.442695020e+00, v39;
	v30 =	vadd.f32 v22, v38;
	v55 =	vmul.f32 v26, v32;
	v27 =	vpop (erf)  }
0x1a5: {  	[tilespmem:s7+$0x0] =	vst v41;
	v61 =	vld [tilespmem:s19+$0xFFFFFFE0];
	v35 =	vmul.f32 v52, v35;
	(erf) = vpow2.f32 v49;
	v63 =	vadd.f32 v27, v59  }
0x1a6: {  	[tilespmem:s7+$0x10] =	vst v45;
	v43 =	vperm.xlane v30, v0;
	v52 =	vld [tilespmem:s19+$0xFFFFFFF0];
	(erf) = vpow2.f32 v29;
	v29 =	vpop (erf)  }
0x1a7: {  	[tilespmem:s7+$0x20] =	vst v46;
	v38 =	vmul.f32 v58, v56;
	v57 =	vmin.f32 v35, $8.000000000e+01;
	v53 =	vld [tilespmem:s6+$0xFFFFFFF0];
	v54 =	vadd.f32 v29, v63  }
0x1a8: {  	[tilespmem:s7+$0x30] =	vst v47;
	v43 =	vadd.f32 v30, v43;
	v56 =	vmul.f32 v26, v33;
	v32 =	vmul.f32 $1.442695020e+00, v57;
	v30 =	vpop (erf)  }
0x1a9: {  	[tilespmem:s7+$0x40] =	vst v37;
	v34 =	vmul.f32 v28, v34;
	(erf) = vpow2.f32 v39;
	v58 =	vadd.f32 v30, v54  }
0x1aa: {  	[tilespmem:s7+$0x50] =	vst v40;
	v60 =	vmul.f32 v62, v61;
	v61 =	vperm.xlane v43, v1;
	v59 =	vmin.f32 v38, $8.000000000e+01;
	v33 =	vpop (erf)  }
0x1ab: {  	[tilespmem:s7+$0x60] =	vst v48;
	v37 =	vmul.f32 $1.442695020e+00, v59;
	(erf) = vpow2.f32 v32;
	v35 =	vadd.f32 v33, v58  }
0x1ac: {  	[tilespmem:s7+$0xFFFFFF80] =	vst v36;
	v38 =	vmin.f32 v60, $8.000000000e+01;
	v36 =	vadd.f32 v43, v61;
	v62 =	vmul.f32 v53, v52;
	v32 =	vpop (erf)  }
0x1ad: {  	[tilespmem:s7+$0xFFFFFF90] =	vst v55;
	v63 =	vmul.f32 $1.442695020e+00, v38;
	(erf) = vpow2.f32 v37;
	v39 =	vadd.f32 v32, v35  }
0x1ae: {  	s8 =	simm.s32 $0x1DB80;
	[tilespmem:s7+$0xFFFFFFA0] =	vst v56;
	v40 =	vperm.xlane v36, v2;
	v38 =	vmul.f32 v26, v31  }
0x1af: {  	s10 =	simm.s32 $0x17D80;
	s9 =	simm.s32 $0x4;
	[tilespmem:s8+$0x70] =	vst v34;
	v31 =	vpop (erf);
	(erf) = vpow2.f32 v63;
	v35 =	vmin.f32 v62, $8.000000000e+01;
	v41 =	vperm.xlane v39, v0  }
.LBB2_5:
0x1b0: {  	v37 =	vld [tilespmem:s10+$0x70];
	v42 =	vmul.f32 $1.442695020e+00, v35;
	v35 =	vpop (erf);
	v40 =	vadd.f32 v36, v40;
	[tilespmem:s7+$0xFFFFFFB0] =	vst v38;
	v44 =	vmul.f32 v26, v4  }
0x1b1: {  	s6 =	sadd.s32 $0x100, s6;
	v6 =	vmul.f32 v26, v6;
	v38 =	vld [tilespmem:s10+$0x0];
	v43 =	vadd.f32 v35, v31;
	v39 =	vadd.f32 v39, v41;
	v36 =	vpop (erf)  }
0x1b2: {  	v4 =	vmov v17;
	v41 =	vld [tilespmem:s6+$0x0];
	v34 =	vpop (erf);
	(erf) = vpow2.f32 v42;
	v42 =	vperm.xlane v40, v3;
	[tilespmem:s7+$0xFFFFFFC0] =	vst v44  }
0x1b3: {  	v5 =	vmul.f32 v26, v5;
	v44 =	vld [tilespmem:s10+$0x10];
	v43 =	vadd.f32 v36, v43;
	v45 =	vperm.xlane v39, v1;
	[tilespmem:s7+$0xFFFFFFD0] =	vst v6  }
0x1b4: {  	v9 =	vmul.f32 v28, v9;
	v7 =	vmul.f32 v26, v7;
	v46 =	vld [tilespmem:s6+$0x10];
	v17 =	vpop (erf);
	v47 =	vadd.f32 v40, v42  }
0x1b5: {  	s9 =	sadd.s32 $0x2, s9;
	v11 =	vmul.f32 v28, v11;
	v40 =	vld [tilespmem:s6+$0x70];
	v26 =	vadd.f32 v34, v43;
	v39 =	vadd.f32 v39, v45;
	[tilespmem:s7+$0xFFFFFFE0] =	vst v5  }
0x1b6: {  	v13 =	vmul.f32 v28, v13;
	p1 =	slt.u32 s9, $0x2E;
	v6 =	vmov v20;
	v42 =	vld [tilespmem:s10+$0x20];
	(erf) = vrcp.f32 v47;
	[tilespmem:s7+$0xFFFFFFF0] =	vst v7;
	v20 =	vpop (erf);
	s7 =	smov.u32 s8  }
0x1b7: {  	v43 =	vld [tilespmem:s6+$0x20];
	v45 =	vadd.f32 v17, v26;
	v26 =	vperm.xlane v39, v2;
	[tilespmem:s8+$0x0] =	vst v9;
	v9 =	vmul.f32 v28, v10  }
0x1b8: {  	v5 =	vmov v21;
	v10 =	vmul.f32 v41, v38;
	v38 =	vld [tilespmem:s10+$0x30];
	[tilespmem:s8+$0x10] =	vst v11;
	v11 =	vmul.f32 v28, v15;
	v21 =	vpop (erf)  }
0x1b9: {  	v15 =	vmul.f32 v46, v44;
	v41 =	vld [tilespmem:s6+$0x30];
	v44 =	vadd.f32 v20, v45;
	v26 =	vadd.f32 v39, v26;
	[tilespmem:s8+$0x20] =	vst v13  }
0x1ba: {  	v7 =	vmovc v22;
	v10 =	vmin.f32 v10, $8.000000000e+01;
	v45 =	vmul.f32 v28, v12;
	v12 =	vmul.f32 v28, v18;
	v39 =	vld [tilespmem:s10+$0x40];
	[tilespmem:s8+$0x30] =	vst v9  }
0x1bb: {  	v47 =	vmul.f32 $1.442695020e+00, v10;
	v46 =	vmin.f32 v15, $8.000000000e+01;
	v18 =	vld [tilespmem:s6+$0x40];
	v48 =	vperm.xlane v26, v3;
	v22 =	vpop (erf);
	[tilespmem:s8+$0x40] =	vst v11  }
0x1bc: {  	v44 =	vadd.f32 v21, v44;
	v9 =	vmovc v23;
	v28 =	vmul.f32 $1.442695020e+00, v46;
	v42 =	vmul.f32 v43, v42;
	v43 =	vld [tilespmem:s10+$0x50];
	[tilespmem:s8+$0x50] =	vst v45  }
0x1bd: {  	v13 =	vmovc v25;
	v11 =	vmovc v24;
	v10 =	vmov v27;
	v23 =	vld [tilespmem:s6+$0x50];
	(erf) = vpow2.f32 v47;
	v45 =	vadd.f32 v26, v48;
	[tilespmem:s8+$0x60] =	vst v12  }
0x1be: {  	v15 =	vmovc v29;
	v12 =	vmovc v30;
	v24 =	vmin.f32 v42, $8.000000000e+01;
	v25 =	vmul.f32 v41, v38;
	v27 =	vld [tilespmem:s10+$0x60];
	(erf) = vpow2.f32 v28  }
0x1bf: {  	v29 =	vadd.f32 v22, v44;
	v24 =	vmul.f32 $1.442695020e+00, v24;
	v28 =	vld [tilespmem:s6+$0x60];
	(erf) = vrcp.f32 v45;
	v26 =	vpop (erf)  }
0x1c0: {  	v30 =	vld [tilespmem:s6+$0xFFFFFF80];
	v25 =	vmin.f32 v25, $8.000000000e+01;
	v38 =	vmul.f32 v18, v39;
	v39 =	vmul.f32 v26, v8;
	v18 =	vmovc v33;
	v8 =	vmovc v31  }
0x1c1: {  	v31 =	vld [tilespmem:s10+$0xFFFFFF90];
	v25 =	vmul.f32 $1.442695020e+00, v25;
	(erf) = vpow2.f32 v24  }
0x1c2: {  	v33 =	vld [tilespmem:s6+$0xFFFFFF90];
	v24 =	vmin.f32 v38, $8.000000000e+01;
	v23 =	vmul.f32 v23, v43;
	v38 =	vperm.xlane v29, v0;
	[tilespmem:s8+$0xFFFFFF80] =	vst v39  }
0x1c3: {  	v39 =	vld [tilespmem:s10+$0xFFFFFF80];
	v24 =	vmul.f32 $1.442695020e+00, v24;
	(erf) = vpow2.f32 v25  }
0x1c4: {  	v25 =	vld [tilespmem:s10+$0xFFFFFFA0];
	v41 =	vmin.f32 v23, $8.000000000e+01;
	v27 =	vmul.f32 v28, v27;
	v28 =	vmul.f32 v40, v37  }
0x1c5: {  	v38 =	vadd.f32 v29, v38;
	v37 =	vld [tilespmem:s6+$0xFFFFFFA0];
	v40 =	vmul.f32 $1.442695020e+00, v41;
	(erf) = vpow2.f32 v24  }
0x1c6: {  	v44 =	vmul.f32 v26, v19;
	v43 =	vmul.f32 v26, v16;
	v29 =	vld [tilespmem:s10+$0xFFFFFFB0];
	v42 =	vmin.f32 v27, $8.000000000e+01;
	v23 =	vpop (erf)  }
0x1c7: {  	v27 =	vld [tilespmem:s6+$0xFFFFFFB0];
	v41 =	vmul.f32 $1.442695020e+00, v42;
	v42 =	vmin.f32 v28, $8.000000000e+01;
	v24 =	vpop (erf);
	(erf) = vpow2.f32 v40  }
0x1c8: {  	v16 =	vmov v35;
	v30 =	vmul.f32 v30, v39;
	v39 =	vld [tilespmem:s10+$0xFFFFFFC0];
	v40 =	vmul.f32 $1.442695020e+00, v42;
	v28 =	vpop (erf);
	[tilespmem:s8+$0xFFFFFF90] =	vst v43  }
0x1c9: {  	v19 =	vmovc v36;
	v42 =	vadd.f32 v24, v23;
	v35 =	vld [tilespmem:s6+$0xFFFFFFC0];
	(erf) = vpow2.f32 v41;
	v32 =	vmul.f32 v28, v32;
	[tilespmem:s8+$0xFFFFFFA0] =	vst v44  }
0x1ca: {  	v31 =	vmul.f32 v33, v31;
	s8 =	sadd.s32 $0x100, s8;
	v30 =	vmin.f32 v30, $8.000000000e+01;
	v33 =	vmul.f32 v37, v25;
	v36 =	vld [tilespmem:s10+$0xFFFFFFD0];
	v25 =	vpop (erf)  }
0x1cb: {  	v30 =	vmul.f32 $1.442695020e+00, v30;
	v37 =	vld [tilespmem:s6+$0xFFFFFFD0];
	v41 =	vadd.f32 v25, v42;
	(erf) = vpow2.f32 v40;
	[tilespmem:s8+$0x70] =	vst v32  }
0x1cc: {  	v31 =	vmin.f32 v31, $8.000000000e+01;
	v32 =	vmin.f32 v33, $8.000000000e+01;
	v42 =	vmul.f32 v27, v29;
	v33 =	vld [tilespmem:s10+$0xFFFFFFE0];
	v27 =	vpop (erf)  }
0x1cd: {  	v31 =	vmul.f32 $1.442695020e+00, v31;
	v40 =	vld [tilespmem:s6+$0xFFFFFFE0];
	v41 =	vadd.f32 v27, v41;
	(erf) = vpow2.f32 v30  }
0x1ce: {  	v43 =	vmul.f32 $1.442695020e+00, v32;
	v32 =	vmin.f32 v42, $8.000000000e+01;
	v35 =	vmul.f32 v35, v39;
	v39 =	vld [tilespmem:s10+$0xFFFFFFF0];
	v29 =	vpop (erf)  }
0x1cf: {  	v32 =	vmul.f32 $1.442695020e+00, v32;
	v42 =	vld [tilespmem:s6+$0xFFFFFFF0];
	v41 =	vadd.f32 v29, v41;
	(erf) = vpow2.f32 v31  }
0x1d0: {  	v31 =	vmin.f32 v35, $8.000000000e+01;
	v35 =	vmul.f32 v37, v36;
	(erf) = vpow2.f32 v43;
	v30 =	vpop (erf)  }
0x1d1: {  	v31 =	vmul.f32 $1.442695020e+00, v31;
	v36 =	vadd.f32 v30, v41;
	(erf) = vpow2.f32 v32  }
0x1d2: {  	v37 =	vperm.xlane v38, v1;
	v43 =	vmin.f32 v35, $8.000000000e+01;
	v35 =	vmul.f32 v40, v33;
	v33 =	vpop (erf)  }
.Ltmp1:
0x1d3: {  	v40 =	vmul.f32 $1.442695020e+00, v43;
	v41 =	vadd.f32 v33, v36;
	(erf) = vpow2.f32 v31;
	(pc) =	sbr.rel @p1 .LBB2_5-.Ltmp1, $4  }
0x1d4: {  	v36 =	vadd.f32 v38, v37;
	v43 =	vmin.f32 v35, $8.000000000e+01;
	v35 =	vmul.f32 v42, v39;
	v32 =	vpop (erf)  }
0x1d5: {  	v37 =	vmul.f32 $1.442695020e+00, v43;
	v39 =	vadd.f32 v32, v41;
	(erf) = vpow2.f32 v40  }
0x1d6: {  	v38 =	vmul.f32 v26, v14;
	v40 =	vperm.xlane v36, v2;
	v35 =	vmin.f32 v35, $8.000000000e+01;
	v31 =	vpop (erf)  }
0x1d7: {  	s10 =	sadd.s32 $0x100, s10;
	v14 =	vmov v34;
	v41 =	vperm.xlane v39, v0;
	(erf) = vpow2.f32 v37  }
0x1d8: {  	v34 =	vpop (erf)  }
0x1d9: {  	v35 =	vmul.f32 $1.442695020e+00, v35;
	v37 =	vadd.f32 v34, v31  }
0x1da: {  	v42 =	vpop (erf);
	v60 =	vadd.f32 v39, v41  }
0x1db: {  	(erf) = vpow2.f32 v35;
	v59 =	vadd.f32 v42, v37  }
0x1dc: {  	v39 =	vpop (erf);
	v41 =	vperm.xlane v60, v1  }
0x1dd: {  	v35 =	vadd.f32 v39, v59  }
0x1de: {  	v43 =	vpop (erf)  }
0x1df: {  	v35 =	vadd.f32 v43, v35  }
0x1e0: {  	v37 =	vadd.f32 v60, v41;
	v41 =	vpop (erf)  }
0x1e1: {  	v35 =	vadd.f32 v41, v35  }
0x1e2: {  	v36 =	vadd.f32 v36, v40;
	v61 =	vperm.xlane v37, v2;
	v44 =	vpop (erf)  }
0x1e3: {  	v35 =	vadd.f32 v44, v35  }
0x1e4: {  	v45 =	vperm.xlane v36, v3;
	v37 =	vadd.f32 v37, v61;
	v40 =	vpop (erf)  }
0x1e5: {  	v35 =	vadd.f32 v40, v35  }
0x1e6: {  	v4 =	vmul.f32 v26, v4;
	v36 =	vadd.f32 v36, v45;
	v62 =	vperm.xlane v37, v3  }
0x1e7: {  	v63 =	vperm.xlane v35, v0  }
0x1e8: {  	v6 =	vmul.f32 v26, v6;
	[tilespmem:s7+$0xFFFFFFC0] =	vst v4;
	(erf) = vrcp.f32 v36;
	v4 =	vadd.f32 v37, v62  }
0x1e9: {  	[tilespmem:s7+$0xFFFFFFB0] =	vst v38;
	v5 =	vmul.f32 v26, v5;
	v38 =	vadd.f32 v35, v63  }
0x1ea: {  	v9 =	vmul.f32 v28, v9;
	[tilespmem:s7+$0xFFFFFFD0] =	vst v6;
	(erf) = vrcp.f32 v4  }
0x1eb: {  	[tilespmem:s7+$0xFFFFFFE0] =	vst v5;
	v4 =	vmul.f32 v28, v11;
	v5 =	vperm.xlane v38, v1  }
0x1ec: {  	v46 =	vmul.f32 v28, v10;
	[tilespmem:s8+$0x0] =	vst v9  }
0x1ed: {  	v47 =	vmul.f32 v28, v12;
	[tilespmem:s8+$0x10] =	vst v4;
	v4 =	vadd.f32 v38, v5;
	v5 =	vmul.f32 v28, v15  }
0x1ee: {  	v48 =	vmul.f32 v28, v18;
	[tilespmem:s8+$0x30] =	vst v46  }
0x1ef: {  	[tilespmem:s8+$0x50] =	vst v47;
	v45 =	vmul.f32 v28, v13  }
0x1f0: {  	[tilespmem:s8+$0x60] =	vst v48;
	v37 =	vmul.f32 v26, v7;
	v7 =	vperm.xlane v4, v2  }
0x1f1: {  	[tilespmem:s8+$0x40] =	vst v5;
	v5 =	vpop (erf)  }
0x1f2: {  	[tilespmem:s8+$0x20] =	vst v45;
	v4 =	vadd.f32 v4, v7;
	v49 =	vmul.f32 v5, v8  }
0x1f3: {  	[tilespmem:s7+$0xFFFFFFF0] =	vst v37;
	v50 =	vmul.f32 v5, v16  }
0x1f4: {  	v51 =	vmul.f32 v5, v19;
	v53 =	vperm.xlane v4, v3;
	[tilespmem:s8+$0xFFFFFF80] =	vst v49  }
0x1f5: {  	v55 =	vmul.f32 v5, v14;
	[tilespmem:s8+$0xFFFFFF90] =	vst v50  }
0x1f6: {  	v56 =	vmul.f32 v5, v17;
	[tilespmem:s8+$0xFFFFFFA0] =	vst v51;
	v4 =	vadd.f32 v4, v53  }
0x1f7: {  	v52 =	vpop (erf);
	v57 =	vmul.f32 v5, v20;
	[tilespmem:s8+$0xFFFFFFB0] =	vst v55  }
0x1f8: {  	v54 =	vmul.f32 v52, v32;
	[tilespmem:s8+$0xFFFFFFC0] =	vst v56;
	(erf) = vrcp.f32 v4  }
0x1f9: {  	s6 =	sadd.s32 $0x100, s8;
	[tilespmem:s8+$0xFFFFFFD0] =	vst v57;
	v4 =	vmul.f32 v5, v21  }
0x1fa: {  	v58 =	vmul.f32 v52, v23;
	[tilespmem:s6+$0x70] =	vst v54  }
0x1fb: {  	[tilespmem:s8+$0xFFFFFFE0] =	vst v4;
	v4 =	vmul.f32 v52, v24  }
0x1fc: {  	[tilespmem:s6+$0x0] =	vst v58;
	v5 =	vmul.f32 v5, v22  }
0x1fd: {  	v59 =	vmul.f32 v52, v27;
	[tilespmem:s6+$0x10] =	vst v4;
	v4 =	vmul.f32 v52, v29  }
0x1fe: {  	[tilespmem:s8+$0xFFFFFFF0] =	vst v5;
	v5 =	vmul.f32 v52, v25  }
0x1ff: {  	[tilespmem:s6+$0x30] =	vst v59  }
0x200: {  	[tilespmem:s6+$0x20] =	vst v5;
	v5 =	vmul.f32 v52, v30  }
0x201: {  	v60 =	vmul.f32 v52, v33;
	[tilespmem:s6+$0x40] =	vst v4;
	v4 =	vpop (erf)  }
0x202: {  	[tilespmem:s6+$0x50] =	vst v5;
	v5 =	vmul.f32 v4, v31  }
0x203: {  	[tilespmem:s6+$0x60] =	vst v60;
	v61 =	vmul.f32 v4, v34  }
0x204: {  	[tilespmem:s6+$0xFFFFFF80] =	vst v5;
	v5 =	vmul.f32 v4, v42  }
0x205: {  	v62 =	vmul.f32 v4, v39;
	[tilespmem:s6+$0xFFFFFF90] =	vst v61  }
0x206: {  	s17 =	sadd.s32 $0x1, s17;
	[tilespmem:s6+$0xFFFFFFA0] =	vst v5;
	v5 =	vmul.f32 v4, v43  }
0x207: {  	p1 =	sne.s32 s17, $0x68;
	v63 =	vmul.f32 v4, v41;
	[tilespmem:s6+$0xFFFFFFB0] =	vst v62  }
.Ltmp2:
0x208: {  	[tilespmem:s6+$0xFFFFFFC0] =	vst v5;
	v5 =	vmul.f32 v4, v44;
	(pc) =	sbr.rel @p1 .LBB2_2-.Ltmp2, $4  }
0x209: {  	s18 =	sadd.s32 s4, s18;
	[tilespmem:s6+$0xFFFFFFD0] =	vst v63;
	v4 =	vmul.f32 v4, v40  }
0x20a: {  	s7 =	sshll.u32 s18, $0x4;
	[tilespmem:s6+$0xFFFFFFE0] =	vst v5  }
0x20b: {  	s19 =	sadd.s32 s1, s7;
	[tilespmem:s6+$0xFFFFFFF0] =	vst v4  }
0x20c: {  	[hbm4b:s19+s3] =	stream.linear.scatter [tilespmem:s30], [sflag:$0x6], $0x1800, $0x38;
	[tilespmem:$0x1F200] =	vst v63  }
0x20d: {  	v4 =	vld [tilespmem:$0x15F80];
	_ =	sdelay $0x4  }
0x20e: {  	v5 =	vand.u32 $0xFFFF, v4  }
0x20f: {  	v4 =	vshrl.u32 v4, $0x10;
	[tilespmem:$0x16000] =	vst v5  }
0x210: {  	s17 =	simm.s32 $0x16000;
	s18 =	simm.s32 $0x16200;
	[tilespmem:$0x16100] =	vst v4  }
0x211: {  	[tilespmem:s18], [sflag:$0x1] =	stream.indirect.gather [spmem:s2], $0x80, s17, s31, $0xb8;
	[tilespmem:$0x1F200] =	vst v63  }
0x212: {  	_ =	swait.ge [sflag:s24], $0x800  }
0x213: {  	[sflag:s24] =	ssyncset.done $0x0  }
0x214: {  	s19 =	simm.s32 $0x16100;
	s6 =	simm.s32 $0x19200;
	[sflag:s24] =	ssyncadd.s32 $0xFFFFF800  }
0x215: {  	[tilespmem:s6], [sflag:$0x3] =	stream.indirect.gather [spmem:s2], $0x80, s19, s31, $0xb8;
	[tilespmem:$0x1F200] =	vst v63  }
0x216: {  	_ =	swait.ge [sflag:s25], $0x800  }
0x217: {  	[sflag:s25] =	ssyncset.done $0x0  }
0x218: {  	[sflag:s25] =	ssyncadd.s32 $0xFFFFF800  }
0x219: {  	_ =	swait.ge [sflag:s0], $0x1800  }
0x21a: {  	[sflag:s0] =	ssyncset.done $0x0  }
0x21b: {  	s7 =	simm.s32 $0x16280;
	[sflag:s0] =	ssyncadd.s32 $0xFFFFE800  }
0x21c: {  	s8 =	simm.s32 $0x19280;
	v4 =	vld [tilespmem:s7+$0x0]  }
0x21d: {  	v5 =	vld [tilespmem:s8+$0x0]  }
0x21e: {  	v6 =	vld [tilespmem:s7+$0x10]  }
0x21f: {  	v7 =	vld [tilespmem:s8+$0x10]  }
0x220: {  	v8 =	vld [tilespmem:s7+$0x20]  }
0x221: {  	v9 =	vld [tilespmem:s8+$0x20]  }
0x222: {  	v10 =	vld [tilespmem:s7+$0x30]  }
0x223: {  	v4 =	vmul.f32 v5, v4;
	v5 =	vld [tilespmem:s8+$0x30]  }
0x224: {  	v11 =	vld [tilespmem:s8+$0x40];
	v6 =	vmul.f32 v7, v6  }
0x225: {  	v7 =	vld [tilespmem:s7+$0x40];
	v4 =	vmin.f32 v4, $8.000000000e+01  }
0x226: {  	v12 =	vld [tilespmem:s8+$0x50];
	v8 =	vmul.f32 v9, v8;
	v6 =	vmin.f32 v6, $8.000000000e+01;
	v4 =	vmul.f32 $1.442695020e+00, v4  }
0x227: {  	v9 =	vld [tilespmem:s7+$0x50];
	v6 =	vmul.f32 $1.442695020e+00, v6  }
0x228: {  	(erf) = vpow2.f32 v4;
	v4 =	vmin.f32 v8, $8.000000000e+01;
	v5 =	vmul.f32 v5, v10;
	v8 =	vld [tilespmem:s7+$0x60]  }
0x229: {  	(erf) = vpow2.f32 v6;
	v4 =	vmul.f32 $1.442695020e+00, v4;
	v6 =	vld [tilespmem:s8+$0x60]  }
0x22a: {  	v10 =	vld [tilespmem:s7+$0x70];
	v7 =	vmul.f32 v11, v7;
	v5 =	vmin.f32 v5, $8.000000000e+01  }
0x22b: {  	v11 =	vld [tilespmem:s8+$0x70];
	v5 =	vmul.f32 $1.442695020e+00, v5;
	(erf) = vpow2.f32 v4  }
0x22c: {  	v4 =	vmin.f32 v7, $8.000000000e+01;
	v7 =	vmul.f32 v12, v9  }
0x22d: {  	v4 =	vmul.f32 $1.442695020e+00, v4;
	(erf) = vpow2.f32 v5  }
0x22e: {  	v5 =	vmin.f32 v7, $8.000000000e+01;
	v6 =	vmul.f32 v6, v8  }
0x22f: {  	v5 =	vmul.f32 $1.442695020e+00, v5;
	(erf) = vpow2.f32 v4  }
0x230: {  	v13 =	vld [tilespmem:s7+$0xFFFFFFC0];
	v4 =	vmul.f32 v11, v10;
	v6 =	vmin.f32 v6, $8.000000000e+01  }
0x231: {  	v9 =	vld [tilespmem:s7+$0xFFFFFF80];
	(erf) = vpow2.f32 v5;
	v17 =	vpop (erf);
	v6 =	vmul.f32 $1.442695020e+00, v6  }
0x232: {  	v12 =	vld [tilespmem:s8+$0xFFFFFFB0];
	v4 =	vmin.f32 v4, $8.000000000e+01;
	v20 =	vpop (erf)  }
0x233: {  	v7 =	vld [tilespmem:s7+$0xFFFFFF90];
	v4 =	vmul.f32 $1.442695020e+00, v4;
	v8 =	vadd.f32 v20, v17;
	(erf) = vpow2.f32 v6  }
0x234: {  	v5 =	vld [tilespmem:s8+$0xFFFFFF80];
	v24 =	vpop (erf)  }
0x235: {  	v10 =	vld [tilespmem:s8+$0xFFFFFFA0];
	(erf) = vpow2.f32 v4;
	v8 =	vadd.f32 v24, v8  }
0x236: {  	v6 =	vld [tilespmem:s8+$0xFFFFFF90];
	v21 =	vpop (erf)  }
0x237: {  	v11 =	vld [tilespmem:s7+$0xFFFFFFB0];
	v8 =	vadd.f32 v21, v8  }
0x238: {  	v4 =	vld [tilespmem:s7+$0xFFFFFFA0];
	v23 =	vpop (erf)  }
0x239: {  	v5 =	vmul.f32 v5, v9;
	v9 =	vld [tilespmem:s8+$0xFFFFFFC0];
	v8 =	vadd.f32 v23, v8  }
0x23a: {  	v15 =	vld [tilespmem:s8+$0xFFFFFFE0];
	v22 =	vpop (erf)  }
0x23b: {  	v16 =	vld [tilespmem:s8+$0xFFFFFFF0];
	v5 =	vmin.f32 v5, $8.000000000e+01;
	v6 =	vmul.f32 v6, v7;
	v8 =	vadd.f32 v22, v8  }
0x23c: {  	v11 =	vmul.f32 v12, v11;
	v7 =	vld [tilespmem:s7+$0xFFFFFFD0];
	v5 =	vmul.f32 $1.442695020e+00, v5;
	v25 =	vpop (erf)  }
0x23d: {  	v4 =	vmul.f32 v10, v4;
	v10 =	vld [tilespmem:s8+$0xFFFFFFD0];
	v6 =	vmin.f32 v6, $8.000000000e+01;
	v8 =	vadd.f32 v25, v8  }
0x23e: {  	v12 =	vld [tilespmem:s7+$0xFFFFFFE0];
	(erf) = vpow2.f32 v5;
	v5 =	vmul.f32 v9, v13;
	v9 =	vmin.f32 v11, $8.000000000e+01;
	v14 =	vpop (erf)  }
0x23f: {  	v11 =	vld [tilespmem:s7+$0xFFFFFFF0];
	v6 =	vmul.f32 $1.442695020e+00, v6;
	v4 =	vmin.f32 v4, $8.000000000e+01;
	v8 =	vadd.f32 v14, v8  }
0x240: {  	v9 =	vmul.f32 $1.442695020e+00, v9;
	v4 =	vmul.f32 $1.442695020e+00, v4  }
0x241: {  	(erf) = vpow2.f32 v6;
	v13 =	vperm.xlane v8, v0  }
0x242: {  	s9 =	simm.s32 $0x16380;
	v5 =	vmin.f32 v5, $8.000000000e+01;
	v6 =	vmul.f32 v10, v7;
	(erf) = vpow2.f32 v4  }
0x243: {  	v4 =	vld [tilespmem:s9+$0x0];
	(erf) = vpow2.f32 v9;
	v9 =	vmul.f32 v15, v12;
	v7 =	vadd.f32 v8, v13  }
0x244: {  	s10 =	simm.s32 $0x19380;
	v5 =	vmul.f32 $1.442695020e+00, v5;
	v10 =	vld [tilespmem:s9+$0x10];
	v11 =	vmul.f32 v16, v11;
	v6 =	vmin.f32 v6, $8.000000000e+01  }
0x245: {  	v6 =	vmul.f32 $1.442695020e+00, v6;
	v9 =	vmin.f32 v9, $8.000000000e+01;
	v8 =	vld [tilespmem:s10+$0x0];
	v12 =	vperm.xlane v7, v1  }
0x246: {  	(erf) = vpow2.f32 v5;
	v5 =	vld [tilespmem:s10+$0x10];
	v9 =	vmul.f32 $1.442695020e+00, v9  }
0x247: {  	v11 =	vmin.f32 v11, $8.000000000e+01;
	(erf) = vpow2.f32 v6;
	v6 =	vld [tilespmem:s10+$0x20];
	v7 =	vadd.f32 v7, v12  }
0x248: {  	(erf) = vpow2.f32 v9;
	v9 =	vmul.f32 $1.442695020e+00, v11;
	v11 =	vld [tilespmem:s10+$0x30]  }
0x249: {  	v12 =	vld [tilespmem:s9+$0x20];
	v13 =	vperm.xlane v7, v2  }
0x24a: {  	v4 =	vmul.f32 v8, v4;
	v8 =	vld [tilespmem:s9+$0x30]  }
0x24b: {  	v18 =	vld [tilespmem:s10+$0xFFFFFF90];
	v5 =	vmul.f32 v5, v10;
	v7 =	vadd.f32 v7, v13  }
0x24c: {  	v27 =	vpop (erf);
	v10 =	vld [tilespmem:s9+$0x40];
	(erf) = vpow2.f32 v9;
	v4 =	vmin.f32 v4, $8.000000000e+01  }
0x24d: {  	v9 =	vld [tilespmem:s10+$0x40];
	v32 =	vpop (erf);
	v5 =	vmin.f32 v5, $8.000000000e+01;
	v4 =	vmul.f32 $1.442695020e+00, v4;
	v13 =	vperm.xlane v7, v3  }
0x24e: {  	v16 =	vld [tilespmem:s10+$0x50];
	v15 =	vadd.f32 v32, v27;
	v5 =	vmul.f32 $1.442695020e+00, v5;
	v6 =	vmul.f32 v6, v12  }
0x24f: {  	v33 =	vpop (erf);
	v12 =	vld [tilespmem:s9+$0x50];
	(erf) = vpow2.f32 v4;
	v4 =	vadd.f32 v7, v13;
	v7 =	vmul.f32 v11, v8  }
0x250: {  	v6 =	vmin.f32 v6, $8.000000000e+01;
	(erf) = vpow2.f32 v5;
	v8 =	vld [tilespmem:s9+$0x60];
	v11 =	vadd.f32 v33, v15  }
0x251: {  	v5 =	vmul.f32 $1.442695020e+00, v6;
	v13 =	vld [tilespmem:s10+$0x60];
	(erf) = vrcp.f32 v4;
	v4 =	vmin.f32 v7, $8.000000000e+01  }
0x252: {  	v19 =	vld [tilespmem:s9+$0xFFFFFFA0];
	v31 =	vpop (erf);
	v6 =	vmul.f32 v9, v10  }
0x253: {  	v15 =	vld [tilespmem:s9+$0x70];
	v7 =	vmul.f32 $1.442695020e+00, v4;
	(erf) = vpow2.f32 v5;
	v5 =	vadd.f32 v31, v11  }
0x254: {  	v9 =	vld [tilespmem:s10+$0x70];
	v6 =	vmin.f32 v6, $8.000000000e+01;
	v11 =	vmul.f32 v16, v12;
	v4 =	vpop (erf)  }
0x255: {  	v10 =	vld [tilespmem:s10+$0xFFFFFF80];
	(erf) = vpow2.f32 v7;
	v7 =	vadd.f32 v4, v5  }
0x256: {  	v16 =	vmul.f32 $1.442695020e+00, v6;
	v11 =	vmin.f32 v11, $8.000000000e+01;
	v8 =	vmul.f32 v13, v8;
	v13 =	vld [tilespmem:s9+$0xFFFFFF80]  }
0x257: {  	v26 =	vld [tilespmem:s10+$0xFFFFFFA0];
	v6 =	vpop (erf);
	v11 =	vmul.f32 $1.442695020e+00, v11  }
0x258: {  	v12 =	vld [tilespmem:s9+$0xFFFFFF90];
	v5 =	vpop (erf);
	(erf) = vpow2.f32 v16  }
0x259: {  	v28 =	vld [tilespmem:s9+$0xFFFFFFB0];
	v15 =	vmul.f32 v9, v15;
	v8 =	vmin.f32 v8, $8.000000000e+01;
	v16 =	vadd.f32 v6, v7;
	v7 =	vpop (erf)  }
0x25a: {  	v29 =	vld [tilespmem:s10+$0xFFFFFFB0];
	v8 =	vmul.f32 $1.442695020e+00, v8;
	v9 =	vpop (erf)  }
0x25b: {  	v15 =	vmin.f32 v15, $8.000000000e+01;
	(erf) = vpow2.f32 v11;
	v10 =	vmul.f32 v10, v13;
	v11 =	vpop (erf)  }
0x25c: {  	v37 =	vld [tilespmem:s10+$0xFFFFFFD0];
	v19 =	vmul.f32 v26, v19;
	v15 =	vmul.f32 $1.442695020e+00, v15;
	v30 =	vpop (erf);
	v34 =	vadd.f32 v11, v9  }
0x25d: {  	v26 =	vld [tilespmem:s9+$0xFFFFFFD0];
	v12 =	vmul.f32 v18, v12;
	v16 =	vadd.f32 v5, v16;
	(erf) = vpow2.f32 v8;
	v13 =	vpop (erf)  }
0x25e: {  	(erf) = vpow2.f32 v15;
	v15 =	vmin.f32 v10, $8.000000000e+01;
	v18 =	vadd.f32 v13, v34  }
0x25f: {  	v35 =	vld [tilespmem:s10+$0xFFFFFFC0];
	v28 =	vmul.f32 v29, v28;
	v19 =	vmin.f32 v19, $8.000000000e+01;
	v12 =	vmin.f32 v12, $8.000000000e+01;
	v10 =	vpop (erf)  }
0x260: {  	v12 =	vmul.f32 $1.442695020e+00, v12;
	v8 =	vadd.f32 v7, v16;
	v16 =	vld [tilespmem:s9+$0xFFFFFFC0];
	v18 =	vadd.f32 v10, v18  }
0x261: {  	v28 =	vmin.f32 v28, $8.000000000e+01;
	v19 =	vmul.f32 $1.442695020e+00, v19;
	v36 =	vmul.f32 $1.442695020e+00, v15;
	v15 =	vpop (erf)  }
0x262: {  	v26 =	vmul.f32 v37, v26;
	v58 =	vperm.xlane v8, v0;
	v18 =	vadd.f32 v15, v18  }
0x263: {  	v38 =	vld [tilespmem:s10+$0xFFFFFFE0];
	v28 =	vmul.f32 $1.442695020e+00, v28;
	(erf) = vpow2.f32 v36  }
0x264: {  	v29 =	vld [tilespmem:s9+$0xFFFFFFE0];
	v26 =	vmin.f32 v26, $8.000000000e+01;
	(erf) = vpow2.f32 v12;
	v8 =	vadd.f32 v8, v58;
	v12 =	vpop (erf)  }
0x265: {  	v59 =	vld [tilespmem:s9+$0xFFFFFFF0];
	v26 =	vmul.f32 $1.442695020e+00, v26;
	v16 =	vmul.f32 v35, v16;
	v61 =	vadd.f32 v12, v18  }
0x266: {  	s6 =	simm.s32 $0x19480;
	v60 =	vld [tilespmem:s10+$0xFFFFFFF0];
	(erf) = vpow2.f32 v19;
	v19 =	vperm.xlane v8, v1;
	v18 =	vpop (erf)  }
0x267: {  	v40 =	vld [tilespmem:s6+$0x10];
	v45 =	vmul.f32 v30, v20;
	v46 =	vmul.f32 v30, v24;
	v62 =	vadd.f32 v18, v61  }
0x268: {  	v43 =	vld [tilespmem:s6+$0x70];
	s8 =	simm.s32 $0x16480;
	v47 =	vmul.f32 v30, v21;
	v16 =	vmin.f32 v16, $8.000000000e+01;
	v19 =	vadd.f32 v8, v19;
	v34 =	vpop (erf)  }
0x269: {  	v51 =	vld [tilespmem:s8+$0x10];
	(erf) = vpow2.f32 v28;
	v28 =	vmul.f32 v38, v29;
	v29 =	vadd.f32 v34, v62  }
0x26a: {  	v56 =	vld [tilespmem:s6+$0x20];
	v37 =	vmul.f32 v30, v23;
	v16 =	vmul.f32 $1.442695020e+00, v16  }
0x26b: {  	v57 =	vld [tilespmem:s6+$0x40];
	v8 =	vmin.f32 v28, $8.000000000e+01;
	v28 =	vperm.xlane v19, v2;
	v48 =	vperm.xlane v29, v0  }
0x26c: {  	v49 =	vld [tilespmem:s8+$0x0];
	(erf) = vpow2.f32 v16;
	v16 =	vmul.f32 v60, v59  }
0x26d: {  	(erf) = vpow2.f32 v26;
	v26 =	vld [tilespmem:s6+$0x0];
	v28 =	vadd.f32 v19, v28;
	v29 =	vadd.f32 v29, v48  }
0x26e: {  	v63 =	vld [tilespmem:s8+$0x70];
	v23 =	vmul.f32 v40, v51;
	v50 =	vmul.f32 $1.442695020e+00, v8  }
0x26f: {  	v55 =	vld [tilespmem:s8+$0x20];
	v39 =	vmin.f32 v16, $8.000000000e+01;
	v41 =	vperm.xlane v28, v3;
	v42 =	vperm.xlane v29, v1  }
0x270: {  	v24 =	vld [tilespmem:s8+$0x30];
	v40 =	vmul.f32 v30, v22;
	v52 =	vmul.f32 $1.442695020e+00, v39;
	v8 =	vpop (erf)  }
0x271: {  	v51 =	vld [tilespmem:s6+$0xFFFFFFB0];
	v16 =	vpop (erf);
	(erf) = vpow2.f32 v50;
	v28 =	vadd.f32 v28, v41;
	v29 =	vadd.f32 v29, v42  }
0x272: {  	v19 =	vpop (erf);
	(erf) = vpow2.f32 v52;
	v21 =	vmul.f32 v26, v49;
	v26 =	vld [tilespmem:s8+$0x40]  }
0x273: {  	v22 =	vmin.f32 v23, $8.000000000e+01;
	(erf) = vrcp.f32 v28;
	v28 =	vld [tilespmem:s6+$0x30];
	v20 =	vperm.xlane v29, v2  }
0x274: {  	v44 =	vmul.f32 v30, v14;
	v22 =	vmul.f32 $1.442695020e+00, v22;
	v62 =	vld [tilespmem:s8+$0xFFFFFFB0]  }
0x275: {  	v39 =	vmul.f32 v56, v55;
	v50 =	vld [tilespmem:s6+$0xFFFFFF90];
	v53 =	vadd.f32 v16, v8;
	v29 =	vadd.f32 v29, v20  }
0x276: {  	v48 =	vmul.f32 v30, v25;
	v49 =	vld [tilespmem:s8+$0xFFFFFF90];
	v41 =	vmul.f32 v30, v17;
	v20 =	vmin.f32 v21, $8.000000000e+01  }
0x277: {  	v25 =	vld [tilespmem:s8+$0x50];
	v21 =	vmul.f32 $1.442695020e+00, v20;
	v23 =	vperm.xlane v29, v3  }
0x278: {  	v30 =	vld [tilespmem:s6+$0x50];
	v54 =	vadd.f32 v19, v53;
	v14 =	vpop (erf);
	v36 =	vmul.f32 v57, v26;
	v24 =	vmul.f32 v28, v24  }
0x279: {  	v58 =	vld [tilespmem:s8+$0x60];
	v17 =	vpop (erf);
	(erf) = vpow2.f32 v21;
	v23 =	vadd.f32 v29, v23;
	v29 =	vmin.f32 v39, $8.000000000e+01  }
0x27a: {  	v28 =	vld [tilespmem:s6+$0x60];
	v20 =	vpop (erf);
	(erf) = vpow2.f32 v22;
	v29 =	vmul.f32 $1.442695020e+00, v29  }
0x27b: {  	v59 =	vld [tilespmem:s6+$0xFFFFFF80];
	v38 =	vadd.f32 v14, v54;
	v49 =	vmul.f32 v50, v49;
	v21 =	vpop (erf);
	(erf) = vrcp.f32 v23  }
0x27c: {  	v57 =	vmul.f32 v51, v62;
	v24 =	vmin.f32 v24, $8.000000000e+01;
	v22 =	vpop (erf);
	(erf) = vpow2.f32 v29;
	v29 =	vld [tilespmem:s8+$0xFFFFFF80]  }
0x27d: {  	v60 =	vld [tilespmem:s6+$0xFFFFFFA0];
	v25 =	vmul.f32 v30, v25;
	v23 =	vmul.f32 $1.442695020e+00, v24;
	v24 =	vmin.f32 v36, $8.000000000e+01;
	v26 =	vpop (erf)  }
0x27e: {  	v38 =	vadd.f32 v17, v38;
	v24 =	vmul.f32 $1.442695020e+00, v24;
	v36 =	vmul.f32 v26, v27;
	v27 =	vld [tilespmem:s8+$0xFFFFFFA0]  }
0x27f: {  	(erf) = vpow2.f32 v23;
	v23 =	vmin.f32 v25, $8.000000000e+01;
	v25 =	vmul.f32 v28, v58  }
0x280: {  	v49 =	vmin.f32 v49, $8.000000000e+01;
	v28 =	vmul.f32 v43, v63;
	v61 =	vmul.f32 $1.442695020e+00, v23  }
0x281: {  	(erf) = vpow2.f32 v24;
	v24 =	vmin.f32 v25, $8.000000000e+01;
	v29 =	vmul.f32 v59, v29  }
0x282: {  	v35 =	vld [tilespmem:s8+$0xFFFFFFC0];
	v28 =	vmin.f32 v28, $8.000000000e+01;
	v25 =	vmul.f32 $1.442695020e+00, v24;
	(erf) = vpow2.f32 v61  }
0x283: {  	v52 =	vld [tilespmem:s6+$0xFFFFFFC0];
	v63 =	vmul.f32 $1.442695020e+00, v28;
	v23 =	vpop (erf);
	v27 =	vmul.f32 v60, v27;
	v29 =	vmin.f32 v29, $8.000000000e+01  }
0x284: {  	v38 =	vadd.f32 v20, v38;
	v24 =	vpop (erf);
	(erf) = vpow2.f32 v25;
	v29 =	vmul.f32 $1.442695020e+00, v29  }
0x285: {  	v53 =	vadd.f32 v24, v23;
	(erf) = vpow2.f32 v63;
	v28 =	vpop (erf);
	v60 =	vmin.f32 v27, $8.000000000e+01  }
0x286: {  	v56 =	vld [tilespmem:s8+$0xFFFFFFD0];
	v38 =	vadd.f32 v21, v38;
	v25 =	vpop (erf);
	(erf) = vpow2.f32 v29;
	v29 =	vmul.f32 $1.442695020e+00, v60  }
0x287: {  	s7 =	simm.s32 $0x1C280;
	v49 =	vmul.f32 $1.442695020e+00, v49;
	v58 =	vld [tilespmem:s6+$0xFFFFFFD0];
	v59 =	vadd.f32 v25, v53  }
0x288: {  	[tilespmem:s7+$0x70] =	vst v44;
	v62 =	vld [tilespmem:s6+$0xFFFFFFE0];
	v35 =	vmul.f32 v52, v35;
	v39 =	vmin.f32 v57, $8.000000000e+01;
	v30 =	vadd.f32 v22, v38;
	v27 =	vpop (erf)  }
0x289: {  	[tilespmem:s7+$0x10] =	vst v45;
	v39 =	vmul.f32 $1.442695020e+00, v39;
	v61 =	vld [tilespmem:s8+$0xFFFFFFE0];
	(erf) = vpow2.f32 v49;
	v63 =	vadd.f32 v27, v59  }
0x28a: {  	[tilespmem:s7+$0x20] =	vst v46;
	v52 =	vld [tilespmem:s8+$0xFFFFFFF0];
	v57 =	vmin.f32 v35, $8.000000000e+01;
	v43 =	vperm.xlane v30, v0;
	(erf) = vpow2.f32 v29;
	v29 =	vpop (erf)  }
0x28b: {  	[tilespmem:s7+$0x30] =	vst v47;
	v55 =	vmul.f32 v26, v32;
	v32 =	vmul.f32 $1.442695020e+00, v57;
	v53 =	vld [tilespmem:s6+$0xFFFFFFF0];
	v54 =	vadd.f32 v29, v63  }
0x28c: {  	[tilespmem:s7+$0x40] =	vst v37;
	v43 =	vadd.f32 v30, v43;
	v38 =	vmul.f32 v58, v56;
	v56 =	vmul.f32 v26, v33;
	v30 =	vpop (erf)  }
0x28d: {  	[tilespmem:s7+$0x50] =	vst v40;
	v34 =	vmul.f32 v28, v34;
	(erf) = vpow2.f32 v39;
	v58 =	vadd.f32 v30, v54  }
0x28e: {  	[tilespmem:s7+$0x60] =	vst v48;
	v60 =	vmul.f32 v62, v61;
	v61 =	vperm.xlane v43, v1;
	v59 =	vmin.f32 v38, $8.000000000e+01;
	v33 =	vpop (erf)  }
0x28f: {  	[tilespmem:s7+$0x0] =	vst v41;
	v37 =	vmul.f32 $1.442695020e+00, v59;
	(erf) = vpow2.f32 v32;
	v35 =	vadd.f32 v33, v58  }
0x290: {  	[tilespmem:s7+$0xFFFFFF80] =	vst v36;
	v38 =	vmin.f32 v60, $8.000000000e+01;
	v36 =	vadd.f32 v43, v61;
	v62 =	vmul.f32 v53, v52;
	v32 =	vpop (erf)  }
0x291: {  	[tilespmem:s7+$0xFFFFFF90] =	vst v55;
	v63 =	vmul.f32 $1.442695020e+00, v38;
	(erf) = vpow2.f32 v37;
	v39 =	vadd.f32 v32, v35  }
0x292: {  	s8 =	simm.s32 $0x1C380;
	[tilespmem:s7+$0xFFFFFFA0] =	vst v56;
	v40 =	vperm.xlane v36, v2;
	v38 =	vmul.f32 v26, v31  }
0x293: {  	s10 =	simm.s32 $0x16580;
	s9 =	simm.s32 $0x4;
	[tilespmem:s8+$0x70] =	vst v34;
	v31 =	vpop (erf);
	(erf) = vpow2.f32 v63;
	v35 =	vmin.f32 v62, $8.000000000e+01;
	v41 =	vperm.xlane v39, v0  }
.LBB2_8:
0x294: {  	v37 =	vld [tilespmem:s10+$0x70];
	v42 =	vmul.f32 $1.442695020e+00, v35;
	v35 =	vpop (erf);
	v40 =	vadd.f32 v36, v40;
	[tilespmem:s7+$0xFFFFFFB0] =	vst v38;
	v44 =	vmul.f32 v26, v4  }
0x295: {  	s6 =	sadd.s32 $0x100, s6;
	v6 =	vmul.f32 v26, v6;
	v38 =	vld [tilespmem:s10+$0x0];
	v43 =	vadd.f32 v35, v31;
	v39 =	vadd.f32 v39, v41;
	v36 =	vpop (erf)  }
0x296: {  	v4 =	vmov v17;
	v41 =	vld [tilespmem:s6+$0x0];
	v34 =	vpop (erf);
	(erf) = vpow2.f32 v42;
	v42 =	vperm.xlane v40, v3;
	[tilespmem:s7+$0xFFFFFFC0] =	vst v44  }
0x297: {  	v5 =	vmul.f32 v26, v5;
	v44 =	vld [tilespmem:s10+$0x10];
	v43 =	vadd.f32 v36, v43;
	v45 =	vperm.xlane v39, v1;
	[tilespmem:s7+$0xFFFFFFD0] =	vst v6  }
0x298: {  	v9 =	vmul.f32 v28, v9;
	v7 =	vmul.f32 v26, v7;
	v46 =	vld [tilespmem:s6+$0x10];
	v17 =	vpop (erf);
	v47 =	vadd.f32 v40, v42  }
0x299: {  	s9 =	sadd.s32 $0x2, s9;
	v11 =	vmul.f32 v28, v11;
	v40 =	vld [tilespmem:s6+$0x70];
	v26 =	vadd.f32 v34, v43;
	v39 =	vadd.f32 v39, v45;
	[tilespmem:s7+$0xFFFFFFE0] =	vst v5  }
0x29a: {  	v13 =	vmul.f32 v28, v13;
	p1 =	slt.u32 s9, $0xE;
	v6 =	vmov v20;
	v42 =	vld [tilespmem:s10+$0x20];
	(erf) = vrcp.f32 v47;
	[tilespmem:s7+$0xFFFFFFF0] =	vst v7;
	v20 =	vpop (erf);
	s7 =	smov.u32 s8  }
0x29b: {  	v43 =	vld [tilespmem:s6+$0x20];
	v45 =	vadd.f32 v17, v26;
	v26 =	vperm.xlane v39, v2;
	[tilespmem:s8+$0x0] =	vst v9;
	v9 =	vmul.f32 v28, v10  }
0x29c: {  	v5 =	vmov v21;
	v10 =	vmul.f32 v41, v38;
	v38 =	vld [tilespmem:s10+$0x30];
	[tilespmem:s8+$0x10] =	vst v11;
	v11 =	vmul.f32 v28, v15;
	v21 =	vpop (erf)  }
0x29d: {  	v15 =	vmul.f32 v46, v44;
	v41 =	vld [tilespmem:s6+$0x30];
	v44 =	vadd.f32 v20, v45;
	v26 =	vadd.f32 v39, v26;
	[tilespmem:s8+$0x20] =	vst v13  }
0x29e: {  	v7 =	vmovc v22;
	v10 =	vmin.f32 v10, $8.000000000e+01;
	v45 =	vmul.f32 v28, v12;
	v12 =	vmul.f32 v28, v18;
	v39 =	vld [tilespmem:s10+$0x40];
	[tilespmem:s8+$0x30] =	vst v9  }
0x29f: {  	v47 =	vmul.f32 $1.442695020e+00, v10;
	v46 =	vmin.f32 v15, $8.000000000e+01;
	v18 =	vld [tilespmem:s6+$0x40];
	v48 =	vperm.xlane v26, v3;
	v22 =	vpop (erf);
	[tilespmem:s8+$0x40] =	vst v11  }
0x2a0: {  	v44 =	vadd.f32 v21, v44;
	v9 =	vmovc v23;
	v28 =	vmul.f32 $1.442695020e+00, v46;
	v42 =	vmul.f32 v43, v42;
	v43 =	vld [tilespmem:s10+$0x50];
	[tilespmem:s8+$0x50] =	vst v45  }
0x2a1: {  	v13 =	vmovc v25;
	v11 =	vmovc v24;
	v10 =	vmov v27;
	v23 =	vld [tilespmem:s6+$0x50];
	(erf) = vpow2.f32 v47;
	v45 =	vadd.f32 v26, v48;
	[tilespmem:s8+$0x60] =	vst v12  }
0x2a2: {  	v15 =	vmovc v29;
	v12 =	vmovc v30;
	v24 =	vmin.f32 v42, $8.000000000e+01;
	v25 =	vmul.f32 v41, v38;
	v27 =	vld [tilespmem:s10+$0x60];
	(erf) = vpow2.f32 v28  }
0x2a3: {  	v29 =	vadd.f32 v22, v44;
	v24 =	vmul.f32 $1.442695020e+00, v24;
	v28 =	vld [tilespmem:s6+$0x60];
	(erf) = vrcp.f32 v45;
	v26 =	vpop (erf)  }
0x2a4: {  	v30 =	vld [tilespmem:s6+$0xFFFFFF80];
	v25 =	vmin.f32 v25, $8.000000000e+01;
	v38 =	vmul.f32 v18, v39;
	v39 =	vmul.f32 v26, v8;
	v18 =	vmovc v33;
	v8 =	vmovc v31  }
0x2a5: {  	v31 =	vld [tilespmem:s10+$0xFFFFFF90];
	v25 =	vmul.f32 $1.442695020e+00, v25;
	(erf) = vpow2.f32 v24  }
0x2a6: {  	v33 =	vld [tilespmem:s6+$0xFFFFFF90];
	v24 =	vmin.f32 v38, $8.000000000e+01;
	v23 =	vmul.f32 v23, v43;
	v38 =	vperm.xlane v29, v0;
	[tilespmem:s8+$0xFFFFFF80] =	vst v39  }
0x2a7: {  	v39 =	vld [tilespmem:s10+$0xFFFFFF80];
	v24 =	vmul.f32 $1.442695020e+00, v24;
	(erf) = vpow2.f32 v25  }
0x2a8: {  	v25 =	vld [tilespmem:s10+$0xFFFFFFA0];
	v41 =	vmin.f32 v23, $8.000000000e+01;
	v27 =	vmul.f32 v28, v27;
	v28 =	vmul.f32 v40, v37  }
0x2a9: {  	v38 =	vadd.f32 v29, v38;
	v37 =	vld [tilespmem:s6+$0xFFFFFFA0];
	v40 =	vmul.f32 $1.442695020e+00, v41;
	(erf) = vpow2.f32 v24  }
0x2aa: {  	v44 =	vmul.f32 v26, v19;
	v43 =	vmul.f32 v26, v16;
	v29 =	vld [tilespmem:s10+$0xFFFFFFB0];
	v42 =	vmin.f32 v27, $8.000000000e+01;
	v23 =	vpop (erf)  }
0x2ab: {  	v27 =	vld [tilespmem:s6+$0xFFFFFFB0];
	v41 =	vmul.f32 $1.442695020e+00, v42;
	v42 =	vmin.f32 v28, $8.000000000e+01;
	v24 =	vpop (erf);
	(erf) = vpow2.f32 v40  }
0x2ac: {  	v16 =	vmov v35;
	v30 =	vmul.f32 v30, v39;
	v39 =	vld [tilespmem:s10+$0xFFFFFFC0];
	v40 =	vmul.f32 $1.442695020e+00, v42;
	v28 =	vpop (erf);
	[tilespmem:s8+$0xFFFFFF90] =	vst v43  }
0x2ad: {  	v19 =	vmovc v36;
	v42 =	vadd.f32 v24, v23;
	v35 =	vld [tilespmem:s6+$0xFFFFFFC0];
	(erf) = vpow2.f32 v41;
	v32 =	vmul.f32 v28, v32;
	[tilespmem:s8+$0xFFFFFFA0] =	vst v44  }
0x2ae: {  	v31 =	vmul.f32 v33, v31;
	s8 =	sadd.s32 $0x100, s8;
	v30 =	vmin.f32 v30, $8.000000000e+01;
	v33 =	vmul.f32 v37, v25;
	v36 =	vld [tilespmem:s10+$0xFFFFFFD0];
	v25 =	vpop (erf)  }
0x2af: {  	v30 =	vmul.f32 $1.442695020e+00, v30;
	v37 =	vld [tilespmem:s6+$0xFFFFFFD0];
	v41 =	vadd.f32 v25, v42;
	(erf) = vpow2.f32 v40;
	[tilespmem:s8+$0x70] =	vst v32  }
0x2b0: {  	v31 =	vmin.f32 v31, $8.000000000e+01;
	v32 =	vmin.f32 v33, $8.000000000e+01;
	v42 =	vmul.f32 v27, v29;
	v33 =	vld [tilespmem:s10+$0xFFFFFFE0];
	v27 =	vpop (erf)  }
0x2b1: {  	v31 =	vmul.f32 $1.442695020e+00, v31;
	v40 =	vld [tilespmem:s6+$0xFFFFFFE0];
	v41 =	vadd.f32 v27, v41;
	(erf) = vpow2.f32 v30  }
0x2b2: {  	v43 =	vmul.f32 $1.442695020e+00, v32;
	v32 =	vmin.f32 v42, $8.000000000e+01;
	v35 =	vmul.f32 v35, v39;
	v39 =	vld [tilespmem:s10+$0xFFFFFFF0];
	v29 =	vpop (erf)  }
0x2b3: {  	v32 =	vmul.f32 $1.442695020e+00, v32;
	v42 =	vld [tilespmem:s6+$0xFFFFFFF0];
	v41 =	vadd.f32 v29, v41;
	(erf) = vpow2.f32 v31  }
0x2b4: {  	v31 =	vmin.f32 v35, $8.000000000e+01;
	v35 =	vmul.f32 v37, v36;
	(erf) = vpow2.f32 v43;
	v30 =	vpop (erf)  }
0x2b5: {  	v31 =	vmul.f32 $1.442695020e+00, v31;
	v36 =	vadd.f32 v30, v41;
	(erf) = vpow2.f32 v32  }
0x2b6: {  	v37 =	vperm.xlane v38, v1;
	v43 =	vmin.f32 v35, $8.000000000e+01;
	v35 =	vmul.f32 v40, v33;
	v33 =	vpop (erf)  }
.Ltmp3:
0x2b7: {  	v40 =	vmul.f32 $1.442695020e+00, v43;
	v41 =	vadd.f32 v33, v36;
	(erf) = vpow2.f32 v31;
	(pc) =	sbr.rel @p1 .LBB2_8-.Ltmp3, $4  }
0x2b8: {  	v36 =	vadd.f32 v38, v37;
	v43 =	vmin.f32 v35, $8.000000000e+01;
	v35 =	vmul.f32 v42, v39;
	v32 =	vpop (erf)  }
0x2b9: {  	v37 =	vmul.f32 $1.442695020e+00, v43;
	v39 =	vadd.f32 v32, v41;
	(erf) = vpow2.f32 v40  }
0x2ba: {  	v38 =	vmul.f32 v26, v14;
	v40 =	vperm.xlane v36, v2;
	v35 =	vmin.f32 v35, $8.000000000e+01;
	v31 =	vpop (erf)  }
0x2bb: {  	s10 =	sadd.s32 $0x100, s10;
	v14 =	vmov v34;
	v41 =	vperm.xlane v39, v0;
	(erf) = vpow2.f32 v37  }
0x2bc: {  	v34 =	vpop (erf)  }
0x2bd: {  	v35 =	vmul.f32 $1.442695020e+00, v35;
	v37 =	vadd.f32 v34, v31  }
0x2be: {  	v42 =	vpop (erf);
	v60 =	vadd.f32 v39, v41  }
0x2bf: {  	(erf) = vpow2.f32 v35;
	v59 =	vadd.f32 v42, v37  }
0x2c0: {  	v39 =	vpop (erf);
	v41 =	vperm.xlane v60, v1  }
0x2c1: {  	v35 =	vadd.f32 v39, v59  }
0x2c2: {  	v43 =	vpop (erf)  }
0x2c3: {  	v35 =	vadd.f32 v43, v35  }
0x2c4: {  	v37 =	vadd.f32 v60, v41;
	v41 =	vpop (erf)  }
0x2c5: {  	v35 =	vadd.f32 v41, v35  }
0x2c6: {  	v36 =	vadd.f32 v36, v40;
	v61 =	vperm.xlane v37, v2;
	v44 =	vpop (erf)  }
0x2c7: {  	v35 =	vadd.f32 v44, v35  }
0x2c8: {  	v45 =	vperm.xlane v36, v3;
	v37 =	vadd.f32 v37, v61;
	v40 =	vpop (erf)  }
0x2c9: {  	v35 =	vadd.f32 v40, v35  }
0x2ca: {  	v4 =	vmul.f32 v26, v4;
	v36 =	vadd.f32 v36, v45;
	v62 =	vperm.xlane v37, v3  }
0x2cb: {  	v63 =	vperm.xlane v35, v0  }
0x2cc: {  	v6 =	vmul.f32 v26, v6;
	[tilespmem:s7+$0xFFFFFFC0] =	vst v4;
	(erf) = vrcp.f32 v36;
	v4 =	vadd.f32 v37, v62  }
0x2cd: {  	[tilespmem:s7+$0xFFFFFFB0] =	vst v38;
	v5 =	vmul.f32 v26, v5;
	v38 =	vadd.f32 v35, v63  }
0x2ce: {  	v9 =	vmul.f32 v28, v9;
	[tilespmem:s7+$0xFFFFFFD0] =	vst v6;
	(erf) = vrcp.f32 v4  }
0x2cf: {  	[tilespmem:s7+$0xFFFFFFE0] =	vst v5;
	v4 =	vmul.f32 v28, v11;
	v5 =	vperm.xlane v38, v1  }
0x2d0: {  	v46 =	vmul.f32 v28, v10;
	[tilespmem:s8+$0x0] =	vst v9  }
0x2d1: {  	v47 =	vmul.f32 v28, v12;
	[tilespmem:s8+$0x10] =	vst v4;
	v4 =	vadd.f32 v38, v5;
	v5 =	vmul.f32 v28, v15  }
0x2d2: {  	v48 =	vmul.f32 v28, v18;
	[tilespmem:s8+$0x30] =	vst v46  }
0x2d3: {  	[tilespmem:s8+$0x50] =	vst v47;
	v45 =	vmul.f32 v28, v13  }
0x2d4: {  	[tilespmem:s8+$0x60] =	vst v48;
	v37 =	vmul.f32 v26, v7;
	v7 =	vperm.xlane v4, v2  }
0x2d5: {  	[tilespmem:s8+$0x40] =	vst v5;
	v5 =	vpop (erf)  }
0x2d6: {  	[tilespmem:s8+$0x20] =	vst v45;
	v4 =	vadd.f32 v4, v7;
	v49 =	vmul.f32 v5, v8  }
0x2d7: {  	[tilespmem:s7+$0xFFFFFFF0] =	vst v37;
	v50 =	vmul.f32 v5, v16  }
0x2d8: {  	v51 =	vmul.f32 v5, v19;
	v53 =	vperm.xlane v4, v3;
	[tilespmem:s8+$0xFFFFFF80] =	vst v49  }
0x2d9: {  	v55 =	vmul.f32 v5, v14;
	[tilespmem:s8+$0xFFFFFF90] =	vst v50  }
0x2da: {  	v56 =	vmul.f32 v5, v17;
	[tilespmem:s8+$0xFFFFFFA0] =	vst v51;
	v4 =	vadd.f32 v4, v53  }
0x2db: {  	v52 =	vpop (erf);
	v57 =	vmul.f32 v5, v20;
	[tilespmem:s8+$0xFFFFFFB0] =	vst v55  }
0x2dc: {  	v54 =	vmul.f32 v52, v32;
	[tilespmem:s8+$0xFFFFFFC0] =	vst v56;
	(erf) = vrcp.f32 v4  }
0x2dd: {  	s6 =	sadd.s32 $0x100, s8;
	[tilespmem:s8+$0xFFFFFFD0] =	vst v57;
	v4 =	vmul.f32 v5, v21  }
0x2de: {  	v58 =	vmul.f32 v52, v23;
	[tilespmem:s6+$0x70] =	vst v54  }
0x2df: {  	[tilespmem:s8+$0xFFFFFFE0] =	vst v4;
	v4 =	vmul.f32 v52, v24  }
0x2e0: {  	[tilespmem:s6+$0x0] =	vst v58;
	v5 =	vmul.f32 v5, v22  }
0x2e1: {  	v59 =	vmul.f32 v52, v27;
	[tilespmem:s6+$0x10] =	vst v4;
	v4 =	vmul.f32 v52, v29  }
0x2e2: {  	[tilespmem:s8+$0xFFFFFFF0] =	vst v5;
	v5 =	vmul.f32 v52, v25  }
0x2e3: {  	[tilespmem:s6+$0x30] =	vst v59  }
0x2e4: {  	[tilespmem:s6+$0x20] =	vst v5;
	v5 =	vmul.f32 v52, v30  }
0x2e5: {  	v60 =	vmul.f32 v52, v33;
	[tilespmem:s6+$0x40] =	vst v4;
	v4 =	vpop (erf)  }
0x2e6: {  	[tilespmem:s6+$0x50] =	vst v5;
	v5 =	vmul.f32 v4, v31  }
0x2e7: {  	[tilespmem:s6+$0x60] =	vst v60;
	v61 =	vmul.f32 v4, v34  }
0x2e8: {  	[tilespmem:s6+$0xFFFFFF80] =	vst v5;
	v5 =	vmul.f32 v4, v42  }
0x2e9: {  	v62 =	vmul.f32 v4, v39;
	[tilespmem:s6+$0xFFFFFF90] =	vst v61  }
0x2ea: {  	[tilespmem:s6+$0xFFFFFFA0] =	vst v5;
	v5 =	vmul.f32 v4, v43  }
0x2eb: {  	v63 =	vmul.f32 v4, v41;
	[tilespmem:s6+$0xFFFFFFB0] =	vst v62  }
0x2ec: {  	[tilespmem:s6+$0xFFFFFFC0] =	vst v5;
	v5 =	vmul.f32 v4, v44  }
0x2ed: {  	[tilespmem:s6+$0xFFFFFFD0] =	vst v63;
	v4 =	vmul.f32 v4, v40  }
0x2ee: {  	[tilespmem:s6+$0xFFFFFFE0] =	vst v5  }
0x2ef: {  	[tilespmem:s6+$0xFFFFFFF0] =	vst v4  }
0x2f0: {  	s6 =	rddreg [dreg:$0x8]  }
0x2f1: {  	[hbm4b:s6+s3] =	stream.linear.scatter [tilespmem:s26], [sflag:$0x7], $0x800, $0x38;
	[tilespmem:$0x1F200] =	vst v63  }
0x2f2: {  	_ =	swait.ge [sflag:s12], $0x800  }
0x2f3: {  	[sflag:s12] =	ssyncset.done $0x0  }
0x2f4: {  	[sflag:s12] =	ssyncadd.s32 $0xFFFFF800  }
0x2f5: {  	_ =	swait.ge [sflag:s14], $0x1800  }
0x2f6: {  	s16 =	sadd.s32 $0x1, s16;
	s10 =	rddreg [dreg:$0x9]  }
0x2f7: {  	p1 =	sne.s32 s16, s10  }
.Ltmp4:
0x2f8: {  	_ = 	snop;
	(pc) =	sbr.rel @p1 .LBB2_1-.Ltmp4, $3  }
0x2f9: {  	_ =	sdelay $0x1  }
0x2fa: {  	[sflag:s14] =	ssyncset.done $0x0  }
0x2fb: {  	[sflag:s14] =	ssyncadd.s32 $0xFFFFE800  }
0x2fc: {  	_ =	sfence.sel $0x180000  }
0x2fd: {  	[bflag:$0x0] =	sbarrier.arrive $0xFFFF  }
0x2fe: {  	_ =	strace $0x90000047  }
0x2ff: {  	[bflag:$0x2] =	sbarrier.arrive $0xFFFF  }
0x300: {  	s0 =	rddreg [dreg:$0x4]  }
0x301: {  	s0 =	sadd.s32 @!p0 $0x100000, s0  }
0x302: {  	[sflag:s0] =	ssyncadd.tile.s32 @!p0 $0x1;
	_ =	shalt  }
.Lfunc_end2:
_tile_overlayer_lowered:
.L_overlay_start_2:
0x303: {  	(tag) =	ssettag $0x2  }
0x304: {  	s0 =	rddreg [dreg:$0x0];
	s2 =	stileid.u32  }
0x305: {  	s1 =	rddreg [dreg:$0x1];
	p0 =	sne.s32 s2, $0x0  }
0x306: {  	s3 =	rddreg [dreg:$0x2];
	[bflag:$0x3] =	sbarrier.arrive $0xFFFF;
	s2 =	simm.s32 @!p0 $0x1C07  }
0x307: {  	[timem:s3], [sflag:s2] =	dma.local @!p0 [hbm:s0], s1  }
0x308: {  	s0 =	simm.s32 @!p0 $0x7  }
0x309: {  	_ =	swait.ge @!p0 [sflag:s0], s1  }
0x30a: {  	s1 =	ssub.s32 @!p0 $0x0, s1;
	[sflag:s0] =	ssyncset.done @!p0 $0x0  }
0x30b: {  	[sflag:s0] =	ssyncadd.s32 @!p0 s1  }
0x30c: {  	[bflag:$0x3] =	sbarrier.arrive $0xFFFF  }
0x30d: {  	_ =	shalt  }

</sc_bundles>
